<compile_context>
chip_gen: v7x
topology: tpu7x:2x2x1
jax: 0.10.2.dev20260603
libtpu: 0.0.44.dev20260713+nightly
codegen_flags: <defaults>
</compile_context>

<pallas_src>
import functools

import jax
import jax.numpy as jnp
from jax import lax
from jax.experimental import pallas as pl
from jax.experimental.pallas import tpu as pltpu
from jax.experimental.pallas import tpu_sc as plsc

N = 10000
E = 320000
NC, NS = 2, 16
B = 128
KSUM = 158
TOTCH = NS * KSUM
TOTCHP = TOTCH + 62
NROWS = 10240
RPT = NROWS // NS
RC = RPT // B

_MESH = plsc.VectorSubcoreMesh(core_axis_name="c", subcore_axis_name="s")


def _make_agg(F, KF, KS):

    @functools.partial(
        pl.kernel,
        out_type=jax.ShapeDtypeStruct((NC, NROWS, F), jnp.float32),
        mesh=_MESH,
        compiler_params=pltpu.CompilerParams(use_tc_tiling_on_sc=False),
        scratch_types=[
            pltpu.VMEM((KF, B), jnp.int32),
            pltpu.VMEM((KF, B), jnp.int32),
            pltpu.VMEM((2, B, F), jnp.float32),
            pltpu.VMEM_SHARED((NROWS, F), jnp.float32),
            pltpu.SemaphoreType.DMA,
            pltpu.SemaphoreType.DMA,
        ],
    )
    def agg(rows_hbm, cols_hbm, y_hbm, zeros_hbm, out_hbm,
            idxr, idxc, gbuf, acc, sem0, sem1):
        c = lax.axis_index("c")
        s = lax.axis_index("s")
        off = jnp.where(c == 0, s * KF, NS * KF + s * KS)
        kc = jnp.where(c == 0, KF, KS)
        pltpu.sync_copy(rows_hbm.at[pl.ds(off, KF)], idxr)
        pltpu.sync_copy(cols_hbm.at[pl.ds(off, KF)], idxc)
        pltpu.sync_copy(zeros_hbm, gbuf.at[0])
        for i in range(RC):
            pltpu.sync_copy(gbuf.at[0], acc.at[pl.ds(s * RPT + i * B, B)])
        plsc.subcore_barrier()

        def body(q, carry):
            j = 2 * q
            g0 = pltpu.async_copy(y_hbm.at[idxr.at[j]], gbuf.at[0], sem0)
            g1 = pltpu.async_copy(y_hbm.at[idxr.at[j + 1]], gbuf.at[1], sem1)
            g0.wait()
            pltpu.sync_copy(gbuf.at[0], acc.at[idxc.at[j]], add=True)
            g1.wait()
            pltpu.sync_copy(gbuf.at[1], acc.at[idxc.at[j + 1]], add=True)
            return carry

        lax.fori_loop(0, kc // 2, body, 0)
        plsc.subcore_barrier()
        for i in range(RC):
            pltpu.sync_copy(acc.at[pl.ds(s * RPT + i * B, B)], gbuf.at[0])
            pltpu.sync_copy(gbuf.at[0],
                            out_hbm.at[c, pl.ds(s * RPT + i * B, B)])

    return agg


_agg64 = _make_agg(64, 110, 48)
_agg32 = _make_agg(32, 98, 60)


DKF, DKS = 96, 62


@functools.partial(
    pl.kernel,
    out_type=jax.ShapeDtypeStruct((NC, NROWS, 8), jnp.float32),
    mesh=_MESH,
    compiler_params=pltpu.CompilerParams(use_tc_tiling_on_sc=False),
    scratch_types=[
        pltpu.VMEM((DKF, B), jnp.int32),
        pltpu.VMEM((B, 8), jnp.float32),
        pltpu.VMEM((B, 8), jnp.float32),
        pltpu.VMEM_SHARED((NROWS, 8), jnp.float32),
        pltpu.SemaphoreType.DMA,
    ],
)
def _deg(cols_hbm, ones_hbm, zeros_hbm, out_hbm, idxc, ones_v, zbuf, acc, sem):
    c = lax.axis_index("c")
    s = lax.axis_index("s")
    off = jnp.where(c == 0, s * DKF, NS * DKF + s * DKS)
    kc = jnp.where(c == 0, DKF, DKS)
    pltpu.sync_copy(cols_hbm.at[pl.ds(off, DKF)], idxc)
    pltpu.sync_copy(ones_hbm, ones_v)
    pltpu.sync_copy(zeros_hbm, zbuf)
    for i in range(RC):
        pltpu.sync_copy(zbuf, acc.at[pl.ds(s * RPT + i * B, B)])
    plsc.subcore_barrier()

    def body(j, carry):
        pltpu.async_copy(ones_v, acc.at[idxc.at[j]], sem, add=True)
        return carry

    lax.fori_loop(0, kc, body, 0)

    def drain(j, carry):
        pltpu.make_async_copy(ones_v, acc.at[idxc.at[0]], sem).wait()
        return carry

    lax.fori_loop(0, kc, drain, 0)
    plsc.subcore_barrier()
    for i in range(RC):
        pltpu.sync_copy(acc.at[pl.ds(s * RPT + i * B, B)], zbuf)
        pltpu.sync_copy(zbuf, out_hbm.at[c, pl.ds(s * RPT + i * B, B)])


def _mm1_body(x_ref, w_ref, d0_ref, d1_ref, y_ref, d_ref):
    d = lax.rsqrt(d0_ref[...] + d1_ref[...] + 1.0)
    xw = jnp.dot(x_ref[...], w_ref[...], preferred_element_type=jnp.float32)
    y_ref[...] = xw * d
    d_ref[...] = d


_mm1 = pl.pallas_call(
    _mm1_body,
    out_shape=(jax.ShapeDtypeStruct((N, 64), jnp.float32),
               jax.ShapeDtypeStruct((N, 1), jnp.float32)),
)


def _mm2_body(p0_ref, p1_ref, y1_ref, d_ref, b_ref, a_ref, w_ref, y2_ref):
    d = d_ref[...]
    t = d * (p0_ref[...] + p1_ref[...] + y1_ref[...]) + b_ref[...]
    h = jnp.where(t >= 0, t, a_ref[0, 0] * t)
    y2_ref[...] = d * jnp.dot(h, w_ref[...],
                              preferred_element_type=jnp.float32)


_mm2 = pl.pallas_call(
    _mm2_body,
    out_shape=jax.ShapeDtypeStruct((N, 32), jnp.float32),
)


def _fin_body(p0_ref, p1_ref, y2_ref, d_ref, b_ref, a_ref, o_ref):
    t = d_ref[...] * (p0_ref[...] + p1_ref[...] + y2_ref[...]) + b_ref[...]
    o_ref[...] = jnp.where(t >= 0, t, a_ref[0, 0] * t)


_fin = pl.pallas_call(
    _fin_body,
    out_shape=jax.ShapeDtypeStruct((N, 32), jnp.float32),
)


def kernel(x, edge_idx, W1, b1, W2, b2, a1, a2):
    row = edge_idx[0].astype(jnp.int32)
    col = edge_idx[1].astype(jnp.int32)
    pad = TOTCHP * B - E
    rowp = jnp.concatenate([row, jnp.zeros((pad,), jnp.int32)]).reshape(TOTCHP, B)
    colp = jnp.concatenate([col, jnp.full((pad,), N, jnp.int32)]).reshape(TOTCHP, B)
    ones8 = jnp.ones((B, 8), jnp.float32)
    z8 = jnp.zeros((B, 8), jnp.float32)
    z64 = jnp.zeros((B, 64), jnp.float32)
    z32 = jnp.zeros((B, 32), jnp.float32)

    degp = _deg(colp, ones8, z8)
    y1, d = _mm1(x, W1, degp[0, :N, 0:1], degp[1, :N, 0:1])
    p1 = _agg64(rowp, colp, y1, z64)
    y2 = _mm2(p1[0, :N], p1[1, :N], y1, d,
              b1.reshape(1, 64), a1.reshape(1, 1), W2)
    p2 = _agg32(rowp, colp, y2, z32)
    return _fin(p2[0, :N], p2[1, :N], y2, d,
                b2.reshape(1, 32), a2.reshape(1, 1))

# --- scband reference (transcript-rebuilt; emitter-appended) ---
"""Pipeline reference for scband-gnnextractor-layer-29875792511216 (READ-ONLY COPY).

The authoritative reference and input builder live on the scoring server;
editing this copy changes nothing except your own understanding.
"""

import jax, jax.numpy as jnp
import numpy as np

N_NODES = 10000
N_EDGES = 320000


def prelu(x, a):
    return jnp.where(x >= 0, x, a * x)


def gcn_conv(x, edge_index, W, b):
    n = x.shape[0]
    row = edge_index[0]
    col = edge_index[1]
    # add self loops (PyG GCNConv default add_self_loops=True)
    loop = jnp.arange(n, dtype=edge_index.dtype)
    row = jnp.concatenate([row, loop])
    col = jnp.concatenate([col, loop])
    # symmetric gcn normalization: deg over target (col), norm = d^-1/2[row]*d^-1/2[col]
    deg = jnp.zeros((n,), dtype=x.dtype).at[col].add(1.0)
    deg_inv_sqrt = jnp.where(deg > 0, deg ** -0.5, 0.0)
    norm = deg_inv_sqrt[row] * deg_inv_sqrt[col]
    xw = x @ W
    msg = xw[row] * norm[:, None]
    out = jnp.zeros((n, W.shape[1]), dtype=x.dtype).at[col].add(msg)
    return out + b


def setup_inputs(seed: int = 0) -> dict:
    key = jax.random.key(seed)
    k_x, k_e, k_w1, k_b1, k_w2, k_b2 = jax.random.split(key, 6)
    x = jax.random.normal(k_x, (N_NODES, 128), dtype=jnp.float32)
    edge_idx = jax.random.randint(k_e, (2, N_EDGES), 0, N_NODES, dtype=jnp.int64)
    # layer params: GCNConv(128->64), GCNConv(64->32), glorot-ish init
    W1 = jax.random.normal(k_w1, (128, 64), dtype=jnp.float32) * (2.0 / (128 + 64)) ** 0.5
    b1 = jnp.zeros((64,), dtype=jnp.float32)
    W2 = jax.random.normal(k_w2, (64, 32), dtype=jnp.float32) * (2.0 / (64 + 32)) ** 0.5
    b2 = jnp.zeros((32,), dtype=jnp.float32)
    a1 = jnp.array(0.25, dtype=jnp.float32)
    a2 = jnp.array(0.25, dtype=jnp.float32)
    return {"x": x, "edge_idx": edge_idx, "W1": W1, "b1": b1, "W2": W2, "b2": b2, "a1": a1, "a2": a2}


def reference(x, edge_idx, W1, b1, W2, b2, a1, a2):
    h = gcn_conv(x, edge_idx, W1, b1)
    h = prelu(h, a1)
    h = gcn_conv(h, edge_idx, W2, b2)
    h = prelu(h, a2)
    return h

if __name__ == "__main__":
    import jax
    _d = setup_inputs()
    print(jax.jit(kernel)(*tuple(_d.values())))

</pallas_src>

<mosaic_0001>
#map = affine_map<(d0, d1) -> (0, 0)>
#map1 = affine_map<(d0, d1) -> (0, 0, 0)>
module attributes {stable_mosaic.version = 14 : i64} {
  func.func @agg(%arg0: i32, %arg1: i32, %arg2: memref<2590x128xi32, #tpu.memory_space<hbm>>, %arg3: memref<2590x128xi32, #tpu.memory_space<hbm>>, %arg4: memref<10000x32xf32, #tpu.memory_space<hbm>>, %arg5: memref<128x32xf32, #tpu.memory_space<hbm>>, %arg6: memref<2x10240x32xf32, #tpu.memory_space<hbm>>, %arg7: memref<98x128xi32, #tpu.memory_space<vmem>>, %arg8: memref<98x128xi32, #tpu.memory_space<vmem>>, %arg9: memref<2x128x32xf32, #tpu.memory_space<vmem>>, %arg10: memref<10240x32xf32, #tpu.memory_space<vmem_shared>>, %arg11: memref<!tpu.dma_semaphore, #tpu.memory_space<semaphore_mem>>, %arg12: memref<!tpu.dma_semaphore, #tpu.memory_space<semaphore_mem>>) attributes {dimension_semantics = [#tpu.dimension_semantics<core_parallel>, #tpu.dimension_semantics<subcore_parallel>], iteration_bounds = array<i64: 2, 16>, scalar_prefetch = 0 : i64, scratch_operands = 6 : i64, tpu.core_type = #tpu.core_type<sc_vector_subcore>, window_params = [{transform_indices = #map}, {transform_indices = #map}, {transform_indices = #map}, {transform_indices = #map}, {transform_indices = #map1}]} {
    %eq3A = arith.constant 0 : i32
    %eq3A_0 = arith.cmpi eq, %arg0, %eq3A : i32
    %mul3A = arith.constant 98 : i32
    %mul3A_1 = arith.muli %arg1, %mul3A : i32
    %mul3A_2 = arith.constant 60 : i32
    %mul3A_3 = arith.muli %arg1, %mul3A_2 : i32
    %add3A = arith.constant 1568 : i32
    %add3A_4 = arith.addi %add3A, %mul3A_3 : i32
    %select_n3A = arith.select %eq3A_0, %mul3A_1, %add3A_4 : i32
    %eq3A_5 = arith.constant 0 : i32
    %eq3A_6 = arith.cmpi eq, %arg0, %eq3A_5 : i32
    %jit3A = arith.constant 98 : i32
    %jit3A_7 = arith.constant 60 : i32
    %select_n3A_8 = arith.select %eq3A_6, %jit3A, %jit3A_7 : i32
    "tpu.region"() ({
      %run_scoped3A_112 = tpu.sem_alloc : memref<!tpu.dma_semaphore, #tpu.memory_space<semaphore_mem>>
      %dma_start3A = arith.constant 0 : i32
      %dma_start3A_113 = tpu.memref_slice %arg2[%select_n3A, %dma_start3A] : memref<2590x128xi32, #tpu.memory_space<hbm>> -> memref<98x128xi32, #tpu.memory_space<hbm>>
      %dma_start3A_114 = arith.constant 0 : i32
      %dma_start3A_115 = tpu.memref_slice %arg2[%select_n3A, %dma_start3A_114] : memref<2590x128xi32, #tpu.memory_space<hbm>> -> memref<98x128xi32, #tpu.memory_space<hbm>>
      tpu.enqueue_dma source(%dma_start3A_115 : memref<98x128xi32, #tpu.memory_space<hbm>>) target(%arg7 : memref<98x128xi32, #tpu.memory_space<vmem>>) target_semaphore(%run_scoped3A_112 : memref<!tpu.dma_semaphore, #tpu.memory_space<semaphore_mem>>)
      %dma_wait3A = arith.constant 0 : i32
      %dma_wait3A_116 = tpu.memref_slice %arg2[%select_n3A, %dma_wait3A] : memref<2590x128xi32, #tpu.memory_space<hbm>> -> memref<98x128xi32, #tpu.memory_space<hbm>>
      %dma_wait3A_117 = arith.constant 0 : i32
      %dma_wait3A_118 = tpu.memref_slice %arg2[%select_n3A, %dma_wait3A_117] : memref<2590x128xi32, #tpu.memory_space<hbm>> -> memref<98x128xi32, #tpu.memory_space<hbm>>
      tpu.wait_dma2 semaphore(%run_scoped3A_112 : memref<!tpu.dma_semaphore, #tpu.memory_space<semaphore_mem>>) src(%dma_wait3A_118 : memref<98x128xi32, #tpu.memory_space<hbm>>) dst(%arg7 : memref<98x128xi32, #tpu.memory_space<vmem>>)
      tpu.yield
    }) : () -> ()
    "tpu.region"() ({
      %run_scoped3A_112 = tpu.sem_alloc : memref<!tpu.dma_semaphore, #tpu.memory_space<semaphore_mem>>
      %dma_start3A = arith.constant 0 : i32
      %dma_start3A_113 = tpu.memref_slice %arg3[%select_n3A, %dma_start3A] : memref<2590x128xi32, #tpu.memory_space<hbm>> -> memref<98x128xi32, #tpu.memory_space<hbm>>
      %dma_start3A_114 = arith.constant 0 : i32
      %dma_start3A_115 = tpu.memref_slice %arg3[%select_n3A, %dma_start3A_114] : memref<2590x128xi32, #tpu.memory_space<hbm>> -> memref<98x128xi32, #tpu.memory_space<hbm>>
      tpu.enqueue_dma source(%dma_start3A_115 : memref<98x128xi32, #tpu.memory_space<hbm>>) target(%arg8 : memref<98x128xi32, #tpu.memory_space<vmem>>) target_semaphore(%run_scoped3A_112 : memref<!tpu.dma_semaphore, #tpu.memory_space<semaphore_mem>>)
      %dma_wait3A = arith.constant 0 : i32
      %dma_wait3A_116 = tpu.memref_slice %arg3[%select_n3A, %dma_wait3A] : memref<2590x128xi32, #tpu.memory_space<hbm>> -> memref<98x128xi32, #tpu.memory_space<hbm>>
      %dma_wait3A_117 = arith.constant 0 : i32
      %dma_wait3A_118 = tpu.memref_slice %arg3[%select_n3A, %dma_wait3A_117] : memref<2590x128xi32, #tpu.memory_space<hbm>> -> memref<98x128xi32, #tpu.memory_space<hbm>>
      tpu.wait_dma2 semaphore(%run_scoped3A_112 : memref<!tpu.dma_semaphore, #tpu.memory_space<semaphore_mem>>) src(%dma_wait3A_118 : memref<98x128xi32, #tpu.memory_space<hbm>>) dst(%arg8 : memref<98x128xi32, #tpu.memory_space<vmem>>)
      tpu.yield
    }) : () -> ()
    %run_scoped3A = arith.constant 0 : i32
    "tpu.region"() ({
      %run_scoped3A_112 = tpu.sem_alloc : memref<!tpu.dma_semaphore, #tpu.memory_space<semaphore_mem>>
      %dma_start3A = arith.constant 0 : i32
      %dma_start3A_113 = arith.constant 0 : i32
      %dma_start3A_114 = tpu.memref_slice %arg9[%run_scoped3A, %dma_start3A, %dma_start3A_113] : memref<2x128x32xf32, #tpu.memory_space<vmem>> -> memref<1x128x32xf32, #tpu.memory_space<vmem>>
      %dma_start3A_115 = tpu.memref_squeeze %dma_start3A_114 : memref<1x128x32xf32, #tpu.memory_space<vmem>> -> memref<128x32xf32, #tpu.memory_space<vmem>>
      %dma_start3A_116 = arith.constant 0 : i32
      %dma_start3A_117 = arith.constant 0 : i32
      %dma_start3A_118 = tpu.memref_slice %arg9[%run_scoped3A, %dma_start3A_116, %dma_start3A_117] : memref<2x128x32xf32, #tpu.memory_space<vmem>> -> memref<1x128x32xf32, #tpu.memory_space<vmem>>
      %dma_start3A_119 = tpu.memref_squeeze %dma_start3A_118 : memref<1x128x32xf32, #tpu.memory_space<vmem>> -> memref<128x32xf32, #tpu.memory_space<vmem>>
      tpu.enqueue_dma source(%arg5 : memref<128x32xf32, #tpu.memory_space<hbm>>) target(%dma_start3A_119 : memref<128x32xf32, #tpu.memory_space<vmem>>) target_semaphore(%run_scoped3A_112 : memref<!tpu.dma_semaphore, #tpu.memory_space<semaphore_mem>>)
      %dma_wait3A = arith.constant 0 : i32
      %dma_wait3A_120 = arith.constant 0 : i32
      %dma_wait3A_121 = tpu.memref_slice %arg9[%run_scoped3A, %dma_wait3A, %dma_wait3A_120] : memref<2x128x32xf32, #tpu.memory_space<vmem>> -> memref<1x128x32xf32, #tpu.memory_space<vmem>>
      %dma_wait3A_122 = tpu.memref_squeeze %dma_wait3A_121 : memref<1x128x32xf32, #tpu.memory_space<vmem>> -> memref<128x32xf32, #tpu.memory_space<vmem>>
      %dma_wait3A_123 = arith.constant 0 : i32
      %dma_wait3A_124 = arith.constant 0 : i32
      %dma_wait3A_125 = tpu.memref_slice %arg9[%run_scoped3A, %dma_wait3A_123, %dma_wait3A_124] : memref<2x128x32xf32, #tpu.memory_space<vmem>> -> memref<1x128x32xf32, #tpu.memory_space<vmem>>
      %dma_wait3A_126 = tpu.memref_squeeze %dma_wait3A_125 : memref<1x128x32xf32, #tpu.memory_space<vmem>> -> memref<128x32xf32, #tpu.memory_space<vmem>>
      tpu.wait_dma2 semaphore(%run_scoped3A_112 : memref<!tpu.dma_semaphore, #tpu.memory_space<semaphore_mem>>) src(%arg5 : memref<128x32xf32, #tpu.memory_space<hbm>>) dst(%dma_wait3A_126 : memref<128x32xf32, #tpu.memory_space<vmem>>)
      tpu.yield
    }) : () -> ()
    %mul3A_9 = arith.constant 640 : i32
    %mul3A_10 = arith.muli %arg1, %mul3A_9 : i32
    %add3A_11 = arith.constant 0 : i32
    %add3A_12 = arith.addi %mul3A_10, %add3A_11 : i32
    %run_scoped3A_13 = arith.constant 0 : i32
    "tpu.region"() ({
      %run_scoped3A_112 = tpu.sem_alloc : memref<!tpu.dma_semaphore, #tpu.memory_space<semaphore_mem>>
      %dma_start3A = arith.constant 0 : i32
      %dma_start3A_113 = arith.constant 0 : i32
      %dma_start3A_114 = tpu.memref_slice %arg9[%run_scoped3A_13, %dma_start3A, %dma_start3A_113] : memref<2x128x32xf32, #tpu.memory_space<vmem>> -> memref<1x128x32xf32, #tpu.memory_space<vmem>>
      %dma_start3A_115 = tpu.memref_squeeze %dma_start3A_114 : memref<1x128x32xf32, #tpu.memory_space<vmem>> -> memref<128x32xf32, #tpu.memory_space<vmem>>
      %dma_start3A_116 = arith.constant 0 : i32
      %dma_start3A_117 = tpu.memref_slice %arg10[%add3A_12, %dma_start3A_116] : memref<10240x32xf32, #tpu.memory_space<vmem_shared>> -> memref<128x32xf32, #tpu.memory_space<vmem_shared>>
      %dma_start3A_118 = arith.constant 0 : i32
      %dma_start3A_119 = tpu.memref_slice %arg10[%add3A_12, %dma_start3A_118] : memref<10240x32xf32, #tpu.memory_space<vmem_shared>> -> memref<128x32xf32, #tpu.memory_space<vmem_shared>>
      %dma_start3A_120 = arith.constant 0 : i32
      %dma_start3A_121 = arith.constant 0 : i32
      %dma_start3A_122 = tpu.memref_slice %arg9[%run_scoped3A_13, %dma_start3A_120, %dma_start3A_121] : memref<2x128x32xf32, #tpu.memory_space<vmem>> -> memref<1x128x32xf32, #tpu.memory_space<vmem>>
      %dma_start3A_123 = tpu.memref_squeeze %dma_start3A_122 : memref<1x128x32xf32, #tpu.memory_space<vmem>> -> memref<128x32xf32, #tpu.memory_space<vmem>>
      tpu.enqueue_dma source(%dma_start3A_123 : memref<128x32xf32, #tpu.memory_space<vmem>>) target(%dma_start3A_119 : memref<128x32xf32, #tpu.memory_space<vmem_shared>>) target_semaphore(%run_scoped3A_112 : memref<!tpu.dma_semaphore, #tpu.memory_space<semaphore_mem>>)
      %dma_wait3A = arith.constant 0 : i32
      %dma_wait3A_124 = arith.constant 0 : i32
      %dma_wait3A_125 = tpu.memref_slice %arg9[%run_scoped3A_13, %dma_wait3A, %dma_wait3A_124] : memref<2x128x32xf32, #tpu.memory_space<vmem>> -> memref<1x128x32xf32, #tpu.memory_space<vmem>>
      %dma_wait3A_126 = tpu.memref_squeeze %dma_wait3A_125 : memref<1x128x32xf32, #tpu.memory_space<vmem>> -> memref<128x32xf32, #tpu.memory_space<vmem>>
      %dma_wait3A_127 = arith.constant 0 : i32
      %dma_wait3A_128 = tpu.memref_slice %arg10[%add3A_12, %dma_wait3A_127] : memref<10240x32xf32, #tpu.memory_space<vmem_shared>> -> memref<128x32xf32, #tpu.memory_space<vmem_shared>>
      %dma_wait3A_129 = arith.constant 0 : i32
      %dma_wait3A_130 = tpu.memref_slice %arg10[%add3A_12, %dma_wait3A_129] : memref<10240x32xf32, #tpu.memory_space<vmem_shared>> -> memref<128x32xf32, #tpu.memory_space<vmem_shared>>
      %dma_wait3A_131 = arith.constant 0 : i32
      %dma_wait3A_132 = arith.constant 0 : i32
      %dma_wait3A_133 = tpu.memref_slice %arg9[%run_scoped3A_13, %dma_wait3A_131, %dma_wait3A_132] : memref<2x128x32xf32, #tpu.memory_space<vmem>> -> memref<1x128x32xf32, #tpu.memory_space<vmem>>
      %dma_wait3A_134 = tpu.memref_squeeze %dma_wait3A_133 : memref<1x128x32xf32, #tpu.memory_space<vmem>> -> memref<128x32xf32, #tpu.memory_space<vmem>>
      tpu.wait_dma2 semaphore(%run_scoped3A_112 : memref<!tpu.dma_semaphore, #tpu.memory_space<semaphore_mem>>) src(%dma_wait3A_134 : memref<128x32xf32, #tpu.memory_space<vmem>>) dst(%dma_wait3A_130 : memref<128x32xf32, #tpu.memory_space<vmem_shared>>)
      tpu.yield
    }) : () -> ()
    %mul3A_14 = arith.constant 640 : i32
    %mul3A_15 = arith.muli %arg1, %mul3A_14 : i32
    %add3A_16 = arith.constant 128 : i32
    %add3A_17 = arith.addi %mul3A_15, %add3A_16 : i32
    %run_scoped3A_18 = arith.constant 0 : i32
    "tpu.region"() ({
      %run_scoped3A_112 = tpu.sem_alloc : memref<!tpu.dma_semaphore, #tpu.memory_space<semaphore_mem>>
      %dma_start3A = arith.constant 0 : i32
      %dma_start3A_113 = arith.constant 0 : i32
      %dma_start3A_114 = tpu.memref_slice %arg9[%run_scoped3A_18, %dma_start3A, %dma_start3A_113] : memref<2x128x32xf32, #tpu.memory_space<vmem>> -> memref<1x128x32xf32, #tpu.memory_space<vmem>>
      %dma_start3A_115 = tpu.memref_squeeze %dma_start3A_114 : memref<1x128x32xf32, #tpu.memory_space<vmem>> -> memref<128x32xf32, #tpu.memory_space<vmem>>
      %dma_start3A_116 = arith.constant 0 : i32
      %dma_start3A_117 = tpu.memref_slice %arg10[%add3A_17, %dma_start3A_116] : memref<10240x32xf32, #tpu.memory_space<vmem_shared>> -> memref<128x32xf32, #tpu.memory_space<vmem_shared>>
      %dma_start3A_118 = arith.constant 0 : i32
      %dma_start3A_119 = tpu.memref_slice %arg10[%add3A_17, %dma_start3A_118] : memref<10240x32xf32, #tpu.memory_space<vmem_shared>> -> memref<128x32xf32, #tpu.memory_space<vmem_shared>>
      %dma_start3A_120 = arith.constant 0 : i32
      %dma_start3A_121 = arith.constant 0 : i32
      %dma_start3A_122 = tpu.memref_slice %arg9[%run_scoped3A_18, %dma_start3A_120, %dma_start3A_121] : memref<2x128x32xf32, #tpu.memory_space<vmem>> -> memref<1x128x32xf32, #tpu.memory_space<vmem>>
      %dma_start3A_123 = tpu.memref_squeeze %dma_start3A_122 : memref<1x128x32xf32, #tpu.memory_space<vmem>> -> memref<128x32xf32, #tpu.memory_space<vmem>>
      tpu.enqueue_dma source(%dma_start3A_123 : memref<128x32xf32, #tpu.memory_space<vmem>>) target(%dma_start3A_119 : memref<128x32xf32, #tpu.memory_space<vmem_shared>>) target_semaphore(%run_scoped3A_112 : memref<!tpu.dma_semaphore, #tpu.memory_space<semaphore_mem>>)
      %dma_wait3A = arith.constant 0 : i32
      %dma_wait3A_124 = arith.constant 0 : i32
      %dma_wait3A_125 = tpu.memref_slice %arg9[%run_scoped3A_18, %dma_wait3A, %dma_wait3A_124] : memref<2x128x32xf32, #tpu.memory_space<vmem>> -> memref<1x128x32xf32, #tpu.memory_space<vmem>>
      %dma_wait3A_126 = tpu.memref_squeeze %dma_wait3A_125 : memref<1x128x32xf32, #tpu.memory_space<vmem>> -> memref<128x32xf32, #tpu.memory_space<vmem>>
      %dma_wait3A_127 = arith.constant 0 : i32
      %dma_wait3A_128 = tpu.memref_slice %arg10[%add3A_17, %dma_wait3A_127] : memref<10240x32xf32, #tpu.memory_space<vmem_shared>> -> memref<128x32xf32, #tpu.memory_space<vmem_shared>>
      %dma_wait3A_129 = arith.constant 0 : i32
      %dma_wait3A_130 = tpu.memref_slice %arg10[%add3A_17, %dma_wait3A_129] : memref<10240x32xf32, #tpu.memory_space<vmem_shared>> -> memref<128x32xf32, #tpu.memory_space<vmem_shared>>
      %dma_wait3A_131 = arith.constant 0 : i32
      %dma_wait3A_132 = arith.constant 0 : i32
      %dma_wait3A_133 = tpu.memref_slice %arg9[%run_scoped3A_18, %dma_wait3A_131, %dma_wait3A_132] : memref<2x128x32xf32, #tpu.memory_space<vmem>> -> memref<1x128x32xf32, #tpu.memory_space<vmem>>
      %dma_wait3A_134 = tpu.memref_squeeze %dma_wait3A_133 : memref<1x128x32xf32, #tpu.memory_space<vmem>> -> memref<128x32xf32, #tpu.memory_space<vmem>>
      tpu.wait_dma2 semaphore(%run_scoped3A_112 : memref<!tpu.dma_semaphore, #tpu.memory_space<semaphore_mem>>) src(%dma_wait3A_134 : memref<128x32xf32, #tpu.memory_space<vmem>>) dst(%dma_wait3A_130 : memref<128x32xf32, #tpu.memory_space<vmem_shared>>)
      tpu.yield
    }) : () -> ()
    %mul3A_19 = arith.constant 640 : i32
    %mul3A_20 = arith.muli %arg1, %mul3A_19 : i32
    %add3A_21 = arith.constant 256 : i32
    %add3A_22 = arith.addi %mul3A_20, %add3A_21 : i32
    %run_scoped3A_23 = arith.constant 0 : i32
    "tpu.region"() ({
      %run_scoped3A_112 = tpu.sem_alloc : memref<!tpu.dma_semaphore, #tpu.memory_space<semaphore_mem>>
      %dma_start3A = arith.constant 0 : i32
      %dma_start3A_113 = arith.constant 0 : i32
      %dma_start3A_114 = tpu.memref_slice %arg9[%run_scoped3A_23, %dma_start3A, %dma_start3A_113] : memref<2x128x32xf32, #tpu.memory_space<vmem>> -> memref<1x128x32xf32, #tpu.memory_space<vmem>>
      %dma_start3A_115 = tpu.memref_squeeze %dma_start3A_114 : memref<1x128x32xf32, #tpu.memory_space<vmem>> -> memref<128x32xf32, #tpu.memory_space<vmem>>
      %dma_start3A_116 = arith.constant 0 : i32
      %dma_start3A_117 = tpu.memref_slice %arg10[%add3A_22, %dma_start3A_116] : memref<10240x32xf32, #tpu.memory_space<vmem_shared>> -> memref<128x32xf32, #tpu.memory_space<vmem_shared>>
      %dma_start3A_118 = arith.constant 0 : i32
      %dma_start3A_119 = tpu.memref_slice %arg10[%add3A_22, %dma_start3A_118] : memref<10240x32xf32, #tpu.memory_space<vmem_shared>> -> memref<128x32xf32, #tpu.memory_space<vmem_shared>>
      %dma_start3A_120 = arith.constant 0 : i32
      %dma_start3A_121 = arith.constant 0 : i32
      %dma_start3A_122 = tpu.memref_slice %arg9[%run_scoped3A_23, %dma_start3A_120, %dma_start3A_121] : memref<2x128x32xf32, #tpu.memory_space<vmem>> -> memref<1x128x32xf32, #tpu.memory_space<vmem>>
      %dma_start3A_123 = tpu.memref_squeeze %dma_start3A_122 : memref<1x128x32xf32, #tpu.memory_space<vmem>> -> memref<128x32xf32, #tpu.memory_space<vmem>>
      tpu.enqueue_dma source(%dma_start3A_123 : memref<128x32xf32, #tpu.memory_space<vmem>>) target(%dma_start3A_119 : memref<128x32xf32, #tpu.memory_space<vmem_shared>>) target_semaphore(%run_scoped3A_112 : memref<!tpu.dma_semaphore, #tpu.memory_space<semaphore_mem>>)
      %dma_wait3A = arith.constant 0 : i32
      %dma_wait3A_124 = arith.constant 0 : i32
      %dma_wait3A_125 = tpu.memref_slice %arg9[%run_scoped3A_23, %dma_wait3A, %dma_wait3A_124] : memref<2x128x32xf32, #tpu.memory_space<vmem>> -> memref<1x128x32xf32, #tpu.memory_space<vmem>>
      %dma_wait3A_126 = tpu.memref_squeeze %dma_wait3A_125 : memref<1x128x32xf32, #tpu.memory_space<vmem>> -> memref<128x32xf32, #tpu.memory_space<vmem>>
      %dma_wait3A_127 = arith.constant 0 : i32
      %dma_wait3A_128 = tpu.memref_slice %arg10[%add3A_22, %dma_wait3A_127] : memref<10240x32xf32, #tpu.memory_space<vmem_shared>> -> memref<128x32xf32, #tpu.memory_space<vmem_shared>>
      %dma_wait3A_129 = arith.constant 0 : i32
      %dma_wait3A_130 = tpu.memref_slice %arg10[%add3A_22, %dma_wait3A_129] : memref<10240x32xf32, #tpu.memory_space<vmem_shared>> -> memref<128x32xf32, #tpu.memory_space<vmem_shared>>
      %dma_wait3A_131 = arith.constant 0 : i32
      %dma_wait3A_132 = arith.constant 0 : i32
      %dma_wait3A_133 = tpu.memref_slice %arg9[%run_scoped3A_23, %dma_wait3A_131, %dma_wait3A_132] : memref<2x128x32xf32, #tpu.memory_space<vmem>> -> memref<1x128x32xf32, #tpu.memory_space<vmem>>
      %dma_wait3A_134 = tpu.memref_squeeze %dma_wait3A_133 : memref<1x128x32xf32, #tpu.memory_space<vmem>> -> memref<128x32xf32, #tpu.memory_space<vmem>>
      tpu.wait_dma2 semaphore(%run_scoped3A_112 : memref<!tpu.dma_semaphore, #tpu.memory_space<semaphore_mem>>) src(%dma_wait3A_134 : memref<128x32xf32, #tpu.memory_space<vmem>>) dst(%dma_wait3A_130 : memref<128x32xf32, #tpu.memory_space<vmem_shared>>)
      tpu.yield
    }) : () -> ()
    %mul3A_24 = arith.constant 640 : i32
    %mul3A_25 = arith.muli %arg1, %mul3A_24 : i32
    %add3A_26 = arith.constant 384 : i32
    %add3A_27 = arith.addi %mul3A_25, %add3A_26 : i32
    %run_scoped3A_28 = arith.constant 0 : i32
    "tpu.region"() ({
      %run_scoped3A_112 = tpu.sem_alloc : memref<!tpu.dma_semaphore, #tpu.memory_space<semaphore_mem>>
      %dma_start3A = arith.constant 0 : i32
      %dma_start3A_113 = arith.constant 0 : i32
      %dma_start3A_114 = tpu.memref_slice %arg9[%run_scoped3A_28, %dma_start3A, %dma_start3A_113] : memref<2x128x32xf32, #tpu.memory_space<vmem>> -> memref<1x128x32xf32, #tpu.memory_space<vmem>>
      %dma_start3A_115 = tpu.memref_squeeze %dma_start3A_114 : memref<1x128x32xf32, #tpu.memory_space<vmem>> -> memref<128x32xf32, #tpu.memory_space<vmem>>
      %dma_start3A_116 = arith.constant 0 : i32
      %dma_start3A_117 = tpu.memref_slice %arg10[%add3A_27, %dma_start3A_116] : memref<10240x32xf32, #tpu.memory_space<vmem_shared>> -> memref<128x32xf32, #tpu.memory_space<vmem_shared>>
      %dma_start3A_118 = arith.constant 0 : i32
      %dma_start3A_119 = tpu.memref_slice %arg10[%add3A_27, %dma_start3A_118] : memref<10240x32xf32, #tpu.memory_space<vmem_shared>> -> memref<128x32xf32, #tpu.memory_space<vmem_shared>>
      %dma_start3A_120 = arith.constant 0 : i32
      %dma_start3A_121 = arith.constant 0 : i32
      %dma_start3A_122 = tpu.memref_slice %arg9[%run_scoped3A_28, %dma_start3A_120, %dma_start3A_121] : memref<2x128x32xf32, #tpu.memory_space<vmem>> -> memref<1x128x32xf32, #tpu.memory_space<vmem>>
      %dma_start3A_123 = tpu.memref_squeeze %dma_start3A_122 : memref<1x128x32xf32, #tpu.memory_space<vmem>> -> memref<128x32xf32, #tpu.memory_space<vmem>>
      tpu.enqueue_dma source(%dma_start3A_123 : memref<128x32xf32, #tpu.memory_space<vmem>>) target(%dma_start3A_119 : memref<128x32xf32, #tpu.memory_space<vmem_shared>>) target_semaphore(%run_scoped3A_112 : memref<!tpu.dma_semaphore, #tpu.memory_space<semaphore_mem>>)
      %dma_wait3A = arith.constant 0 : i32
      %dma_wait3A_124 = arith.constant 0 : i32
      %dma_wait3A_125 = tpu.memref_slice %arg9[%run_scoped3A_28, %dma_wait3A, %dma_wait3A_124] : memref<2x128x32xf32, #tpu.memory_space<vmem>> -> memref<1x128x32xf32, #tpu.memory_space<vmem>>
      %dma_wait3A_126 = tpu.memref_squeeze %dma_wait3A_125 : memref<1x128x32xf32, #tpu.memory_space<vmem>> -> memref<128x32xf32, #tpu.memory_space<vmem>>
      %dma_wait3A_127 = arith.constant 0 : i32
      %dma_wait3A_128 = tpu.memref_slice %arg10[%add3A_27, %dma_wait3A_127] : memref<10240x32xf32, #tpu.memory_space<vmem_shared>> -> memref<128x32xf32, #tpu.memory_space<vmem_shared>>
      %dma_wait3A_129 = arith.constant 0 : i32
      %dma_wait3A_130 = tpu.memref_slice %arg10[%add3A_27, %dma_wait3A_129] : memref<10240x32xf32, #tpu.memory_space<vmem_shared>> -> memref<128x32xf32, #tpu.memory_space<vmem_shared>>
      %dma_wait3A_131 = arith.constant 0 : i32
      %dma_wait3A_132 = arith.constant 0 : i32
      %dma_wait3A_133 = tpu.memref_slice %arg9[%run_scoped3A_28, %dma_wait3A_131, %dma_wait3A_132] : memref<2x128x32xf32, #tpu.memory_space<vmem>> -> memref<1x128x32xf32, #tpu.memory_space<vmem>>
      %dma_wait3A_134 = tpu.memref_squeeze %dma_wait3A_133 : memref<1x128x32xf32, #tpu.memory_space<vmem>> -> memref<128x32xf32, #tpu.memory_space<vmem>>
      tpu.wait_dma2 semaphore(%run_scoped3A_112 : memref<!tpu.dma_semaphore, #tpu.memory_space<semaphore_mem>>) src(%dma_wait3A_134 : memref<128x32xf32, #tpu.memory_space<vmem>>) dst(%dma_wait3A_130 : memref<128x32xf32, #tpu.memory_space<vmem_shared>>)
      tpu.yield
    }) : () -> ()
    %mul3A_29 = arith.constant 640 : i32
    %mul3A_30 = arith.muli %arg1, %mul3A_29 : i32
    %add3A_31 = arith.constant 512 : i32
    %add3A_32 = arith.addi %mul3A_30, %add3A_31 : i32
    %run_scoped3A_33 = arith.constant 0 : i32
    "tpu.region"() ({
      %run_scoped3A_112 = tpu.sem_alloc : memref<!tpu.dma_semaphore, #tpu.memory_space<semaphore_mem>>
      %dma_start3A = arith.constant 0 : i32
      %dma_start3A_113 = arith.constant 0 : i32
      %dma_start3A_114 = tpu.memref_slice %arg9[%run_scoped3A_33, %dma_start3A, %dma_start3A_113] : memref<2x128x32xf32, #tpu.memory_space<vmem>> -> memref<1x128x32xf32, #tpu.memory_space<vmem>>
      %dma_start3A_115 = tpu.memref_squeeze %dma_start3A_114 : memref<1x128x32xf32, #tpu.memory_space<vmem>> -> memref<128x32xf32, #tpu.memory_space<vmem>>
      %dma_start3A_116 = arith.constant 0 : i32
      %dma_start3A_117 = tpu.memref_slice %arg10[%add3A_32, %dma_start3A_116] : memref<10240x32xf32, #tpu.memory_space<vmem_shared>> -> memref<128x32xf32, #tpu.memory_space<vmem_shared>>
      %dma_start3A_118 = arith.constant 0 : i32
      %dma_start3A_119 = tpu.memref_slice %arg10[%add3A_32, %dma_start3A_118] : memref<10240x32xf32, #tpu.memory_space<vmem_shared>> -> memref<128x32xf32, #tpu.memory_space<vmem_shared>>
      %dma_start3A_120 = arith.constant 0 : i32
      %dma_start3A_121 = arith.constant 0 : i32
      %dma_start3A_122 = tpu.memref_slice %arg9[%run_scoped3A_33, %dma_start3A_120, %dma_start3A_121] : memref<2x128x32xf32, #tpu.memory_space<vmem>> -> memref<1x128x32xf32, #tpu.memory_space<vmem>>
      %dma_start3A_123 = tpu.memref_squeeze %dma_start3A_122 : memref<1x128x32xf32, #tpu.memory_space<vmem>> -> memref<128x32xf32, #tpu.memory_space<vmem>>
      tpu.enqueue_dma source(%dma_start3A_123 : memref<128x32xf32, #tpu.memory_space<vmem>>) target(%dma_start3A_119 : memref<128x32xf32, #tpu.memory_space<vmem_shared>>) target_semaphore(%run_scoped3A_112 : memref<!tpu.dma_semaphore, #tpu.memory_space<semaphore_mem>>)
      %dma_wait3A = arith.constant 0 : i32
      %dma_wait3A_124 = arith.constant 0 : i32
      %dma_wait3A_125 = tpu.memref_slice %arg9[%run_scoped3A_33, %dma_wait3A, %dma_wait3A_124] : memref<2x128x32xf32, #tpu.memory_space<vmem>> -> memref<1x128x32xf32, #tpu.memory_space<vmem>>
      %dma_wait3A_126 = tpu.memref_squeeze %dma_wait3A_125 : memref<1x128x32xf32, #tpu.memory_space<vmem>> -> memref<128x32xf32, #tpu.memory_space<vmem>>
      %dma_wait3A_127 = arith.constant 0 : i32
      %dma_wait3A_128 = tpu.memref_slice %arg10[%add3A_32, %dma_wait3A_127] : memref<10240x32xf32, #tpu.memory_space<vmem_shared>> -> memref<128x32xf32, #tpu.memory_space<vmem_shared>>
      %dma_wait3A_129 = arith.constant 0 : i32
      %dma_wait3A_130 = tpu.memref_slice %arg10[%add3A_32, %dma_wait3A_129] : memref<10240x32xf32, #tpu.memory_space<vmem_shared>> -> memref<128x32xf32, #tpu.memory_space<vmem_shared>>
      %dma_wait3A_131 = arith.constant 0 : i32
      %dma_wait3A_132 = arith.constant 0 : i32
      %dma_wait3A_133 = tpu.memref_slice %arg9[%run_scoped3A_33, %dma_wait3A_131, %dma_wait3A_132] : memref<2x128x32xf32, #tpu.memory_space<vmem>> -> memref<1x128x32xf32, #tpu.memory_space<vmem>>
      %dma_wait3A_134 = tpu.memref_squeeze %dma_wait3A_133 : memref<1x128x32xf32, #tpu.memory_space<vmem>> -> memref<128x32xf32, #tpu.memory_space<vmem>>
      tpu.wait_dma2 semaphore(%run_scoped3A_112 : memref<!tpu.dma_semaphore, #tpu.memory_space<semaphore_mem>>) src(%dma_wait3A_134 : memref<128x32xf32, #tpu.memory_space<vmem>>) dst(%dma_wait3A_130 : memref<128x32xf32, #tpu.memory_space<vmem_shared>>)
      tpu.yield
    }) : () -> ()
    %barrier3A = arith.constant 0 : index
    tpu.barrier barrier_id(%barrier3A)
    %jit3A_34 = arith.constant 2 : i32
    %div3A = arith.divsi %select_n3A_8, %jit3A_34 : i32
    %sign3A = arith.constant 0 : i32
    %sign3A_35 = arith.cmpi sgt, %select_n3A_8, %sign3A : i32
    %sign3A_36 = arith.extui %sign3A_35 : i1 to i32
    %sign3A_37 = arith.constant 0 : i32
    %sign3A_38 = arith.cmpi slt, %select_n3A_8, %sign3A_37 : i32
    %sign3A_39 = arith.extui %sign3A_38 : i1 to i32
    %sign3A_40 = arith.subi %sign3A_36, %sign3A_39 : i32
    %sign3A_41 = arith.constant 0 : i32
    %sign3A_42 = arith.cmpi sgt, %jit3A_34, %sign3A_41 : i32
    %sign3A_43 = arith.extui %sign3A_42 : i1 to i32
    %sign3A_44 = arith.constant 0 : i32
    %sign3A_45 = arith.cmpi slt, %jit3A_34, %sign3A_44 : i32
    %sign3A_46 = arith.extui %sign3A_45 : i1 to i32
    %sign3A_47 = arith.subi %sign3A_43, %sign3A_46 : i32
    %ne3A = arith.cmpi ne, %sign3A_40, %sign3A_47 : i32
    %rem3A = arith.remsi %select_n3A_8, %jit3A_34 : i32
    %ne3A_48 = arith.constant 0 : i32
    %ne3A_49 = arith.cmpi ne, %rem3A, %ne3A_48 : i32
    %and3A = arith.andi %ne3A, %ne3A_49 : i1
    %sub3A = arith.constant 1 : i32
    %sub3A_50 = arith.subi %div3A, %sub3A : i32
    %select_n3A_51 = arith.select %and3A, %sub3A_50, %div3A : i32
    %while3A = arith.constant 0 : i32
    %while3A_52 = arith.constant 0 : i32
    %while3A_53 = arith.subi %select_n3A_51, %while3A_52 : i32
    %while3A_54 = arith.addi %while3A_52, %while3A_53 : i32
    %while3A_55 = arith.constant 1 : i32
    %while3A_56 = arith.divsi %while3A_53, %while3A_55 : i32
    %while3A_57 = arith.muli %while3A_56, %while3A_55 : i32
    %while3A_58 = arith.addi %while3A_52, %while3A_57 : i32
    %while3A_59 = arith.constant 1 : i32
    scf.for %while3A_112 = %while3A_52 to %while3A_58 step %while3A_59  : i32 {
      %mul3A_113 = arith.constant 2 : i32
      %mul3A_114 = arith.muli %mul3A_113, %while3A_112 : i32
      %dma_start3A = arith.constant 0 : i32
      %dma_start3A_115 = arith.constant 0 : i32
      %dma_start3A_116 = arith.constant 0 : i32
      %dma_start3A_117 = tpu.memref_slice %arg9[%dma_start3A, %dma_start3A_115, %dma_start3A_116] : memref<2x128x32xf32, #tpu.memory_space<vmem>> -> memref<1x128x32xf32, #tpu.memory_space<vmem>>
      %dma_start3A_118 = tpu.memref_squeeze %dma_start3A_117 : memref<1x128x32xf32, #tpu.memory_space<vmem>> -> memref<128x32xf32, #tpu.memory_space<vmem>>
      %dma_start3A_119 = arith.constant 0 : i32
      %dma_start3A_120 = tpu.memref_slice %arg7[%mul3A_114, %dma_start3A_119] : memref<98x128xi32, #tpu.memory_space<vmem>> -> memref<1x128xi32, #tpu.memory_space<vmem>>
      %dma_start3A_121 = tpu.memref_squeeze %dma_start3A_120 : memref<1x128xi32, #tpu.memory_space<vmem>> -> memref<128xi32, #tpu.memory_space<vmem>>
      %dma_start3A_122 = arith.constant 0 : i32
      %dma_start3A_123 = arith.constant 0 : i32
      %dma_start3A_124 = tpu.memref_slice %arg4[%dma_start3A_122, %dma_start3A_123] : memref<10000x32xf32, #tpu.memory_space<hbm>> -> memref<10000x32xf32, #tpu.memory_space<hbm>>
      tpu.enqueue_indirect_dma source(%dma_start3A_124 : memref<10000x32xf32, #tpu.memory_space<hbm>>) target(%dma_start3A_118 : memref<128x32xf32, #tpu.memory_space<vmem>>) offsets(%dma_start3A_121 : memref<128xi32, #tpu.memory_space<vmem>>) semaphore(%arg11 : memref<!tpu.dma_semaphore, #tpu.memory_space<semaphore_mem>>)
      %add3A_125 = arith.constant 1 : i32
      %add3A_126 = arith.addi %mul3A_114, %add3A_125 : i32
      %dma_start3A_127 = arith.constant 1 : i32
      %dma_start3A_128 = arith.constant 0 : i32
      %dma_start3A_129 = arith.constant 0 : i32
      %dma_start3A_130 = tpu.memref_slice %arg9[%dma_start3A_127, %dma_start3A_128, %dma_start3A_129] : memref<2x128x32xf32, #tpu.memory_space<vmem>> -> memref<1x128x32xf32, #tpu.memory_space<vmem>>
      %dma_start3A_131 = tpu.memref_squeeze %dma_start3A_130 : memref<1x128x32xf32, #tpu.memory_space<vmem>> -> memref<128x32xf32, #tpu.memory_space<vmem>>
      %dma_start3A_132 = arith.constant 0 : i32
      %dma_start3A_133 = tpu.memref_slice %arg7[%add3A_126, %dma_start3A_132] : memref<98x128xi32, #tpu.memory_space<vmem>> -> memref<1x128xi32, #tpu.memory_space<vmem>>
      %dma_start3A_134 = tpu.memref_squeeze %dma_start3A_133 : memref<1x128xi32, #tpu.memory_space<vmem>> -> memref<128xi32, #tpu.memory_space<vmem>>
      %dma_start3A_135 = arith.constant 0 : i32
      %dma_start3A_136 = arith.constant 0 : i32
      %dma_start3A_137 = tpu.memref_slice %arg4[%dma_start3A_135, %dma_start3A_136] : memref<10000x32xf32, #tpu.memory_space<hbm>> -> memref<10000x32xf32, #tpu.memory_space<hbm>>
      tpu.enqueue_indirect_dma source(%dma_start3A_137 : memref<10000x32xf32, #tpu.memory_space<hbm>>) target(%dma_start3A_131 : memref<128x32xf32, #tpu.memory_space<vmem>>) offsets(%dma_start3A_134 : memref<128xi32, #tpu.memory_space<vmem>>) semaphore(%arg12 : memref<!tpu.dma_semaphore, #tpu.memory_space<semaphore_mem>>)
      %dma_wait3A = arith.constant 0 : i32
      %dma_wait3A_138 = arith.constant 0 : i32
      %dma_wait3A_139 = arith.constant 0 : i32
      %dma_wait3A_140 = tpu.memref_slice %arg9[%dma_wait3A, %dma_wait3A_138, %dma_wait3A_139] : memref<2x128x32xf32, #tpu.memory_space<vmem>> -> memref<1x128x32xf32, #tpu.memory_space<vmem>>
      %dma_wait3A_141 = tpu.memref_squeeze %dma_wait3A_140 : memref<1x128x32xf32, #tpu.memory_space<vmem>> -> memref<128x32xf32, #tpu.memory_space<vmem>>
      %dma_wait3A_142 = arith.constant 0 : i32
      %dma_wait3A_143 = tpu.memref_slice %arg7[%mul3A_114, %dma_wait3A_142] : memref<98x128xi32, #tpu.memory_space<vmem>> -> memref<1x128xi32, #tpu.memory_space<vmem>>
      %dma_wait3A_144 = tpu.memref_squeeze %dma_wait3A_143 : memref<1x128xi32, #tpu.memory_space<vmem>> -> memref<128xi32, #tpu.memory_space<vmem>>
      %dma_wait3A_145 = arith.constant 0 : i32
      %dma_wait3A_146 = arith.constant 0 : i32
      %dma_wait3A_147 = tpu.memref_slice %arg4[%dma_wait3A_145, %dma_wait3A_146] : memref<10000x32xf32, #tpu.memory_space<hbm>> -> memref<10000x32xf32, #tpu.memory_space<hbm>>
      tpu.wait_indirect_dma semaphore(%arg11 : memref<!tpu.dma_semaphore, #tpu.memory_space<semaphore_mem>>) src(%dma_wait3A_147 : memref<10000x32xf32, #tpu.memory_space<hbm>>) dst(%dma_wait3A_141 : memref<128x32xf32, #tpu.memory_space<vmem>>)
      %run_scoped3A_148 = arith.constant 0 : i32
      "tpu.region"() ({
        %run_scoped3A_163 = tpu.sem_alloc : memref<!tpu.dma_semaphore, #tpu.memory_space<semaphore_mem>>
        %dma_start3A_164 = arith.constant 0 : i32
        %dma_start3A_165 = arith.constant 0 : i32
        %dma_start3A_166 = tpu.memref_slice %arg9[%run_scoped3A_148, %dma_start3A_164, %dma_start3A_165] : memref<2x128x32xf32, #tpu.memory_space<vmem>> -> memref<1x128x32xf32, #tpu.memory_space<vmem>>
        %dma_start3A_167 = tpu.memref_squeeze %dma_start3A_166 : memref<1x128x32xf32, #tpu.memory_space<vmem>> -> memref<128x32xf32, #tpu.memory_space<vmem>>
        %dma_start3A_168 = arith.constant 0 : i32
        %dma_start3A_169 = tpu.memref_slice %arg8[%mul3A_114, %dma_start3A_168] : memref<98x128xi32, #tpu.memory_space<vmem>> -> memref<1x128xi32, #tpu.memory_space<vmem>>
        %dma_start3A_170 = tpu.memref_squeeze %dma_start3A_169 : memref<1x128xi32, #tpu.memory_space<vmem>> -> memref<128xi32, #tpu.memory_space<vmem>>
        %dma_start3A_171 = arith.constant 0 : i32
        %dma_start3A_172 = arith.constant 0 : i32
        %dma_start3A_173 = tpu.memref_slice %arg10[%dma_start3A_171, %dma_start3A_172] : memref<10240x32xf32, #tpu.memory_space<vmem_shared>> -> memref<10240x32xf32, #tpu.memory_space<vmem_shared>>
        tpu.enqueue_indirect_dma source(%dma_start3A_167 : memref<128x32xf32, #tpu.memory_space<vmem>>) target(%dma_start3A_173 : memref<10240x32xf32, #tpu.memory_space<vmem_shared>>) offsets(%dma_start3A_170 : memref<128xi32, #tpu.memory_space<vmem>>) semaphore(%run_scoped3A_163 : memref<!tpu.dma_semaphore, #tpu.memory_space<semaphore_mem>>) {add = true}
        %dma_wait3A_174 = arith.constant 0 : i32
        %dma_wait3A_175 = arith.constant 0 : i32
        %dma_wait3A_176 = tpu.memref_slice %arg9[%run_scoped3A_148, %dma_wait3A_174, %dma_wait3A_175] : memref<2x128x32xf32, #tpu.memory_space<vmem>> -> memref<1x128x32xf32, #tpu.memory_space<vmem>>
        %dma_wait3A_177 = tpu.memref_squeeze %dma_wait3A_176 : memref<1x128x32xf32, #tpu.memory_space<vmem>> -> memref<128x32xf32, #tpu.memory_space<vmem>>
        %dma_wait3A_178 = arith.constant 0 : i32
        %dma_wait3A_179 = tpu.memref_slice %arg8[%mul3A_114, %dma_wait3A_178] : memref<98x128xi32, #tpu.memory_space<vmem>> -> memref<1x128xi32, #tpu.memory_space<vmem>>
        %dma_wait3A_180 = tpu.memref_squeeze %dma_wait3A_179 : memref<1x128xi32, #tpu.memory_space<vmem>> -> memref<128xi32, #tpu.memory_space<vmem>>
        %dma_wait3A_181 = arith.constant 0 : i32
        %dma_wait3A_182 = arith.constant 0 : i32
        %dma_wait3A_183 = tpu.memref_slice %arg10[%dma_wait3A_181, %dma_wait3A_182] : memref<10240x32xf32, #tpu.memory_space<vmem_shared>> -> memref<10240x32xf32, #tpu.memory_space<vmem_shared>>
        tpu.wait_indirect_dma semaphore(%run_scoped3A_163 : memref<!tpu.dma_semaphore, #tpu.memory_space<semaphore_mem>>) src(%dma_wait3A_177 : memref<128x32xf32, #tpu.memory_space<vmem>>) dst(%dma_wait3A_183 : memref<10240x32xf32, #tpu.memory_space<vmem_shared>>)
        tpu.yield
      }) : () -> ()
      %dma_wait3A_149 = arith.constant 1 : i32
      %dma_wait3A_150 = arith.constant 0 : i32
      %dma_wait3A_151 = arith.constant 0 : i32
      %dma_wait3A_152 = tpu.memref_slice %arg9[%dma_wait3A_149, %dma_wait3A_150, %dma_wait3A_151] : memref<2x128x32xf32, #tpu.memory_space<vmem>> -> memref<1x128x32xf32, #tpu.memory_space<vmem>>
      %dma_wait3A_153 = tpu.memref_squeeze %dma_wait3A_152 : memref<1x128x32xf32, #tpu.memory_space<vmem>> -> memref<128x32xf32, #tpu.memory_space<vmem>>
      %dma_wait3A_154 = arith.constant 0 : i32
      %dma_wait3A_155 = tpu.memref_slice %arg7[%add3A_126, %dma_wait3A_154] : memref<98x128xi32, #tpu.memory_space<vmem>> -> memref<1x128xi32, #tpu.memory_space<vmem>>
      %dma_wait3A_156 = tpu.memref_squeeze %dma_wait3A_155 : memref<1x128xi32, #tpu.memory_space<vmem>> -> memref<128xi32, #tpu.memory_space<vmem>>
      %dma_wait3A_157 = arith.constant 0 : i32
      %dma_wait3A_158 = arith.constant 0 : i32
      %dma_wait3A_159 = tpu.memref_slice %arg4[%dma_wait3A_157, %dma_wait3A_158] : memref<10000x32xf32, #tpu.memory_space<hbm>> -> memref<10000x32xf32, #tpu.memory_space<hbm>>
      tpu.wait_indirect_dma semaphore(%arg12 : memref<!tpu.dma_semaphore, #tpu.memory_space<semaphore_mem>>) src(%dma_wait3A_159 : memref<10000x32xf32, #tpu.memory_space<hbm>>) dst(%dma_wait3A_153 : memref<128x32xf32, #tpu.memory_space<vmem>>)
      %add3A_160 = arith.constant 1 : i32
      %add3A_161 = arith.addi %mul3A_114, %add3A_160 : i32
      %run_scoped3A_162 = arith.constant 1 : i32
      "tpu.region"() ({
        %run_scoped3A_163 = tpu.sem_alloc : memref<!tpu.dma_semaphore, #tpu.memory_space<semaphore_mem>>
        %dma_start3A_164 = arith.constant 0 : i32
        %dma_start3A_165 = arith.constant 0 : i32
        %dma_start3A_166 = tpu.memref_slice %arg9[%run_scoped3A_162, %dma_start3A_164, %dma_start3A_165] : memref<2x128x32xf32, #tpu.memory_space<vmem>> -> memref<1x128x32xf32, #tpu.memory_space<vmem>>
        %dma_start3A_167 = tpu.memref_squeeze %dma_start3A_166 : memref<1x128x32xf32, #tpu.memory_space<vmem>> -> memref<128x32xf32, #tpu.memory_space<vmem>>
        %dma_start3A_168 = arith.constant 0 : i32
        %dma_start3A_169 = tpu.memref_slice %arg8[%add3A_161, %dma_start3A_168] : memref<98x128xi32, #tpu.memory_space<vmem>> -> memref<1x128xi32, #tpu.memory_space<vmem>>
        %dma_start3A_170 = tpu.memref_squeeze %dma_start3A_169 : memref<1x128xi32, #tpu.memory_space<vmem>> -> memref<128xi32, #tpu.memory_space<vmem>>
        %dma_start3A_171 = arith.constant 0 : i32
        %dma_start3A_172 = arith.constant 0 : i32
        %dma_start3A_173 = tpu.memref_slice %arg10[%dma_start3A_171, %dma_start3A_172] : memref<10240x32xf32, #tpu.memory_space<vmem_shared>> -> memref<10240x32xf32, #tpu.memory_space<vmem_shared>>
        tpu.enqueue_indirect_dma source(%dma_start3A_167 : memref<128x32xf32, #tpu.memory_space<vmem>>) target(%dma_start3A_173 : memref<10240x32xf32, #tpu.memory_space<vmem_shared>>) offsets(%dma_start3A_170 : memref<128xi32, #tpu.memory_space<vmem>>) semaphore(%run_scoped3A_163 : memref<!tpu.dma_semaphore, #tpu.memory_space<semaphore_mem>>) {add = true}
        %dma_wait3A_174 = arith.constant 0 : i32
        %dma_wait3A_175 = arith.constant 0 : i32
        %dma_wait3A_176 = tpu.memref_slice %arg9[%run_scoped3A_162, %dma_wait3A_174, %dma_wait3A_175] : memref<2x128x32xf32, #tpu.memory_space<vmem>> -> memref<1x128x32xf32, #tpu.memory_space<vmem>>
        %dma_wait3A_177 = tpu.memref_squeeze %dma_wait3A_176 : memref<1x128x32xf32, #tpu.memory_space<vmem>> -> memref<128x32xf32, #tpu.memory_space<vmem>>
        %dma_wait3A_178 = arith.constant 0 : i32
        %dma_wait3A_179 = tpu.memref_slice %arg8[%add3A_161, %dma_wait3A_178] : memref<98x128xi32, #tpu.memory_space<vmem>> -> memref<1x128xi32, #tpu.memory_space<vmem>>
        %dma_wait3A_180 = tpu.memref_squeeze %dma_wait3A_179 : memref<1x128xi32, #tpu.memory_space<vmem>> -> memref<128xi32, #tpu.memory_space<vmem>>
        %dma_wait3A_181 = arith.constant 0 : i32
        %dma_wait3A_182 = arith.constant 0 : i32
        %dma_wait3A_183 = tpu.memref_slice %arg10[%dma_wait3A_181, %dma_wait3A_182] : memref<10240x32xf32, #tpu.memory_space<vmem_shared>> -> memref<10240x32xf32, #tpu.memory_space<vmem_shared>>
        tpu.wait_indirect_dma semaphore(%run_scoped3A_163 : memref<!tpu.dma_semaphore, #tpu.memory_space<semaphore_mem>>) src(%dma_wait3A_177 : memref<128x32xf32, #tpu.memory_space<vmem>>) dst(%dma_wait3A_183 : memref<10240x32xf32, #tpu.memory_space<vmem_shared>>)
        tpu.yield
      }) : () -> ()
    }
    %while3A_60 = arith.constant 1 : i32
    scf.for %while3A_112 = %while3A_58 to %while3A_54 step %while3A_60  : i32 {
      %mul3A_113 = arith.constant 2 : i32
      %mul3A_114 = arith.muli %mul3A_113, %while3A_112 : i32
      %dma_start3A = arith.constant 0 : i32
      %dma_start3A_115 = arith.constant 0 : i32
      %dma_start3A_116 = arith.constant 0 : i32
      %dma_start3A_117 = tpu.memref_slice %arg9[%dma_start3A, %dma_start3A_115, %dma_start3A_116] : memref<2x128x32xf32, #tpu.memory_space<vmem>> -> memref<1x128x32xf32, #tpu.memory_space<vmem>>
      %dma_start3A_118 = tpu.memref_squeeze %dma_start3A_117 : memref<1x128x32xf32, #tpu.memory_space<vmem>> -> memref<128x32xf32, #tpu.memory_space<vmem>>
      %dma_start3A_119 = arith.constant 0 : i32
      %dma_start3A_120 = tpu.memref_slice %arg7[%mul3A_114, %dma_start3A_119] : memref<98x128xi32, #tpu.memory_space<vmem>> -> memref<1x128xi32, #tpu.memory_space<vmem>>
      %dma_start3A_121 = tpu.memref_squeeze %dma_start3A_120 : memref<1x128xi32, #tpu.memory_space<vmem>> -> memref<128xi32, #tpu.memory_space<vmem>>
      %dma_start3A_122 = arith.constant 0 : i32
      %dma_start3A_123 = arith.constant 0 : i32
      %dma_start3A_124 = tpu.memref_slice %arg4[%dma_start3A_122, %dma_start3A_123] : memref<10000x32xf32, #tpu.memory_space<hbm>> -> memref<10000x32xf32, #tpu.memory_space<hbm>>
      tpu.enqueue_indirect_dma source(%dma_start3A_124 : memref<10000x32xf32, #tpu.memory_space<hbm>>) target(%dma_start3A_118 : memref<128x32xf32, #tpu.memory_space<vmem>>) offsets(%dma_start3A_121 : memref<128xi32, #tpu.memory_space<vmem>>) semaphore(%arg11 : memref<!tpu.dma_semaphore, #tpu.memory_space<semaphore_mem>>)
      %add3A_125 = arith.constant 1 : i32
      %add3A_126 = arith.addi %mul3A_114, %add3A_125 : i32
      %dma_start3A_127 = arith.constant 1 : i32
      %dma_start3A_128 = arith.constant 0 : i32
      %dma_start3A_129 = arith.constant 0 : i32
      %dma_start3A_130 = tpu.memref_slice %arg9[%dma_start3A_127, %dma_start3A_128, %dma_start3A_129] : memref<2x128x32xf32, #tpu.memory_space<vmem>> -> memref<1x128x32xf32, #tpu.memory_space<vmem>>
      %dma_start3A_131 = tpu.memref_squeeze %dma_start3A_130 : memref<1x128x32xf32, #tpu.memory_space<vmem>> -> memref<128x32xf32, #tpu.memory_space<vmem>>
      %dma_start3A_132 = arith.constant 0 : i32
      %dma_start3A_133 = tpu.memref_slice %arg7[%add3A_126, %dma_start3A_132] : memref<98x128xi32, #tpu.memory_space<vmem>> -> memref<1x128xi32, #tpu.memory_space<vmem>>
      %dma_start3A_134 = tpu.memref_squeeze %dma_start3A_133 : memref<1x128xi32, #tpu.memory_space<vmem>> -> memref<128xi32, #tpu.memory_space<vmem>>
      %dma_start3A_135 = arith.constant 0 : i32
      %dma_start3A_136 = arith.constant 0 : i32
      %dma_start3A_137 = tpu.memref_slice %arg4[%dma_start3A_135, %dma_start3A_136] : memref<10000x32xf32, #tpu.memory_space<hbm>> -> memref<10000x32xf32, #tpu.memory_space<hbm>>
      tpu.enqueue_indirect_dma source(%dma_start3A_137 : memref<10000x32xf32, #tpu.memory_space<hbm>>) target(%dma_start3A_131 : memref<128x32xf32, #tpu.memory_space<vmem>>) offsets(%dma_start3A_134 : memref<128xi32, #tpu.memory_space<vmem>>) semaphore(%arg12 : memref<!tpu.dma_semaphore, #tpu.memory_space<semaphore_mem>>)
      %dma_wait3A = arith.constant 0 : i32
      %dma_wait3A_138 = arith.constant 0 : i32
      %dma_wait3A_139 = arith.constant 0 : i32
      %dma_wait3A_140 = tpu.memref_slice %arg9[%dma_wait3A, %dma_wait3A_138, %dma_wait3A_139] : memref<2x128x32xf32, #tpu.memory_space<vmem>> -> memref<1x128x32xf32, #tpu.memory_space<vmem>>
      %dma_wait3A_141 = tpu.memref_squeeze %dma_wait3A_140 : memref<1x128x32xf32, #tpu.memory_space<vmem>> -> memref<128x32xf32, #tpu.memory_space<vmem>>
      %dma_wait3A_142 = arith.constant 0 : i32
      %dma_wait3A_143 = tpu.memref_slice %arg7[%mul3A_114, %dma_wait3A_142] : memref<98x128xi32, #tpu.memory_space<vmem>> -> memref<1x128xi32, #tpu.memory_space<vmem>>
      %dma_wait3A_144 = tpu.memref_squeeze %dma_wait3A_143 : memref<1x128xi32, #tpu.memory_space<vmem>> -> memref<128xi32, #tpu.memory_space<vmem>>
      %dma_wait3A_145 = arith.constant 0 : i32
      %dma_wait3A_146 = arith.constant 0 : i32
      %dma_wait3A_147 = tpu.memref_slice %arg4[%dma_wait3A_145, %dma_wait3A_146] : memref<10000x32xf32, #tpu.memory_space<hbm>> -> memref<10000x32xf32, #tpu.memory_space<hbm>>
      tpu.wait_indirect_dma semaphore(%arg11 : memref<!tpu.dma_semaphore, #tpu.memory_space<semaphore_mem>>) src(%dma_wait3A_147 : memref<10000x32xf32, #tpu.memory_space<hbm>>) dst(%dma_wait3A_141 : memref<128x32xf32, #tpu.memory_space<vmem>>)
      %run_scoped3A_148 = arith.constant 0 : i32
      "tpu.region"() ({
        %run_scoped3A_163 = tpu.sem_alloc : memref<!tpu.dma_semaphore, #tpu.memory_space<semaphore_mem>>
        %dma_start3A_164 = arith.constant 0 : i32
        %dma_start3A_165 = arith.constant 0 : i32
        %dma_start3A_166 = tpu.memref_slice %arg9[%run_scoped3A_148, %dma_start3A_164, %dma_start3A_165] : memref<2x128x32xf32, #tpu.memory_space<vmem>> -> memref<1x128x32xf32, #tpu.memory_space<vmem>>
        %dma_start3A_167 = tpu.memref_squeeze %dma_start3A_166 : memref<1x128x32xf32, #tpu.memory_space<vmem>> -> memref<128x32xf32, #tpu.memory_space<vmem>>
        %dma_start3A_168 = arith.constant 0 : i32
        %dma_start3A_169 = tpu.memref_slice %arg8[%mul3A_114, %dma_start3A_168] : memref<98x128xi32, #tpu.memory_space<vmem>> -> memref<1x128xi32, #tpu.memory_space<vmem>>
        %dma_start3A_170 = tpu.memref_squeeze %dma_start3A_169 : memref<1x128xi32, #tpu.memory_space<vmem>> -> memref<128xi32, #tpu.memory_space<vmem>>
        %dma_start3A_171 = arith.constant 0 : i32
        %dma_start3A_172 = arith.constant 0 : i32
        %dma_start3A_173 = tpu.memref_slice %arg10[%dma_start3A_171, %dma_start3A_172] : memref<10240x32xf32, #tpu.memory_space<vmem_shared>> -> memref<10240x32xf32, #tpu.memory_space<vmem_shared>>
        tpu.enqueue_indirect_dma source(%dma_start3A_167 : memref<128x32xf32, #tpu.memory_space<vmem>>) target(%dma_start3A_173 : memref<10240x32xf32, #tpu.memory_space<vmem_shared>>) offsets(%dma_start3A_170 : memref<128xi32, #tpu.memory_space<vmem>>) semaphore(%run_scoped3A_163 : memref<!tpu.dma_semaphore, #tpu.memory_space<semaphore_mem>>) {add = true}
        %dma_wait3A_174 = arith.constant 0 : i32
        %dma_wait3A_175 = arith.constant 0 : i32
        %dma_wait3A_176 = tpu.memref_slice %arg9[%run_scoped3A_148, %dma_wait3A_174, %dma_wait3A_175] : memref<2x128x32xf32, #tpu.memory_space<vmem>> -> memref<1x128x32xf32, #tpu.memory_space<vmem>>
        %dma_wait3A_177 = tpu.memref_squeeze %dma_wait3A_176 : memref<1x128x32xf32, #tpu.memory_space<vmem>> -> memref<128x32xf32, #tpu.memory_space<vmem>>
        %dma_wait3A_178 = arith.constant 0 : i32
        %dma_wait3A_179 = tpu.memref_slice %arg8[%mul3A_114, %dma_wait3A_178] : memref<98x128xi32, #tpu.memory_space<vmem>> -> memref<1x128xi32, #tpu.memory_space<vmem>>
        %dma_wait3A_180 = tpu.memref_squeeze %dma_wait3A_179 : memref<1x128xi32, #tpu.memory_space<vmem>> -> memref<128xi32, #tpu.memory_space<vmem>>
        %dma_wait3A_181 = arith.constant 0 : i32
        %dma_wait3A_182 = arith.constant 0 : i32
        %dma_wait3A_183 = tpu.memref_slice %arg10[%dma_wait3A_181, %dma_wait3A_182] : memref<10240x32xf32, #tpu.memory_space<vmem_shared>> -> memref<10240x32xf32, #tpu.memory_space<vmem_shared>>
        tpu.wait_indirect_dma semaphore(%run_scoped3A_163 : memref<!tpu.dma_semaphore, #tpu.memory_space<semaphore_mem>>) src(%dma_wait3A_177 : memref<128x32xf32, #tpu.memory_space<vmem>>) dst(%dma_wait3A_183 : memref<10240x32xf32, #tpu.memory_space<vmem_shared>>)
        tpu.yield
      }) : () -> ()
      %dma_wait3A_149 = arith.constant 1 : i32
      %dma_wait3A_150 = arith.constant 0 : i32
      %dma_wait3A_151 = arith.constant 0 : i32
      %dma_wait3A_152 = tpu.memref_slice %arg9[%dma_wait3A_149, %dma_wait3A_150, %dma_wait3A_151] : memref<2x128x32xf32, #tpu.memory_space<vmem>> -> memref<1x128x32xf32, #tpu.memory_space<vmem>>
      %dma_wait3A_153 = tpu.memref_squeeze %dma_wait3A_152 : memref<1x128x32xf32, #tpu.memory_space<vmem>> -> memref<128x32xf32, #tpu.memory_space<vmem>>
      %dma_wait3A_154 = arith.constant 0 : i32
      %dma_wait3A_155 = tpu.memref_slice %arg7[%add3A_126, %dma_wait3A_154] : memref<98x128xi32, #tpu.memory_space<vmem>> -> memref<1x128xi32, #tpu.memory_space<vmem>>
      %dma_wait3A_156 = tpu.memref_squeeze %dma_wait3A_155 : memref<1x128xi32, #tpu.memory_space<vmem>> -> memref<128xi32, #tpu.memory_space<vmem>>
      %dma_wait3A_157 = arith.constant 0 : i32
      %dma_wait3A_158 = arith.constant 0 : i32
      %dma_wait3A_159 = tpu.memref_slice %arg4[%dma_wait3A_157, %dma_wait3A_158] : memref<10000x32xf32, #tpu.memory_space<hbm>> -> memref<10000x32xf32, #tpu.memory_space<hbm>>
      tpu.wait_indirect_dma semaphore(%arg12 : memref<!tpu.dma_semaphore, #tpu.memory_space<semaphore_mem>>) src(%dma_wait3A_159 : memref<10000x32xf32, #tpu.memory_space<hbm>>) dst(%dma_wait3A_153 : memref<128x32xf32, #tpu.memory_space<vmem>>)
      %add3A_160 = arith.constant 1 : i32
      %add3A_161 = arith.addi %mul3A_114, %add3A_160 : i32
      %run_scoped3A_162 = arith.constant 1 : i32
      "tpu.region"() ({
        %run_scoped3A_163 = tpu.sem_alloc : memref<!tpu.dma_semaphore, #tpu.memory_space<semaphore_mem>>
        %dma_start3A_164 = arith.constant 0 : i32
        %dma_start3A_165 = arith.constant 0 : i32
        %dma_start3A_166 = tpu.memref_slice %arg9[%run_scoped3A_162, %dma_start3A_164, %dma_start3A_165] : memref<2x128x32xf32, #tpu.memory_space<vmem>> -> memref<1x128x32xf32, #tpu.memory_space<vmem>>
        %dma_start3A_167 = tpu.memref_squeeze %dma_start3A_166 : memref<1x128x32xf32, #tpu.memory_space<vmem>> -> memref<128x32xf32, #tpu.memory_space<vmem>>
        %dma_start3A_168 = arith.constant 0 : i32
        %dma_start3A_169 = tpu.memref_slice %arg8[%add3A_161, %dma_start3A_168] : memref<98x128xi32, #tpu.memory_space<vmem>> -> memref<1x128xi32, #tpu.memory_space<vmem>>
        %dma_start3A_170 = tpu.memref_squeeze %dma_start3A_169 : memref<1x128xi32, #tpu.memory_space<vmem>> -> memref<128xi32, #tpu.memory_space<vmem>>
        %dma_start3A_171 = arith.constant 0 : i32
        %dma_start3A_172 = arith.constant 0 : i32
        %dma_start3A_173 = tpu.memref_slice %arg10[%dma_start3A_171, %dma_start3A_172] : memref<10240x32xf32, #tpu.memory_space<vmem_shared>> -> memref<10240x32xf32, #tpu.memory_space<vmem_shared>>
        tpu.enqueue_indirect_dma source(%dma_start3A_167 : memref<128x32xf32, #tpu.memory_space<vmem>>) target(%dma_start3A_173 : memref<10240x32xf32, #tpu.memory_space<vmem_shared>>) offsets(%dma_start3A_170 : memref<128xi32, #tpu.memory_space<vmem>>) semaphore(%run_scoped3A_163 : memref<!tpu.dma_semaphore, #tpu.memory_space<semaphore_mem>>) {add = true}
        %dma_wait3A_174 = arith.constant 0 : i32
        %dma_wait3A_175 = arith.constant 0 : i32
        %dma_wait3A_176 = tpu.memref_slice %arg9[%run_scoped3A_162, %dma_wait3A_174, %dma_wait3A_175] : memref<2x128x32xf32, #tpu.memory_space<vmem>> -> memref<1x128x32xf32, #tpu.memory_space<vmem>>
        %dma_wait3A_177 = tpu.memref_squeeze %dma_wait3A_176 : memref<1x128x32xf32, #tpu.memory_space<vmem>> -> memref<128x32xf32, #tpu.memory_space<vmem>>
        %dma_wait3A_178 = arith.constant 0 : i32
        %dma_wait3A_179 = tpu.memref_slice %arg8[%add3A_161, %dma_wait3A_178] : memref<98x128xi32, #tpu.memory_space<vmem>> -> memref<1x128xi32, #tpu.memory_space<vmem>>
        %dma_wait3A_180 = tpu.memref_squeeze %dma_wait3A_179 : memref<1x128xi32, #tpu.memory_space<vmem>> -> memref<128xi32, #tpu.memory_space<vmem>>
        %dma_wait3A_181 = arith.constant 0 : i32
        %dma_wait3A_182 = arith.constant 0 : i32
        %dma_wait3A_183 = tpu.memref_slice %arg10[%dma_wait3A_181, %dma_wait3A_182] : memref<10240x32xf32, #tpu.memory_space<vmem_shared>> -> memref<10240x32xf32, #tpu.memory_space<vmem_shared>>
        tpu.wait_indirect_dma semaphore(%run_scoped3A_163 : memref<!tpu.dma_semaphore, #tpu.memory_space<semaphore_mem>>) src(%dma_wait3A_177 : memref<128x32xf32, #tpu.memory_space<vmem>>) dst(%dma_wait3A_183 : memref<10240x32xf32, #tpu.memory_space<vmem_shared>>)
        tpu.yield
      }) : () -> ()
    }
    %barrier3A_61 = arith.constant 0 : index
    tpu.barrier barrier_id(%barrier3A_61)
    %mul3A_62 = arith.constant 640 : i32
    %mul3A_63 = arith.muli %arg1, %mul3A_62 : i32
    %add3A_64 = arith.constant 0 : i32
    %add3A_65 = arith.addi %mul3A_63, %add3A_64 : i32
    %run_scoped3A_66 = arith.constant 0 : i32
    "tpu.region"() ({
      %run_scoped3A_112 = tpu.sem_alloc : memref<!tpu.dma_semaphore, #tpu.memory_space<semaphore_mem>>
      %dma_start3A = arith.constant 0 : i32
      %dma_start3A_113 = arith.constant 0 : i32
      %dma_start3A_114 = tpu.memref_slice %arg9[%run_scoped3A_66, %dma_start3A, %dma_start3A_113] : memref<2x128x32xf32, #tpu.memory_space<vmem>> -> memref<1x128x32xf32, #tpu.memory_space<vmem>>
      %dma_start3A_115 = tpu.memref_squeeze %dma_start3A_114 : memref<1x128x32xf32, #tpu.memory_space<vmem>> -> memref<128x32xf32, #tpu.memory_space<vmem>>
      %dma_start3A_116 = arith.constant 0 : i32
      %dma_start3A_117 = tpu.memref_slice %arg10[%add3A_65, %dma_start3A_116] : memref<10240x32xf32, #tpu.memory_space<vmem_shared>> -> memref<128x32xf32, #tpu.memory_space<vmem_shared>>
      %dma_start3A_118 = arith.constant 0 : i32
      %dma_start3A_119 = arith.constant 0 : i32
      %dma_start3A_120 = tpu.memref_slice %arg9[%run_scoped3A_66, %dma_start3A_118, %dma_start3A_119] : memref<2x128x32xf32, #tpu.memory_space<vmem>> -> memref<1x128x32xf32, #tpu.memory_space<vmem>>
      %dma_start3A_121 = tpu.memref_squeeze %dma_start3A_120 : memref<1x128x32xf32, #tpu.memory_space<vmem>> -> memref<128x32xf32, #tpu.memory_space<vmem>>
      %dma_start3A_122 = arith.constant 0 : i32
      %dma_start3A_123 = tpu.memref_slice %arg10[%add3A_65, %dma_start3A_122] : memref<10240x32xf32, #tpu.memory_space<vmem_shared>> -> memref<128x32xf32, #tpu.memory_space<vmem_shared>>
      tpu.enqueue_dma source(%dma_start3A_123 : memref<128x32xf32, #tpu.memory_space<vmem_shared>>) target(%dma_start3A_121 : memref<128x32xf32, #tpu.memory_space<vmem>>) target_semaphore(%run_scoped3A_112 : memref<!tpu.dma_semaphore, #tpu.memory_space<semaphore_mem>>)
      %dma_wait3A = arith.constant 0 : i32
      %dma_wait3A_124 = arith.constant 0 : i32
      %dma_wait3A_125 = tpu.memref_slice %arg9[%run_scoped3A_66, %dma_wait3A, %dma_wait3A_124] : memref<2x128x32xf32, #tpu.memory_space<vmem>> -> memref<1x128x32xf32, #tpu.memory_space<vmem>>
      %dma_wait3A_126 = tpu.memref_squeeze %dma_wait3A_125 : memref<1x128x32xf32, #tpu.memory_space<vmem>> -> memref<128x32xf32, #tpu.memory_space<vmem>>
      %dma_wait3A_127 = arith.constant 0 : i32
      %dma_wait3A_128 = tpu.memref_slice %arg10[%add3A_65, %dma_wait3A_127] : memref<10240x32xf32, #tpu.memory_space<vmem_shared>> -> memref<128x32xf32, #tpu.memory_space<vmem_shared>>
      %dma_wait3A_129 = arith.constant 0 : i32
      %dma_wait3A_130 = arith.constant 0 : i32
      %dma_wait3A_131 = tpu.memref_slice %arg9[%run_scoped3A_66, %dma_wait3A_129, %dma_wait3A_130] : memref<2x128x32xf32, #tpu.memory_space<vmem>> -> memref<1x128x32xf32, #tpu.memory_space<vmem>>
      %dma_wait3A_132 = tpu.memref_squeeze %dma_wait3A_131 : memref<1x128x32xf32, #tpu.memory_space<vmem>> -> memref<128x32xf32, #tpu.memory_space<vmem>>
      %dma_wait3A_133 = arith.constant 0 : i32
      %dma_wait3A_134 = tpu.memref_slice %arg10[%add3A_65, %dma_wait3A_133] : memref<10240x32xf32, #tpu.memory_space<vmem_shared>> -> memref<128x32xf32, #tpu.memory_space<vmem_shared>>
      tpu.wait_dma2 semaphore(%run_scoped3A_112 : memref<!tpu.dma_semaphore, #tpu.memory_space<semaphore_mem>>) src(%dma_wait3A_134 : memref<128x32xf32, #tpu.memory_space<vmem_shared>>) dst(%dma_wait3A_132 : memref<128x32xf32, #tpu.memory_space<vmem>>)
      tpu.yield
    }) : () -> ()
    %mul3A_67 = arith.constant 640 : i32
    %mul3A_68 = arith.muli %arg1, %mul3A_67 : i32
    %add3A_69 = arith.constant 0 : i32
    %add3A_70 = arith.addi %mul3A_68, %add3A_69 : i32
    %run_scoped3A_71 = arith.constant 0 : i32
    "tpu.region"() ({
      %run_scoped3A_112 = tpu.sem_alloc : memref<!tpu.dma_semaphore, #tpu.memory_space<semaphore_mem>>
      %dma_start3A = arith.constant 0 : i32
      %dma_start3A_113 = arith.constant 0 : i32
      %dma_start3A_114 = tpu.memref_slice %arg9[%run_scoped3A_71, %dma_start3A, %dma_start3A_113] : memref<2x128x32xf32, #tpu.memory_space<vmem>> -> memref<1x128x32xf32, #tpu.memory_space<vmem>>
      %dma_start3A_115 = tpu.memref_squeeze %dma_start3A_114 : memref<1x128x32xf32, #tpu.memory_space<vmem>> -> memref<128x32xf32, #tpu.memory_space<vmem>>
      %dma_start3A_116 = arith.constant 0 : i32
      %dma_start3A_117 = tpu.memref_slice %arg6[%arg0, %add3A_70, %dma_start3A_116] : memref<2x10240x32xf32, #tpu.memory_space<hbm>> -> memref<1x128x32xf32, #tpu.memory_space<hbm>>
      %dma_start3A_118 = tpu.memref_squeeze %dma_start3A_117 : memref<1x128x32xf32, #tpu.memory_space<hbm>> -> memref<128x32xf32, #tpu.memory_space<hbm>>
      %dma_start3A_119 = arith.constant 0 : i32
      %dma_start3A_120 = tpu.memref_slice %arg6[%arg0, %add3A_70, %dma_start3A_119] : memref<2x10240x32xf32, #tpu.memory_space<hbm>> -> memref<1x128x32xf32, #tpu.memory_space<hbm>>
      %dma_start3A_121 = tpu.memref_squeeze %dma_start3A_120 : memref<1x128x32xf32, #tpu.memory_space<hbm>> -> memref<128x32xf32, #tpu.memory_space<hbm>>
      %dma_start3A_122 = arith.constant 0 : i32
      %dma_start3A_123 = arith.constant 0 : i32
      %dma_start3A_124 = tpu.memref_slice %arg9[%run_scoped3A_71, %dma_start3A_122, %dma_start3A_123] : memref<2x128x32xf32, #tpu.memory_space<vmem>> -> memref<1x128x32xf32, #tpu.memory_space<vmem>>
      %dma_start3A_125 = tpu.memref_squeeze %dma_start3A_124 : memref<1x128x32xf32, #tpu.memory_space<vmem>> -> memref<128x32xf32, #tpu.memory_space<vmem>>
      tpu.enqueue_dma source(%dma_start3A_125 : memref<128x32xf32, #tpu.memory_space<vmem>>) target(%dma_start3A_121 : memref<128x32xf32, #tpu.memory_space<hbm>>) target_semaphore(%run_scoped3A_112 : memref<!tpu.dma_semaphore, #tpu.memory_space<semaphore_mem>>)
      %dma_wait3A = arith.constant 0 : i32
      %dma_wait3A_126 = arith.constant 0 : i32
      %dma_wait3A_127 = tpu.memref_slice %arg9[%run_scoped3A_71, %dma_wait3A, %dma_wait3A_126] : memref<2x128x32xf32, #tpu.memory_space<vmem>> -> memref<1x128x32xf32, #tpu.memory_space<vmem>>
      %dma_wait3A_128 = tpu.memref_squeeze %dma_wait3A_127 : memref<1x128x32xf32, #tpu.memory_space<vmem>> -> memref<128x32xf32, #tpu.memory_space<vmem>>
      %dma_wait3A_129 = arith.constant 0 : i32
      %dma_wait3A_130 = tpu.memref_slice %arg6[%arg0, %add3A_70, %dma_wait3A_129] : memref<2x10240x32xf32, #tpu.memory_space<hbm>> -> memref<1x128x32xf32, #tpu.memory_space<hbm>>
      %dma_wait3A_131 = tpu.memref_squeeze %dma_wait3A_130 : memref<1x128x32xf32, #tpu.memory_space<hbm>> -> memref<128x32xf32, #tpu.memory_space<hbm>>
      %dma_wait3A_132 = arith.constant 0 : i32
      %dma_wait3A_133 = tpu.memref_slice %arg6[%arg0, %add3A_70, %dma_wait3A_132] : memref<2x10240x32xf32, #tpu.memory_space<hbm>> -> memref<1x128x32xf32, #tpu.memory_space<hbm>>
      %dma_wait3A_134 = tpu.memref_squeeze %dma_wait3A_133 : memref<1x128x32xf32, #tpu.memory_space<hbm>> -> memref<128x32xf32, #tpu.memory_space<hbm>>
      %dma_wait3A_135 = arith.constant 0 : i32
      %dma_wait3A_136 = arith.constant 0 : i32
      %dma_wait3A_137 = tpu.memref_slice %arg9[%run_scoped3A_71, %dma_wait3A_135, %dma_wait3A_136] : memref<2x128x32xf32, #tpu.memory_space<vmem>> -> memref<1x128x32xf32, #tpu.memory_space<vmem>>
      %dma_wait3A_138 = tpu.memref_squeeze %dma_wait3A_137 : memref<1x128x32xf32, #tpu.memory_space<vmem>> -> memref<128x32xf32, #tpu.memory_space<vmem>>
      tpu.wait_dma2 semaphore(%run_scoped3A_112 : memref<!tpu.dma_semaphore, #tpu.memory_space<semaphore_mem>>) src(%dma_wait3A_138 : memref<128x32xf32, #tpu.memory_space<vmem>>) dst(%dma_wait3A_134 : memref<128x32xf32, #tpu.memory_space<hbm>>)
      tpu.yield
    }) : () -> ()
    %mul3A_72 = arith.constant 640 : i32
    %mul3A_73 = arith.muli %arg1, %mul3A_72 : i32
    %add3A_74 = arith.constant 128 : i32
    %add3A_75 = arith.addi %mul3A_73, %add3A_74 : i32
    %run_scoped3A_76 = arith.constant 0 : i32
    "tpu.region"() ({
      %run_scoped3A_112 = tpu.sem_alloc : memref<!tpu.dma_semaphore, #tpu.memory_space<semaphore_mem>>
      %dma_start3A = arith.constant 0 : i32
      %dma_start3A_113 = arith.constant 0 : i32
      %dma_start3A_114 = tpu.memref_slice %arg9[%run_scoped3A_76, %dma_start3A, %dma_start3A_113] : memref<2x128x32xf32, #tpu.memory_space<vmem>> -> memref<1x128x32xf32, #tpu.memory_space<vmem>>
      %dma_start3A_115 = tpu.memref_squeeze %dma_start3A_114 : memref<1x128x32xf32, #tpu.memory_space<vmem>> -> memref<128x32xf32, #tpu.memory_space<vmem>>
      %dma_start3A_116 = arith.constant 0 : i32
      %dma_start3A_117 = tpu.memref_slice %arg10[%add3A_75, %dma_start3A_116] : memref<10240x32xf32, #tpu.memory_space<vmem_shared>> -> memref<128x32xf32, #tpu.memory_space<vmem_shared>>
      %dma_start3A_118 = arith.constant 0 : i32
      %dma_start3A_119 = arith.constant 0 : i32
      %dma_start3A_120 = tpu.memref_slice %arg9[%run_scoped3A_76, %dma_start3A_118, %dma_start3A_119] : memref<2x128x32xf32, #tpu.memory_space<vmem>> -> memref<1x128x32xf32, #tpu.memory_space<vmem>>
      %dma_start3A_121 = tpu.memref_squeeze %dma_start3A_120 : memref<1x128x32xf32, #tpu.memory_space<vmem>> -> memref<128x32xf32, #tpu.memory_space<vmem>>
      %dma_start3A_122 = arith.constant 0 : i32
      %dma_start3A_123 = tpu.memref_slice %arg10[%add3A_75, %dma_start3A_122] : memref<10240x32xf32, #tpu.memory_space<vmem_shared>> -> memref<128x32xf32, #tpu.memory_space<vmem_shared>>
      tpu.enqueue_dma source(%dma_start3A_123 : memref<128x32xf32, #tpu.memory_space<vmem_shared>>) target(%dma_start3A_121 : memref<128x32xf32, #tpu.memory_space<vmem>>) target_semaphore(%run_scoped3A_112 : memref<!tpu.dma_semaphore, #tpu.memory_space<semaphore_mem>>)
      %dma_wait3A = arith.constant 0 : i32
      %dma_wait3A_124 = arith.constant 0 : i32
      %dma_wait3A_125 = tpu.memref_slice %arg9[%run_scoped3A_76, %dma_wait3A, %dma_wait3A_124] : memref<2x128x32xf32, #tpu.memory_space<vmem>> -> memref<1x128x32xf32, #tpu.memory_space<vmem>>
      %dma_wait3A_126 = tpu.memref_squeeze %dma_wait3A_125 : memref<1x128x32xf32, #tpu.memory_space<vmem>> -> memref<128x32xf32, #tpu.memory_space<vmem>>
      %dma_wait3A_127 = arith.constant 0 : i32
      %dma_wait3A_128 = tpu.memref_slice %arg10[%add3A_75, %dma_wait3A_127] : memref<10240x32xf32, #tpu.memory_space<vmem_shared>> -> memref<128x32xf32, #tpu.memory_space<vmem_shared>>
      %dma_wait3A_129 = arith.constant 0 : i32
      %dma_wait3A_130 = arith.constant 0 : i32
      %dma_wait3A_131 = tpu.memref_slice %arg9[%run_scoped3A_76, %dma_wait3A_129, %dma_wait3A_130] : memref<2x128x32xf32, #tpu.memory_space<vmem>> -> memref<1x128x32xf32, #tpu.memory_space<vmem>>
      %dma_wait3A_132 = tpu.memref_squeeze %dma_wait3A_131 : memref<1x128x32xf32, #tpu.memory_space<vmem>> -> memref<128x32xf32, #tpu.memory_space<vmem>>
      %dma_wait3A_133 = arith.constant 0 : i32
      %dma_wait3A_134 = tpu.memref_slice %arg10[%add3A_75, %dma_wait3A_133] : memref<10240x32xf32, #tpu.memory_space<vmem_shared>> -> memref<128x32xf32, #tpu.memory_space<vmem_shared>>
      tpu.wait_dma2 semaphore(%run_scoped3A_112 : memref<!tpu.dma_semaphore, #tpu.memory_space<semaphore_mem>>) src(%dma_wait3A_134 : memref<128x32xf32, #tpu.memory_space<vmem_shared>>) dst(%dma_wait3A_132 : memref<128x32xf32, #tpu.memory_space<vmem>>)
      tpu.yield
    }) : () -> ()
    %mul3A_77 = arith.constant 640 : i32
    %mul3A_78 = arith.muli %arg1, %mul3A_77 : i32
    %add3A_79 = arith.constant 128 : i32
    %add3A_80 = arith.addi %mul3A_78, %add3A_79 : i32
    %run_scoped3A_81 = arith.constant 0 : i32
    "tpu.region"() ({
      %run_scoped3A_112 = tpu.sem_alloc : memref<!tpu.dma_semaphore, #tpu.memory_space<semaphore_mem>>
      %dma_start3A = arith.constant 0 : i32
      %dma_start3A_113 = arith.constant 0 : i32
      %dma_start3A_114 = tpu.memref_slice %arg9[%run_scoped3A_81, %dma_start3A, %dma_start3A_113] : memref<2x128x32xf32, #tpu.memory_space<vmem>> -> memref<1x128x32xf32, #tpu.memory_space<vmem>>
      %dma_start3A_115 = tpu.memref_squeeze %dma_start3A_114 : memref<1x128x32xf32, #tpu.memory_space<vmem>> -> memref<128x32xf32, #tpu.memory_space<vmem>>
      %dma_start3A_116 = arith.constant 0 : i32
      %dma_start3A_117 = tpu.memref_slice %arg6[%arg0, %add3A_80, %dma_start3A_116] : memref<2x10240x32xf32, #tpu.memory_space<hbm>> -> memref<1x128x32xf32, #tpu.memory_space<hbm>>
      %dma_start3A_118 = tpu.memref_squeeze %dma_start3A_117 : memref<1x128x32xf32, #tpu.memory_space<hbm>> -> memref<128x32xf32, #tpu.memory_space<hbm>>
      %dma_start3A_119 = arith.constant 0 : i32
      %dma_start3A_120 = tpu.memref_slice %arg6[%arg0, %add3A_80, %dma_start3A_119] : memref<2x10240x32xf32, #tpu.memory_space<hbm>> -> memref<1x128x32xf32, #tpu.memory_space<hbm>>
      %dma_start3A_121 = tpu.memref_squeeze %dma_start3A_120 : memref<1x128x32xf32, #tpu.memory_space<hbm>> -> memref<128x32xf32, #tpu.memory_space<hbm>>
      %dma_start3A_122 = arith.constant 0 : i32
      %dma_start3A_123 = arith.constant 0 : i32
      %dma_start3A_124 = tpu.memref_slice %arg9[%run_scoped3A_81, %dma_start3A_122, %dma_start3A_123] : memref<2x128x32xf32, #tpu.memory_space<vmem>> -> memref<1x128x32xf32, #tpu.memory_space<vmem>>
      %dma_start3A_125 = tpu.memref_squeeze %dma_start3A_124 : memref<1x128x32xf32, #tpu.memory_space<vmem>> -> memref<128x32xf32, #tpu.memory_space<vmem>>
      tpu.enqueue_dma source(%dma_start3A_125 : memref<128x32xf32, #tpu.memory_space<vmem>>) target(%dma_start3A_121 : memref<128x32xf32, #tpu.memory_space<hbm>>) target_semaphore(%run_scoped3A_112 : memref<!tpu.dma_semaphore, #tpu.memory_space<semaphore_mem>>)
      %dma_wait3A = arith.constant 0 : i32
      %dma_wait3A_126 = arith.constant 0 : i32
      %dma_wait3A_127 = tpu.memref_slice %arg9[%run_scoped3A_81, %dma_wait3A, %dma_wait3A_126] : memref<2x128x32xf32, #tpu.memory_space<vmem>> -> memref<1x128x32xf32, #tpu.memory_space<vmem>>
      %dma_wait3A_128 = tpu.memref_squeeze %dma_wait3A_127 : memref<1x128x32xf32, #tpu.memory_space<vmem>> -> memref<128x32xf32, #tpu.memory_space<vmem>>
      %dma_wait3A_129 = arith.constant 0 : i32
      %dma_wait3A_130 = tpu.memref_slice %arg6[%arg0, %add3A_80, %dma_wait3A_129] : memref<2x10240x32xf32, #tpu.memory_space<hbm>> -> memref<1x128x32xf32, #tpu.memory_space<hbm>>
      %dma_wait3A_131 = tpu.memref_squeeze %dma_wait3A_130 : memref<1x128x32xf32, #tpu.memory_space<hbm>> -> memref<128x32xf32, #tpu.memory_space<hbm>>
      %dma_wait3A_132 = arith.constant 0 : i32
      %dma_wait3A_133 = tpu.memref_slice %arg6[%arg0, %add3A_80, %dma_wait3A_132] : memref<2x10240x32xf32, #tpu.memory_space<hbm>> -> memref<1x128x32xf32, #tpu.memory_space<hbm>>
      %dma_wait3A_134 = tpu.memref_squeeze %dma_wait3A_133 : memref<1x128x32xf32, #tpu.memory_space<hbm>> -> memref<128x32xf32, #tpu.memory_space<hbm>>
      %dma_wait3A_135 = arith.constant 0 : i32
      %dma_wait3A_136 = arith.constant 0 : i32
      %dma_wait3A_137 = tpu.memref_slice %arg9[%run_scoped3A_81, %dma_wait3A_135, %dma_wait3A_136] : memref<2x128x32xf32, #tpu.memory_space<vmem>> -> memref<1x128x32xf32, #tpu.memory_space<vmem>>
      %dma_wait3A_138 = tpu.memref_squeeze %dma_wait3A_137 : memref<1x128x32xf32, #tpu.memory_space<vmem>> -> memref<128x32xf32, #tpu.memory_space<vmem>>
      tpu.wait_dma2 semaphore(%run_scoped3A_112 : memref<!tpu.dma_semaphore, #tpu.memory_space<semaphore_mem>>) src(%dma_wait3A_138 : memref<128x32xf32, #tpu.memory_space<vmem>>) dst(%dma_wait3A_134 : memref<128x32xf32, #tpu.memory_space<hbm>>)
      tpu.yield
    }) : () -> ()
    %mul3A_82 = arith.constant 640 : i32
    %mul3A_83 = arith.muli %arg1, %mul3A_82 : i32
    %add3A_84 = arith.constant 256 : i32
    %add3A_85 = arith.addi %mul3A_83, %add3A_84 : i32
    %run_scoped3A_86 = arith.constant 0 : i32
    "tpu.region"() ({
      %run_scoped3A_112 = tpu.sem_alloc : memref<!tpu.dma_semaphore, #tpu.memory_space<semaphore_mem>>
      %dma_start3A = arith.constant 0 : i32
      %dma_start3A_113 = arith.constant 0 : i32
      %dma_start3A_114 = tpu.memref_slice %arg9[%run_scoped3A_86, %dma_start3A, %dma_start3A_113] : memref<2x128x32xf32, #tpu.memory_space<vmem>> -> memref<1x128x32xf32, #tpu.memory_space<vmem>>
      %dma_start3A_115 = tpu.memref_squeeze %dma_start3A_114 : memref<1x128x32xf32, #tpu.memory_space<vmem>> -> memref<128x32xf32, #tpu.memory_space<vmem>>
      %dma_start3A_116 = arith.constant 0 : i32
      %dma_start3A_117 = tpu.memref_slice %arg10[%add3A_85, %dma_start3A_116] : memref<10240x32xf32, #tpu.memory_space<vmem_shared>> -> memref<128x32xf32, #tpu.memory_space<vmem_shared>>
      %dma_start3A_118 = arith.constant 0 : i32
      %dma_start3A_119 = arith.constant 0 : i32
      %dma_start3A_120 = tpu.memref_slice %arg9[%run_scoped3A_86, %dma_start3A_118, %dma_start3A_119] : memref<2x128x32xf32, #tpu.memory_space<vmem>> -> memref<1x128x32xf32, #tpu.memory_space<vmem>>
      %dma_start3A_121 = tpu.memref_squeeze %dma_start3A_120 : memref<1x128x32xf32, #tpu.memory_space<vmem>> -> memref<128x32xf32, #tpu.memory_space<vmem>>
      %dma_start3A_122 = arith.constant 0 : i32
      %dma_start3A_123 = tpu.memref_slice %arg10[%add3A_85, %dma_start3A_122] : memref<10240x32xf32, #tpu.memory_space<vmem_shared>> -> memref<128x32xf32, #tpu.memory_space<vmem_shared>>
      tpu.enqueue_dma source(%dma_start3A_123 : memref<128x32xf32, #tpu.memory_space<vmem_shared>>) target(%dma_start3A_121 : memref<128x32xf32, #tpu.memory_space<vmem>>) target_semaphore(%run_scoped3A_112 : memref<!tpu.dma_semaphore, #tpu.memory_space<semaphore_mem>>)
      %dma_wait3A = arith.constant 0 : i32
      %dma_wait3A_124 = arith.constant 0 : i32
      %dma_wait3A_125 = tpu.memref_slice %arg9[%run_scoped3A_86, %dma_wait3A, %dma_wait3A_124] : memref<2x128x32xf32, #tpu.memory_space<vmem>> -> memref<1x128x32xf32, #tpu.memory_space<vmem>>
      %dma_wait3A_126 = tpu.memref_squeeze %dma_wait3A_125 : memref<1x128x32xf32, #tpu.memory_space<vmem>> -> memref<128x32xf32, #tpu.memory_space<vmem>>
      %dma_wait3A_127 = arith.constant 0 : i32
      %dma_wait3A_128 = tpu.memref_slice %arg10[%add3A_85, %dma_wait3A_127] : memref<10240x32xf32, #tpu.memory_space<vmem_shared>> -> memref<128x32xf32, #tpu.memory_space<vmem_shared>>
      %dma_wait3A_129 = arith.constant 0 : i32
      %dma_wait3A_130 = arith.constant 0 : i32
      %dma_wait3A_131 = tpu.memref_slice %arg9[%run_scoped3A_86, %dma_wait3A_129, %dma_wait3A_130] : memref<2x128x32xf32, #tpu.memory_space<vmem>> -> memref<1x128x32xf32, #tpu.memory_space<vmem>>
      %dma_wait3A_132 = tpu.memref_squeeze %dma_wait3A_131 : memref<1x128x32xf32, #tpu.memory_space<vmem>> -> memref<128x32xf32, #tpu.memory_space<vmem>>
      %dma_wait3A_133 = arith.constant 0 : i32
      %dma_wait3A_134 = tpu.memref_slice %arg10[%add3A_85, %dma_wait3A_133] : memref<10240x32xf32, #tpu.memory_space<vmem_shared>> -> memref<128x32xf32, #tpu.memory_space<vmem_shared>>
      tpu.wait_dma2 semaphore(%run_scoped3A_112 : memref<!tpu.dma_semaphore, #tpu.memory_space<semaphore_mem>>) src(%dma_wait3A_134 : memref<128x32xf32, #tpu.memory_space<vmem_shared>>) dst(%dma_wait3A_132 : memref<128x32xf32, #tpu.memory_space<vmem>>)
      tpu.yield
    }) : () -> ()
    %mul3A_87 = arith.constant 640 : i32
    %mul3A_88 = arith.muli %arg1, %mul3A_87 : i32
    %add3A_89 = arith.constant 256 : i32
    %add3A_90 = arith.addi %mul3A_88, %add3A_89 : i32
    %run_scoped3A_91 = arith.constant 0 : i32
    "tpu.region"() ({
      %run_scoped3A_112 = tpu.sem_alloc : memref<!tpu.dma_semaphore, #tpu.memory_space<semaphore_mem>>
      %dma_start3A = arith.constant 0 : i32
      %dma_start3A_113 = arith.constant 0 : i32
      %dma_start3A_114 = tpu.memref_slice %arg9[%run_scoped3A_91, %dma_start3A, %dma_start3A_113] : memref<2x128x32xf32, #tpu.memory_space<vmem>> -> memref<1x128x32xf32, #tpu.memory_space<vmem>>
      %dma_start3A_115 = tpu.memref_squeeze %dma_start3A_114 : memref<1x128x32xf32, #tpu.memory_space<vmem>> -> memref<128x32xf32, #tpu.memory_space<vmem>>
      %dma_start3A_116 = arith.constant 0 : i32
      %dma_start3A_117 = tpu.memref_slice %arg6[%arg0, %add3A_90, %dma_start3A_116] : memref<2x10240x32xf32, #tpu.memory_space<hbm>> -> memref<1x128x32xf32, #tpu.memory_space<hbm>>
      %dma_start3A_118 = tpu.memref_squeeze %dma_start3A_117 : memref<1x128x32xf32, #tpu.memory_space<hbm>> -> memref<128x32xf32, #tpu.memory_space<hbm>>
      %dma_start3A_119 = arith.constant 0 : i32
      %dma_start3A_120 = tpu.memref_slice %arg6[%arg0, %add3A_90, %dma_start3A_119] : memref<2x10240x32xf32, #tpu.memory_space<hbm>> -> memref<1x128x32xf32, #tpu.memory_space<hbm>>
      %dma_start3A_121 = tpu.memref_squeeze %dma_start3A_120 : memref<1x128x32xf32, #tpu.memory_space<hbm>> -> memref<128x32xf32, #tpu.memory_space<hbm>>
      %dma_start3A_122 = arith.constant 0 : i32
      %dma_start3A_123 = arith.constant 0 : i32
      %dma_start3A_124 = tpu.memref_slice %arg9[%run_scoped3A_91, %dma_start3A_122, %dma_start3A_123] : memref<2x128x32xf32, #tpu.memory_space<vmem>> -> memref<1x128x32xf32, #tpu.memory_space<vmem>>
      %dma_start3A_125 = tpu.memref_squeeze %dma_start3A_124 : memref<1x128x32xf32, #tpu.memory_space<vmem>> -> memref<128x32xf32, #tpu.memory_space<vmem>>
      tpu.enqueue_dma source(%dma_start3A_125 : memref<128x32xf32, #tpu.memory_space<vmem>>) target(%dma_start3A_121 : memref<128x32xf32, #tpu.memory_space<hbm>>) target_semaphore(%run_scoped3A_112 : memref<!tpu.dma_semaphore, #tpu.memory_space<semaphore_mem>>)
      %dma_wait3A = arith.constant 0 : i32
      %dma_wait3A_126 = arith.constant 0 : i32
      %dma_wait3A_127 = tpu.memref_slice %arg9[%run_scoped3A_91, %dma_wait3A, %dma_wait3A_126] : memref<2x128x32xf32, #tpu.memory_space<vmem>> -> memref<1x128x32xf32, #tpu.memory_space<vmem>>
      %dma_wait3A_128 = tpu.memref_squeeze %dma_wait3A_127 : memref<1x128x32xf32, #tpu.memory_space<vmem>> -> memref<128x32xf32, #tpu.memory_space<vmem>>
      %dma_wait3A_129 = arith.constant 0 : i32
      %dma_wait3A_130 = tpu.memref_slice %arg6[%arg0, %add3A_90, %dma_wait3A_129] : memref<2x10240x32xf32, #tpu.memory_space<hbm>> -> memref<1x128x32xf32, #tpu.memory_space<hbm>>
      %dma_wait3A_131 = tpu.memref_squeeze %dma_wait3A_130 : memref<1x128x32xf32, #tpu.memory_space<hbm>> -> memref<128x32xf32, #tpu.memory_space<hbm>>
      %dma_wait3A_132 = arith.constant 0 : i32
      %dma_wait3A_133 = tpu.memref_slice %arg6[%arg0, %add3A_90, %dma_wait3A_132] : memref<2x10240x32xf32, #tpu.memory_space<hbm>> -> memref<1x128x32xf32, #tpu.memory_space<hbm>>
      %dma_wait3A_134 = tpu.memref_squeeze %dma_wait3A_133 : memref<1x128x32xf32, #tpu.memory_space<hbm>> -> memref<128x32xf32, #tpu.memory_space<hbm>>
      %dma_wait3A_135 = arith.constant 0 : i32
      %dma_wait3A_136 = arith.constant 0 : i32
      %dma_wait3A_137 = tpu.memref_slice %arg9[%run_scoped3A_91, %dma_wait3A_135, %dma_wait3A_136] : memref<2x128x32xf32, #tpu.memory_space<vmem>> -> memref<1x128x32xf32, #tpu.memory_space<vmem>>
      %dma_wait3A_138 = tpu.memref_squeeze %dma_wait3A_137 : memref<1x128x32xf32, #tpu.memory_space<vmem>> -> memref<128x32xf32, #tpu.memory_space<vmem>>
      tpu.wait_dma2 semaphore(%run_scoped3A_112 : memref<!tpu.dma_semaphore, #tpu.memory_space<semaphore_mem>>) src(%dma_wait3A_138 : memref<128x32xf32, #tpu.memory_space<vmem>>) dst(%dma_wait3A_134 : memref<128x32xf32, #tpu.memory_space<hbm>>)
      tpu.yield
    }) : () -> ()
    %mul3A_92 = arith.constant 640 : i32
    %mul3A_93 = arith.muli %arg1, %mul3A_92 : i32
    %add3A_94 = arith.constant 384 : i32
    %add3A_95 = arith.addi %mul3A_93, %add3A_94 : i32
    %run_scoped3A_96 = arith.constant 0 : i32
    "tpu.region"() ({
      %run_scoped3A_112 = tpu.sem_alloc : memref<!tpu.dma_semaphore, #tpu.memory_space<semaphore_mem>>
      %dma_start3A = arith.constant 0 : i32
      %dma_start3A_113 = arith.constant 0 : i32
      %dma_start3A_114 = tpu.memref_slice %arg9[%run_scoped3A_96, %dma_start3A, %dma_start3A_113] : memref<2x128x32xf32, #tpu.memory_space<vmem>> -> memref<1x128x32xf32, #tpu.memory_space<vmem>>
      %dma_start3A_115 = tpu.memref_squeeze %dma_start3A_114 : memref<1x128x32xf32, #tpu.memory_space<vmem>> -> memref<128x32xf32, #tpu.memory_space<vmem>>
      %dma_start3A_116 = arith.constant 0 : i32
      %dma_start3A_117 = tpu.memref_slice %arg10[%add3A_95, %dma_start3A_116] : memref<10240x32xf32, #tpu.memory_space<vmem_shared>> -> memref<128x32xf32, #tpu.memory_space<vmem_shared>>
      %dma_start3A_118 = arith.constant 0 : i32
      %dma_start3A_119 = arith.constant 0 : i32
      %dma_start3A_120 = tpu.memref_slice %arg9[%run_scoped3A_96, %dma_start3A_118, %dma_start3A_119] : memref<2x128x32xf32, #tpu.memory_space<vmem>> -> memref<1x128x32xf32, #tpu.memory_space<vmem>>
      %dma_start3A_121 = tpu.memref_squeeze %dma_start3A_120 : memref<1x128x32xf32, #tpu.memory_space<vmem>> -> memref<128x32xf32, #tpu.memory_space<vmem>>
      %dma_start3A_122 = arith.constant 0 : i32
      %dma_start3A_123 = tpu.memref_slice %arg10[%add3A_95, %dma_start3A_122] : memref<10240x32xf32, #tpu.memory_space<vmem_shared>> -> memref<128x32xf32, #tpu.memory_space<vmem_shared>>
      tpu.enqueue_dma source(%dma_start3A_123 : memref<128x32xf32, #tpu.memory_space<vmem_shared>>) target(%dma_start3A_121 : memref<128x32xf32, #tpu.memory_space<vmem>>) target_semaphore(%run_scoped3A_112 : memref<!tpu.dma_semaphore, #tpu.memory_space<semaphore_mem>>)
      %dma_wait3A = arith.constant 0 : i32
      %dma_wait3A_124 = arith.constant 0 : i32
      %dma_wait3A_125 = tpu.memref_slice %arg9[%run_scoped3A_96, %dma_wait3A, %dma_wait3A_124] : memref<2x128x32xf32, #tpu.memory_space<vmem>> -> memref<1x128x32xf32, #tpu.memory_space<vmem>>
      %dma_wait3A_126 = tpu.memref_squeeze %dma_wait3A_125 : memref<1x128x32xf32, #tpu.memory_space<vmem>> -> memref<128x32xf32, #tpu.memory_space<vmem>>
      %dma_wait3A_127 = arith.constant 0 : i32
      %dma_wait3A_128 = tpu.memref_slice %arg10[%add3A_95, %dma_wait3A_127] : memref<10240x32xf32, #tpu.memory_space<vmem_shared>> -> memref<128x32xf32, #tpu.memory_space<vmem_shared>>
      %dma_wait3A_129 = arith.constant 0 : i32
      %dma_wait3A_130 = arith.constant 0 : i32
      %dma_wait3A_131 = tpu.memref_slice %arg9[%run_scoped3A_96, %dma_wait3A_129, %dma_wait3A_130] : memref<2x128x32xf32, #tpu.memory_space<vmem>> -> memref<1x128x32xf32, #tpu.memory_space<vmem>>
      %dma_wait3A_132 = tpu.memref_squeeze %dma_wait3A_131 : memref<1x128x32xf32, #tpu.memory_space<vmem>> -> memref<128x32xf32, #tpu.memory_space<vmem>>
      %dma_wait3A_133 = arith.constant 0 : i32
      %dma_wait3A_134 = tpu.memref_slice %arg10[%add3A_95, %dma_wait3A_133] : memref<10240x32xf32, #tpu.memory_space<vmem_shared>> -> memref<128x32xf32, #tpu.memory_space<vmem_shared>>
      tpu.wait_dma2 semaphore(%run_scoped3A_112 : memref<!tpu.dma_semaphore, #tpu.memory_space<semaphore_mem>>) src(%dma_wait3A_134 : memref<128x32xf32, #tpu.memory_space<vmem_shared>>) dst(%dma_wait3A_132 : memref<128x32xf32, #tpu.memory_space<vmem>>)
      tpu.yield
    }) : () -> ()
    %mul3A_97 = arith.constant 640 : i32
    %mul3A_98 = arith.muli %arg1, %mul3A_97 : i32
    %add3A_99 = arith.constant 384 : i32
    %add3A_100 = arith.addi %mul3A_98, %add3A_99 : i32
    %run_scoped3A_101 = arith.constant 0 : i32
    "tpu.region"() ({
      %run_scoped3A_112 = tpu.sem_alloc : memref<!tpu.dma_semaphore, #tpu.memory_space<semaphore_mem>>
      %dma_start3A = arith.constant 0 : i32
      %dma_start3A_113 = arith.constant 0 : i32
      %dma_start3A_114 = tpu.memref_slice %arg9[%run_scoped3A_101, %dma_start3A, %dma_start3A_113] : memref<2x128x32xf32, #tpu.memory_space<vmem>> -> memref<1x128x32xf32, #tpu.memory_space<vmem>>
      %dma_start3A_115 = tpu.memref_squeeze %dma_start3A_114 : memref<1x128x32xf32, #tpu.memory_space<vmem>> -> memref<128x32xf32, #tpu.memory_space<vmem>>
      %dma_start3A_116 = arith.constant 0 : i32
      %dma_start3A_117 = tpu.memref_slice %arg6[%arg0, %add3A_100, %dma_start3A_116] : memref<2x10240x32xf32, #tpu.memory_space<hbm>> -> memref<1x128x32xf32, #tpu.memory_space<hbm>>
      %dma_start3A_118 = tpu.memref_squeeze %dma_start3A_117 : memref<1x128x32xf32, #tpu.memory_space<hbm>> -> memref<128x32xf32, #tpu.memory_space<hbm>>
      %dma_start3A_119 = arith.constant 0 : i32
      %dma_start3A_120 = tpu.memref_slice %arg6[%arg0, %add3A_100, %dma_start3A_119] : memref<2x10240x32xf32, #tpu.memory_space<hbm>> -> memref<1x128x32xf32, #tpu.memory_space<hbm>>
      %dma_start3A_121 = tpu.memref_squeeze %dma_start3A_120 : memref<1x128x32xf32, #tpu.memory_space<hbm>> -> memref<128x32xf32, #tpu.memory_space<hbm>>
      %dma_start3A_122 = arith.constant 0 : i32
      %dma_start3A_123 = arith.constant 0 : i32
      %dma_start3A_124 = tpu.memref_slice %arg9[%run_scoped3A_101, %dma_start3A_122, %dma_start3A_123] : memref<2x128x32xf32, #tpu.memory_space<vmem>> -> memref<1x128x32xf32, #tpu.memory_space<vmem>>
      %dma_start3A_125 = tpu.memref_squeeze %dma_start3A_124 : memref<1x128x32xf32, #tpu.memory_space<vmem>> -> memref<128x32xf32, #tpu.memory_space<vmem>>
      tpu.enqueue_dma source(%dma_start3A_125 : memref<128x32xf32, #tpu.memory_space<vmem>>) target(%dma_start3A_121 : memref<128x32xf32, #tpu.memory_space<hbm>>) target_semaphore(%run_scoped3A_112 : memref<!tpu.dma_semaphore, #tpu.memory_space<semaphore_mem>>)
      %dma_wait3A = arith.constant 0 : i32
      %dma_wait3A_126 = arith.constant 0 : i32
      %dma_wait3A_127 = tpu.memref_slice %arg9[%run_scoped3A_101, %dma_wait3A, %dma_wait3A_126] : memref<2x128x32xf32, #tpu.memory_space<vmem>> -> memref<1x128x32xf32, #tpu.memory_space<vmem>>
      %dma_wait3A_128 = tpu.memref_squeeze %dma_wait3A_127 : memref<1x128x32xf32, #tpu.memory_space<vmem>> -> memref<128x32xf32, #tpu.memory_space<vmem>>
      %dma_wait3A_129 = arith.constant 0 : i32
      %dma_wait3A_130 = tpu.memref_slice %arg6[%arg0, %add3A_100, %dma_wait3A_129] : memref<2x10240x32xf32, #tpu.memory_space<hbm>> -> memref<1x128x32xf32, #tpu.memory_space<hbm>>
      %dma_wait3A_131 = tpu.memref_squeeze %dma_wait3A_130 : memref<1x128x32xf32, #tpu.memory_space<hbm>> -> memref<128x32xf32, #tpu.memory_space<hbm>>
      %dma_wait3A_132 = arith.constant 0 : i32
      %dma_wait3A_133 = tpu.memref_slice %arg6[%arg0, %add3A_100, %dma_wait3A_132] : memref<2x10240x32xf32, #tpu.memory_space<hbm>> -> memref<1x128x32xf32, #tpu.memory_space<hbm>>
      %dma_wait3A_134 = tpu.memref_squeeze %dma_wait3A_133 : memref<1x128x32xf32, #tpu.memory_space<hbm>> -> memref<128x32xf32, #tpu.memory_space<hbm>>
      %dma_wait3A_135 = arith.constant 0 : i32
      %dma_wait3A_136 = arith.constant 0 : i32
      %dma_wait3A_137 = tpu.memref_slice %arg9[%run_scoped3A_101, %dma_wait3A_135, %dma_wait3A_136] : memref<2x128x32xf32, #tpu.memory_space<vmem>> -> memref<1x128x32xf32, #tpu.memory_space<vmem>>
      %dma_wait3A_138 = tpu.memref_squeeze %dma_wait3A_137 : memref<1x128x32xf32, #tpu.memory_space<vmem>> -> memref<128x32xf32, #tpu.memory_space<vmem>>
      tpu.wait_dma2 semaphore(%run_scoped3A_112 : memref<!tpu.dma_semaphore, #tpu.memory_space<semaphore_mem>>) src(%dma_wait3A_138 : memref<128x32xf32, #tpu.memory_space<vmem>>) dst(%dma_wait3A_134 : memref<128x32xf32, #tpu.memory_space<hbm>>)
      tpu.yield
    }) : () -> ()
    %mul3A_102 = arith.constant 640 : i32
    %mul3A_103 = arith.muli %arg1, %mul3A_102 : i32
    %add3A_104 = arith.constant 512 : i32
    %add3A_105 = arith.addi %mul3A_103, %add3A_104 : i32
    %run_scoped3A_106 = arith.constant 0 : i32
    "tpu.region"() ({
      %run_scoped3A_112 = tpu.sem_alloc : memref<!tpu.dma_semaphore, #tpu.memory_space<semaphore_mem>>
      %dma_start3A = arith.constant 0 : i32
      %dma_start3A_113 = arith.constant 0 : i32
      %dma_start3A_114 = tpu.memref_slice %arg9[%run_scoped3A_106, %dma_start3A, %dma_start3A_113] : memref<2x128x32xf32, #tpu.memory_space<vmem>> -> memref<1x128x32xf32, #tpu.memory_space<vmem>>
      %dma_start3A_115 = tpu.memref_squeeze %dma_start3A_114 : memref<1x128x32xf32, #tpu.memory_space<vmem>> -> memref<128x32xf32, #tpu.memory_space<vmem>>
      %dma_start3A_116 = arith.constant 0 : i32
      %dma_start3A_117 = tpu.memref_slice %arg10[%add3A_105, %dma_start3A_116] : memref<10240x32xf32, #tpu.memory_space<vmem_shared>> -> memref<128x32xf32, #tpu.memory_space<vmem_shared>>
      %dma_start3A_118 = arith.constant 0 : i32
      %dma_start3A_119 = arith.constant 0 : i32
      %dma_start3A_120 = tpu.memref_slice %arg9[%run_scoped3A_106, %dma_start3A_118, %dma_start3A_119] : memref<2x128x32xf32, #tpu.memory_space<vmem>> -> memref<1x128x32xf32, #tpu.memory_space<vmem>>
      %dma_start3A_121 = tpu.memref_squeeze %dma_start3A_120 : memref<1x128x32xf32, #tpu.memory_space<vmem>> -> memref<128x32xf32, #tpu.memory_space<vmem>>
      %dma_start3A_122 = arith.constant 0 : i32
      %dma_start3A_123 = tpu.memref_slice %arg10[%add3A_105, %dma_start3A_122] : memref<10240x32xf32, #tpu.memory_space<vmem_shared>> -> memref<128x32xf32, #tpu.memory_space<vmem_shared>>
      tpu.enqueue_dma source(%dma_start3A_123 : memref<128x32xf32, #tpu.memory_space<vmem_shared>>) target(%dma_start3A_121 : memref<128x32xf32, #tpu.memory_space<vmem>>) target_semaphore(%run_scoped3A_112 : memref<!tpu.dma_semaphore, #tpu.memory_space<semaphore_mem>>)
      %dma_wait3A = arith.constant 0 : i32
      %dma_wait3A_124 = arith.constant 0 : i32
      %dma_wait3A_125 = tpu.memref_slice %arg9[%run_scoped3A_106, %dma_wait3A, %dma_wait3A_124] : memref<2x128x32xf32, #tpu.memory_space<vmem>> -> memref<1x128x32xf32, #tpu.memory_space<vmem>>
      %dma_wait3A_126 = tpu.memref_squeeze %dma_wait3A_125 : memref<1x128x32xf32, #tpu.memory_space<vmem>> -> memref<128x32xf32, #tpu.memory_space<vmem>>
      %dma_wait3A_127 = arith.constant 0 : i32
      %dma_wait3A_128 = tpu.memref_slice %arg10[%add3A_105, %dma_wait3A_127] : memref<10240x32xf32, #tpu.memory_space<vmem_shared>> -> memref<128x32xf32, #tpu.memory_space<vmem_shared>>
      %dma_wait3A_129 = arith.constant 0 : i32
      %dma_wait3A_130 = arith.constant 0 : i32
      %dma_wait3A_131 = tpu.memref_slice %arg9[%run_scoped3A_106, %dma_wait3A_129, %dma_wait3A_130] : memref<2x128x32xf32, #tpu.memory_space<vmem>> -> memref<1x128x32xf32, #tpu.memory_space<vmem>>
      %dma_wait3A_132 = tpu.memref_squeeze %dma_wait3A_131 : memref<1x128x32xf32, #tpu.memory_space<vmem>> -> memref<128x32xf32, #tpu.memory_space<vmem>>
      %dma_wait3A_133 = arith.constant 0 : i32
      %dma_wait3A_134 = tpu.memref_slice %arg10[%add3A_105, %dma_wait3A_133] : memref<10240x32xf32, #tpu.memory_space<vmem_shared>> -> memref<128x32xf32, #tpu.memory_space<vmem_shared>>
      tpu.wait_dma2 semaphore(%run_scoped3A_112 : memref<!tpu.dma_semaphore, #tpu.memory_space<semaphore_mem>>) src(%dma_wait3A_134 : memref<128x32xf32, #tpu.memory_space<vmem_shared>>) dst(%dma_wait3A_132 : memref<128x32xf32, #tpu.memory_space<vmem>>)
      tpu.yield
    }) : () -> ()
    %mul3A_107 = arith.constant 640 : i32
    %mul3A_108 = arith.muli %arg1, %mul3A_107 : i32
    %add3A_109 = arith.constant 512 : i32
    %add3A_110 = arith.addi %mul3A_108, %add3A_109 : i32
    %run_scoped3A_111 = arith.constant 0 : i32
    "tpu.region"() ({
      %run_scoped3A_112 = tpu.sem_alloc : memref<!tpu.dma_semaphore, #tpu.memory_space<semaphore_mem>>
      %dma_start3A = arith.constant 0 : i32
      %dma_start3A_113 = arith.constant 0 : i32
      %dma_start3A_114 = tpu.memref_slice %arg9[%run_scoped3A_111, %dma_start3A, %dma_start3A_113] : memref<2x128x32xf32, #tpu.memory_space<vmem>> -> memref<1x128x32xf32, #tpu.memory_space<vmem>>
      %dma_start3A_115 = tpu.memref_squeeze %dma_start3A_114 : memref<1x128x32xf32, #tpu.memory_space<vmem>> -> memref<128x32xf32, #tpu.memory_space<vmem>>
      %dma_start3A_116 = arith.constant 0 : i32
      %dma_start3A_117 = tpu.memref_slice %arg6[%arg0, %add3A_110, %dma_start3A_116] : memref<2x10240x32xf32, #tpu.memory_space<hbm>> -> memref<1x128x32xf32, #tpu.memory_space<hbm>>
      %dma_start3A_118 = tpu.memref_squeeze %dma_start3A_117 : memref<1x128x32xf32, #tpu.memory_space<hbm>> -> memref<128x32xf32, #tpu.memory_space<hbm>>
      %dma_start3A_119 = arith.constant 0 : i32
      %dma_start3A_120 = tpu.memref_slice %arg6[%arg0, %add3A_110, %dma_start3A_119] : memref<2x10240x32xf32, #tpu.memory_space<hbm>> -> memref<1x128x32xf32, #tpu.memory_space<hbm>>
      %dma_start3A_121 = tpu.memref_squeeze %dma_start3A_120 : memref<1x128x32xf32, #tpu.memory_space<hbm>> -> memref<128x32xf32, #tpu.memory_space<hbm>>
      %dma_start3A_122 = arith.constant 0 : i32
      %dma_start3A_123 = arith.constant 0 : i32
      %dma_start3A_124 = tpu.memref_slice %arg9[%run_scoped3A_111, %dma_start3A_122, %dma_start3A_123] : memref<2x128x32xf32, #tpu.memory_space<vmem>> -> memref<1x128x32xf32, #tpu.memory_space<vmem>>
      %dma_start3A_125 = tpu.memref_squeeze %dma_start3A_124 : memref<1x128x32xf32, #tpu.memory_space<vmem>> -> memref<128x32xf32, #tpu.memory_space<vmem>>
      tpu.enqueue_dma source(%dma_start3A_125 : memref<128x32xf32, #tpu.memory_space<vmem>>) target(%dma_start3A_121 : memref<128x32xf32, #tpu.memory_space<hbm>>) target_semaphore(%run_scoped3A_112 : memref<!tpu.dma_semaphore, #tpu.memory_space<semaphore_mem>>)
      %dma_wait3A = arith.constant 0 : i32
      %dma_wait3A_126 = arith.constant 0 : i32
      %dma_wait3A_127 = tpu.memref_slice %arg9[%run_scoped3A_111, %dma_wait3A, %dma_wait3A_126] : memref<2x128x32xf32, #tpu.memory_space<vmem>> -> memref<1x128x32xf32, #tpu.memory_space<vmem>>
      %dma_wait3A_128 = tpu.memref_squeeze %dma_wait3A_127 : memref<1x128x32xf32, #tpu.memory_space<vmem>> -> memref<128x32xf32, #tpu.memory_space<vmem>>
      %dma_wait3A_129 = arith.constant 0 : i32
      %dma_wait3A_130 = tpu.memref_slice %arg6[%arg0, %add3A_110, %dma_wait3A_129] : memref<2x10240x32xf32, #tpu.memory_space<hbm>> -> memref<1x128x32xf32, #tpu.memory_space<hbm>>
      %dma_wait3A_131 = tpu.memref_squeeze %dma_wait3A_130 : memref<1x128x32xf32, #tpu.memory_space<hbm>> -> memref<128x32xf32, #tpu.memory_space<hbm>>
      %dma_wait3A_132 = arith.constant 0 : i32
      %dma_wait3A_133 = tpu.memref_slice %arg6[%arg0, %add3A_110, %dma_wait3A_132] : memref<2x10240x32xf32, #tpu.memory_space<hbm>> -> memref<1x128x32xf32, #tpu.memory_space<hbm>>
      %dma_wait3A_134 = tpu.memref_squeeze %dma_wait3A_133 : memref<1x128x32xf32, #tpu.memory_space<hbm>> -> memref<128x32xf32, #tpu.memory_space<hbm>>
      %dma_wait3A_135 = arith.constant 0 : i32
      %dma_wait3A_136 = arith.constant 0 : i32
      %dma_wait3A_137 = tpu.memref_slice %arg9[%run_scoped3A_111, %dma_wait3A_135, %dma_wait3A_136] : memref<2x128x32xf32, #tpu.memory_space<vmem>> -> memref<1x128x32xf32, #tpu.memory_space<vmem>>
      %dma_wait3A_138 = tpu.memref_squeeze %dma_wait3A_137 : memref<1x128x32xf32, #tpu.memory_space<vmem>> -> memref<128x32xf32, #tpu.memory_space<vmem>>
      tpu.wait_dma2 semaphore(%run_scoped3A_112 : memref<!tpu.dma_semaphore, #tpu.memory_space<semaphore_mem>>) src(%dma_wait3A_138 : memref<128x32xf32, #tpu.memory_space<vmem>>) dst(%dma_wait3A_134 : memref<128x32xf32, #tpu.memory_space<hbm>>)
      tpu.yield
    }) : () -> ()
    return
  }
}

#map = affine_map<(d0, d1) -> (0, 0)>
#map1 = affine_map<(d0, d1) -> (0, 0, 0)>
module attributes {stable_mosaic.version = 14 : i64} {
  func.func @_deg(%arg0: i32, %arg1: i32, %arg2: memref<2590x128xi32, #tpu.memory_space<hbm>>, %arg3: memref<128x8xf32, #tpu.memory_space<hbm>>, %arg4: memref<128x8xf32, #tpu.memory_space<hbm>>, %arg5: memref<2x10240x8xf32, #tpu.memory_space<hbm>>, %arg6: memref<96x128xi32, #tpu.memory_space<vmem>>, %arg7: memref<128x8xf32, #tpu.memory_space<vmem>>, %arg8: memref<128x8xf32, #tpu.memory_space<vmem>>, %arg9: memref<10240x8xf32, #tpu.memory_space<vmem_shared>>, %arg10: memref<!tpu.dma_semaphore, #tpu.memory_space<semaphore_mem>>) attributes {dimension_semantics = [#tpu.dimension_semantics<core_parallel>, #tpu.dimension_semantics<subcore_parallel>], iteration_bounds = array<i64: 2, 16>, scalar_prefetch = 0 : i64, scratch_operands = 5 : i64, tpu.core_type = #tpu.core_type<sc_vector_subcore>, window_params = [{transform_indices = #map}, {transform_indices = #map}, {transform_indices = #map}, {transform_indices = #map1}]} {
    %eq3A = arith.constant 0 : i32
    %eq3A_0 = arith.cmpi eq, %arg0, %eq3A : i32
    %mul3A = arith.constant 96 : i32
    %mul3A_1 = arith.muli %arg1, %mul3A : i32
    %mul3A_2 = arith.constant 62 : i32
    %mul3A_3 = arith.muli %arg1, %mul3A_2 : i32
    %add3A = arith.constant 1536 : i32
    %add3A_4 = arith.addi %add3A, %mul3A_3 : i32
    %select_n3A = arith.select %eq3A_0, %mul3A_1, %add3A_4 : i32
    %eq3A_5 = arith.constant 0 : i32
    %eq3A_6 = arith.cmpi eq, %arg0, %eq3A_5 : i32
    %jit3A = arith.constant 96 : i32
    %jit3A_7 = arith.constant 62 : i32
    %select_n3A_8 = arith.select %eq3A_6, %jit3A, %jit3A_7 : i32
    "tpu.region"() ({
      %run_scoped3A = tpu.sem_alloc : memref<!tpu.dma_semaphore, #tpu.memory_space<semaphore_mem>>
      %dma_start3A = arith.constant 0 : i32
      %dma_start3A_89 = tpu.memref_slice %arg2[%select_n3A, %dma_start3A] : memref<2590x128xi32, #tpu.memory_space<hbm>> -> memref<96x128xi32, #tpu.memory_space<hbm>>
      %dma_start3A_90 = arith.constant 0 : i32
      %dma_start3A_91 = tpu.memref_slice %arg2[%select_n3A, %dma_start3A_90] : memref<2590x128xi32, #tpu.memory_space<hbm>> -> memref<96x128xi32, #tpu.memory_space<hbm>>
      tpu.enqueue_dma source(%dma_start3A_91 : memref<96x128xi32, #tpu.memory_space<hbm>>) target(%arg6 : memref<96x128xi32, #tpu.memory_space<vmem>>) target_semaphore(%run_scoped3A : memref<!tpu.dma_semaphore, #tpu.memory_space<semaphore_mem>>)
      %dma_wait3A = arith.constant 0 : i32
      %dma_wait3A_92 = tpu.memref_slice %arg2[%select_n3A, %dma_wait3A] : memref<2590x128xi32, #tpu.memory_space<hbm>> -> memref<96x128xi32, #tpu.memory_space<hbm>>
      %dma_wait3A_93 = arith.constant 0 : i32
      %dma_wait3A_94 = tpu.memref_slice %arg2[%select_n3A, %dma_wait3A_93] : memref<2590x128xi32, #tpu.memory_space<hbm>> -> memref<96x128xi32, #tpu.memory_space<hbm>>
      tpu.wait_dma2 semaphore(%run_scoped3A : memref<!tpu.dma_semaphore, #tpu.memory_space<semaphore_mem>>) src(%dma_wait3A_94 : memref<96x128xi32, #tpu.memory_space<hbm>>) dst(%arg6 : memref<96x128xi32, #tpu.memory_space<vmem>>)
      tpu.yield
    }) : () -> ()
    "tpu.region"() ({
      %run_scoped3A = tpu.sem_alloc : memref<!tpu.dma_semaphore, #tpu.memory_space<semaphore_mem>>
      tpu.enqueue_dma source(%arg3 : memref<128x8xf32, #tpu.memory_space<hbm>>) target(%arg7 : memref<128x8xf32, #tpu.memory_space<vmem>>) target_semaphore(%run_scoped3A : memref<!tpu.dma_semaphore, #tpu.memory_space<semaphore_mem>>)
      tpu.wait_dma2 semaphore(%run_scoped3A : memref<!tpu.dma_semaphore, #tpu.memory_space<semaphore_mem>>) src(%arg3 : memref<128x8xf32, #tpu.memory_space<hbm>>) dst(%arg7 : memref<128x8xf32, #tpu.memory_space<vmem>>)
      tpu.yield
    }) : () -> ()
    "tpu.region"() ({
      %run_scoped3A = tpu.sem_alloc : memref<!tpu.dma_semaphore, #tpu.memory_space<semaphore_mem>>
      tpu.enqueue_dma source(%arg4 : memref<128x8xf32, #tpu.memory_space<hbm>>) target(%arg8 : memref<128x8xf32, #tpu.memory_space<vmem>>) target_semaphore(%run_scoped3A : memref<!tpu.dma_semaphore, #tpu.memory_space<semaphore_mem>>)
      tpu.wait_dma2 semaphore(%run_scoped3A : memref<!tpu.dma_semaphore, #tpu.memory_space<semaphore_mem>>) src(%arg4 : memref<128x8xf32, #tpu.memory_space<hbm>>) dst(%arg8 : memref<128x8xf32, #tpu.memory_space<vmem>>)
      tpu.yield
    }) : () -> ()
    %mul3A_9 = arith.constant 640 : i32
    %mul3A_10 = arith.muli %arg1, %mul3A_9 : i32
    %add3A_11 = arith.constant 0 : i32
    %add3A_12 = arith.addi %mul3A_10, %add3A_11 : i32
    "tpu.region"() ({
      %run_scoped3A = tpu.sem_alloc : memref<!tpu.dma_semaphore, #tpu.memory_space<semaphore_mem>>
      %dma_start3A = arith.constant 0 : i32
      %dma_start3A_89 = tpu.memref_slice %arg9[%add3A_12, %dma_start3A] : memref<10240x8xf32, #tpu.memory_space<vmem_shared>> -> memref<128x8xf32, #tpu.memory_space<vmem_shared>>
      %dma_start3A_90 = arith.constant 0 : i32
      %dma_start3A_91 = tpu.memref_slice %arg9[%add3A_12, %dma_start3A_90] : memref<10240x8xf32, #tpu.memory_space<vmem_shared>> -> memref<128x8xf32, #tpu.memory_space<vmem_shared>>
      tpu.enqueue_dma source(%arg8 : memref<128x8xf32, #tpu.memory_space<vmem>>) target(%dma_start3A_91 : memref<128x8xf32, #tpu.memory_space<vmem_shared>>) target_semaphore(%run_scoped3A : memref<!tpu.dma_semaphore, #tpu.memory_space<semaphore_mem>>)
      %dma_wait3A = arith.constant 0 : i32
      %dma_wait3A_92 = tpu.memref_slice %arg9[%add3A_12, %dma_wait3A] : memref<10240x8xf32, #tpu.memory_space<vmem_shared>> -> memref<128x8xf32, #tpu.memory_space<vmem_shared>>
      %dma_wait3A_93 = arith.constant 0 : i32
      %dma_wait3A_94 = tpu.memref_slice %arg9[%add3A_12, %dma_wait3A_93] : memref<10240x8xf32, #tpu.memory_space<vmem_shared>> -> memref<128x8xf32, #tpu.memory_space<vmem_shared>>
      tpu.wait_dma2 semaphore(%run_scoped3A : memref<!tpu.dma_semaphore, #tpu.memory_space<semaphore_mem>>) src(%arg8 : memref<128x8xf32, #tpu.memory_space<vmem>>) dst(%dma_wait3A_94 : memref<128x8xf32, #tpu.memory_space<vmem_shared>>)
      tpu.yield
    }) : () -> ()
    %mul3A_13 = arith.constant 640 : i32
    %mul3A_14 = arith.muli %arg1, %mul3A_13 : i32
    %add3A_15 = arith.constant 128 : i32
    %add3A_16 = arith.addi %mul3A_14, %add3A_15 : i32
    "tpu.region"() ({
      %run_scoped3A = tpu.sem_alloc : memref<!tpu.dma_semaphore, #tpu.memory_space<semaphore_mem>>
      %dma_start3A = arith.constant 0 : i32
      %dma_start3A_89 = tpu.memref_slice %arg9[%add3A_16, %dma_start3A] : memref<10240x8xf32, #tpu.memory_space<vmem_shared>> -> memref<128x8xf32, #tpu.memory_space<vmem_shared>>
      %dma_start3A_90 = arith.constant 0 : i32
      %dma_start3A_91 = tpu.memref_slice %arg9[%add3A_16, %dma_start3A_90] : memref<10240x8xf32, #tpu.memory_space<vmem_shared>> -> memref<128x8xf32, #tpu.memory_space<vmem_shared>>
      tpu.enqueue_dma source(%arg8 : memref<128x8xf32, #tpu.memory_space<vmem>>) target(%dma_start3A_91 : memref<128x8xf32, #tpu.memory_space<vmem_shared>>) target_semaphore(%run_scoped3A : memref<!tpu.dma_semaphore, #tpu.memory_space<semaphore_mem>>)
      %dma_wait3A = arith.constant 0 : i32
      %dma_wait3A_92 = tpu.memref_slice %arg9[%add3A_16, %dma_wait3A] : memref<10240x8xf32, #tpu.memory_space<vmem_shared>> -> memref<128x8xf32, #tpu.memory_space<vmem_shared>>
      %dma_wait3A_93 = arith.constant 0 : i32
      %dma_wait3A_94 = tpu.memref_slice %arg9[%add3A_16, %dma_wait3A_93] : memref<10240x8xf32, #tpu.memory_space<vmem_shared>> -> memref<128x8xf32, #tpu.memory_space<vmem_shared>>
      tpu.wait_dma2 semaphore(%run_scoped3A : memref<!tpu.dma_semaphore, #tpu.memory_space<semaphore_mem>>) src(%arg8 : memref<128x8xf32, #tpu.memory_space<vmem>>) dst(%dma_wait3A_94 : memref<128x8xf32, #tpu.memory_space<vmem_shared>>)
      tpu.yield
    }) : () -> ()
    %mul3A_17 = arith.constant 640 : i32
    %mul3A_18 = arith.muli %arg1, %mul3A_17 : i32
    %add3A_19 = arith.constant 256 : i32
    %add3A_20 = arith.addi %mul3A_18, %add3A_19 : i32
    "tpu.region"() ({
      %run_scoped3A = tpu.sem_alloc : memref<!tpu.dma_semaphore, #tpu.memory_space<semaphore_mem>>
      %dma_start3A = arith.constant 0 : i32
      %dma_start3A_89 = tpu.memref_slice %arg9[%add3A_20, %dma_start3A] : memref<10240x8xf32, #tpu.memory_space<vmem_shared>> -> memref<128x8xf32, #tpu.memory_space<vmem_shared>>
      %dma_start3A_90 = arith.constant 0 : i32
      %dma_start3A_91 = tpu.memref_slice %arg9[%add3A_20, %dma_start3A_90] : memref<10240x8xf32, #tpu.memory_space<vmem_shared>> -> memref<128x8xf32, #tpu.memory_space<vmem_shared>>
      tpu.enqueue_dma source(%arg8 : memref<128x8xf32, #tpu.memory_space<vmem>>) target(%dma_start3A_91 : memref<128x8xf32, #tpu.memory_space<vmem_shared>>) target_semaphore(%run_scoped3A : memref<!tpu.dma_semaphore, #tpu.memory_space<semaphore_mem>>)
      %dma_wait3A = arith.constant 0 : i32
      %dma_wait3A_92 = tpu.memref_slice %arg9[%add3A_20, %dma_wait3A] : memref<10240x8xf32, #tpu.memory_space<vmem_shared>> -> memref<128x8xf32, #tpu.memory_space<vmem_shared>>
      %dma_wait3A_93 = arith.constant 0 : i32
      %dma_wait3A_94 = tpu.memref_slice %arg9[%add3A_20, %dma_wait3A_93] : memref<10240x8xf32, #tpu.memory_space<vmem_shared>> -> memref<128x8xf32, #tpu.memory_space<vmem_shared>>
      tpu.wait_dma2 semaphore(%run_scoped3A : memref<!tpu.dma_semaphore, #tpu.memory_space<semaphore_mem>>) src(%arg8 : memref<128x8xf32, #tpu.memory_space<vmem>>) dst(%dma_wait3A_94 : memref<128x8xf32, #tpu.memory_space<vmem_shared>>)
      tpu.yield
    }) : () -> ()
    %mul3A_21 = arith.constant 640 : i32
    %mul3A_22 = arith.muli %arg1, %mul3A_21 : i32
    %add3A_23 = arith.constant 384 : i32
    %add3A_24 = arith.addi %mul3A_22, %add3A_23 : i32
    "tpu.region"() ({
      %run_scoped3A = tpu.sem_alloc : memref<!tpu.dma_semaphore, #tpu.memory_space<semaphore_mem>>
      %dma_start3A = arith.constant 0 : i32
      %dma_start3A_89 = tpu.memref_slice %arg9[%add3A_24, %dma_start3A] : memref<10240x8xf32, #tpu.memory_space<vmem_shared>> -> memref<128x8xf32, #tpu.memory_space<vmem_shared>>
      %dma_start3A_90 = arith.constant 0 : i32
      %dma_start3A_91 = tpu.memref_slice %arg9[%add3A_24, %dma_start3A_90] : memref<10240x8xf32, #tpu.memory_space<vmem_shared>> -> memref<128x8xf32, #tpu.memory_space<vmem_shared>>
      tpu.enqueue_dma source(%arg8 : memref<128x8xf32, #tpu.memory_space<vmem>>) target(%dma_start3A_91 : memref<128x8xf32, #tpu.memory_space<vmem_shared>>) target_semaphore(%run_scoped3A : memref<!tpu.dma_semaphore, #tpu.memory_space<semaphore_mem>>)
      %dma_wait3A = arith.constant 0 : i32
      %dma_wait3A_92 = tpu.memref_slice %arg9[%add3A_24, %dma_wait3A] : memref<10240x8xf32, #tpu.memory_space<vmem_shared>> -> memref<128x8xf32, #tpu.memory_space<vmem_shared>>
      %dma_wait3A_93 = arith.constant 0 : i32
      %dma_wait3A_94 = tpu.memref_slice %arg9[%add3A_24, %dma_wait3A_93] : memref<10240x8xf32, #tpu.memory_space<vmem_shared>> -> memref<128x8xf32, #tpu.memory_space<vmem_shared>>
      tpu.wait_dma2 semaphore(%run_scoped3A : memref<!tpu.dma_semaphore, #tpu.memory_space<semaphore_mem>>) src(%arg8 : memref<128x8xf32, #tpu.memory_space<vmem>>) dst(%dma_wait3A_94 : memref<128x8xf32, #tpu.memory_space<vmem_shared>>)
      tpu.yield
    }) : () -> ()
    %mul3A_25 = arith.constant 640 : i32
    %mul3A_26 = arith.muli %arg1, %mul3A_25 : i32
    %add3A_27 = arith.constant 512 : i32
    %add3A_28 = arith.addi %mul3A_26, %add3A_27 : i32
    "tpu.region"() ({
      %run_scoped3A = tpu.sem_alloc : memref<!tpu.dma_semaphore, #tpu.memory_space<semaphore_mem>>
      %dma_start3A = arith.constant 0 : i32
      %dma_start3A_89 = tpu.memref_slice %arg9[%add3A_28, %dma_start3A] : memref<10240x8xf32, #tpu.memory_space<vmem_shared>> -> memref<128x8xf32, #tpu.memory_space<vmem_shared>>
      %dma_start3A_90 = arith.constant 0 : i32
      %dma_start3A_91 = tpu.memref_slice %arg9[%add3A_28, %dma_start3A_90] : memref<10240x8xf32, #tpu.memory_space<vmem_shared>> -> memref<128x8xf32, #tpu.memory_space<vmem_shared>>
      tpu.enqueue_dma source(%arg8 : memref<128x8xf32, #tpu.memory_space<vmem>>) target(%dma_start3A_91 : memref<128x8xf32, #tpu.memory_space<vmem_shared>>) target_semaphore(%run_scoped3A : memref<!tpu.dma_semaphore, #tpu.memory_space<semaphore_mem>>)
      %dma_wait3A = arith.constant 0 : i32
      %dma_wait3A_92 = tpu.memref_slice %arg9[%add3A_28, %dma_wait3A] : memref<10240x8xf32, #tpu.memory_space<vmem_shared>> -> memref<128x8xf32, #tpu.memory_space<vmem_shared>>
      %dma_wait3A_93 = arith.constant 0 : i32
      %dma_wait3A_94 = tpu.memref_slice %arg9[%add3A_28, %dma_wait3A_93] : memref<10240x8xf32, #tpu.memory_space<vmem_shared>> -> memref<128x8xf32, #tpu.memory_space<vmem_shared>>
      tpu.wait_dma2 semaphore(%run_scoped3A : memref<!tpu.dma_semaphore, #tpu.memory_space<semaphore_mem>>) src(%arg8 : memref<128x8xf32, #tpu.memory_space<vmem>>) dst(%dma_wait3A_94 : memref<128x8xf32, #tpu.memory_space<vmem_shared>>)
      tpu.yield
    }) : () -> ()
    %barrier3A = arith.constant 0 : index
    tpu.barrier barrier_id(%barrier3A)
    %while3A = arith.constant 0 : i32
    %while3A_29 = arith.constant 0 : i32
    %while3A_30 = arith.subi %select_n3A_8, %while3A_29 : i32
    %while3A_31 = arith.addi %while3A_29, %while3A_30 : i32
    %while3A_32 = arith.constant 1 : i32
    %while3A_33 = arith.divsi %while3A_30, %while3A_32 : i32
    %while3A_34 = arith.muli %while3A_33, %while3A_32 : i32
    %while3A_35 = arith.addi %while3A_29, %while3A_34 : i32
    %while3A_36 = arith.constant 1 : i32
    scf.for %while3A_89 = %while3A_29 to %while3A_35 step %while3A_36  : i32 {
      %dma_start3A = arith.constant 0 : i32
      %dma_start3A_90 = tpu.memref_slice %arg6[%while3A_89, %dma_start3A] : memref<96x128xi32, #tpu.memory_space<vmem>> -> memref<1x128xi32, #tpu.memory_space<vmem>>
      %dma_start3A_91 = tpu.memref_squeeze %dma_start3A_90 : memref<1x128xi32, #tpu.memory_space<vmem>> -> memref<128xi32, #tpu.memory_space<vmem>>
      %dma_start3A_92 = arith.constant 0 : i32
      %dma_start3A_93 = arith.constant 0 : i32
      %dma_start3A_94 = tpu.memref_slice %arg9[%dma_start3A_92, %dma_start3A_93] : memref<10240x8xf32, #tpu.memory_space<vmem_shared>> -> memref<10240x8xf32, #tpu.memory_space<vmem_shared>>
      tpu.enqueue_indirect_dma source(%arg7 : memref<128x8xf32, #tpu.memory_space<vmem>>) target(%dma_start3A_94 : memref<10240x8xf32, #tpu.memory_space<vmem_shared>>) offsets(%dma_start3A_91 : memref<128xi32, #tpu.memory_space<vmem>>) semaphore(%arg10 : memref<!tpu.dma_semaphore, #tpu.memory_space<semaphore_mem>>) {add = true}
    }
    %while3A_37 = arith.constant 1 : i32
    scf.for %while3A_89 = %while3A_35 to %while3A_31 step %while3A_37  : i32 {
      %dma_start3A = arith.constant 0 : i32
      %dma_start3A_90 = tpu.memref_slice %arg6[%while3A_89, %dma_start3A] : memref<96x128xi32, #tpu.memory_space<vmem>> -> memref<1x128xi32, #tpu.memory_space<vmem>>
      %dma_start3A_91 = tpu.memref_squeeze %dma_start3A_90 : memref<1x128xi32, #tpu.memory_space<vmem>> -> memref<128xi32, #tpu.memory_space<vmem>>
      %dma_start3A_92 = arith.constant 0 : i32
      %dma_start3A_93 = arith.constant 0 : i32
      %dma_start3A_94 = tpu.memref_slice %arg9[%dma_start3A_92, %dma_start3A_93] : memref<10240x8xf32, #tpu.memory_space<vmem_shared>> -> memref<10240x8xf32, #tpu.memory_space<vmem_shared>>
      tpu.enqueue_indirect_dma source(%arg7 : memref<128x8xf32, #tpu.memory_space<vmem>>) target(%dma_start3A_94 : memref<10240x8xf32, #tpu.memory_space<vmem_shared>>) offsets(%dma_start3A_91 : memref<128xi32, #tpu.memory_space<vmem>>) semaphore(%arg10 : memref<!tpu.dma_semaphore, #tpu.memory_space<semaphore_mem>>) {add = true}
    }
    %while3A_38 = arith.constant 0 : i32
    %while3A_39 = arith.constant 0 : i32
    %while3A_40 = arith.subi %select_n3A_8, %while3A_39 : i32
    %while3A_41 = arith.addi %while3A_39, %while3A_40 : i32
    %while3A_42 = arith.constant 1 : i32
    %while3A_43 = arith.divsi %while3A_40, %while3A_42 : i32
    %while3A_44 = arith.muli %while3A_43, %while3A_42 : i32
    %while3A_45 = arith.addi %while3A_39, %while3A_44 : i32
    %while3A_46 = arith.constant 1 : i32
    scf.for %while3A_89 = %while3A_39 to %while3A_45 step %while3A_46  : i32 {
      %dma_wait3A = arith.constant 0 : i32
      %dma_wait3A_90 = arith.constant 0 : i32
      %dma_wait3A_91 = tpu.memref_slice %arg6[%dma_wait3A, %dma_wait3A_90] : memref<96x128xi32, #tpu.memory_space<vmem>> -> memref<1x128xi32, #tpu.memory_space<vmem>>
      %dma_wait3A_92 = tpu.memref_squeeze %dma_wait3A_91 : memref<1x128xi32, #tpu.memory_space<vmem>> -> memref<128xi32, #tpu.memory_space<vmem>>
      %dma_wait3A_93 = arith.constant 0 : i32
      %dma_wait3A_94 = arith.constant 0 : i32
      %dma_wait3A_95 = tpu.memref_slice %arg9[%dma_wait3A_93, %dma_wait3A_94] : memref<10240x8xf32, #tpu.memory_space<vmem_shared>> -> memref<10240x8xf32, #tpu.memory_space<vmem_shared>>
      tpu.wait_indirect_dma semaphore(%arg10 : memref<!tpu.dma_semaphore, #tpu.memory_space<semaphore_mem>>) src(%arg7 : memref<128x8xf32, #tpu.memory_space<vmem>>) dst(%dma_wait3A_95 : memref<10240x8xf32, #tpu.memory_space<vmem_shared>>)
    }
    %while3A_47 = arith.constant 1 : i32
    scf.for %while3A_89 = %while3A_45 to %while3A_41 step %while3A_47  : i32 {
      %dma_wait3A = arith.constant 0 : i32
      %dma_wait3A_90 = arith.constant 0 : i32
      %dma_wait3A_91 = tpu.memref_slice %arg6[%dma_wait3A, %dma_wait3A_90] : memref<96x128xi32, #tpu.memory_space<vmem>> -> memref<1x128xi32, #tpu.memory_space<vmem>>
      %dma_wait3A_92 = tpu.memref_squeeze %dma_wait3A_91 : memref<1x128xi32, #tpu.memory_space<vmem>> -> memref<128xi32, #tpu.memory_space<vmem>>
      %dma_wait3A_93 = arith.constant 0 : i32
      %dma_wait3A_94 = arith.constant 0 : i32
      %dma_wait3A_95 = tpu.memref_slice %arg9[%dma_wait3A_93, %dma_wait3A_94] : memref<10240x8xf32, #tpu.memory_space<vmem_shared>> -> memref<10240x8xf32, #tpu.memory_space<vmem_shared>>
      tpu.wait_indirect_dma semaphore(%arg10 : memref<!tpu.dma_semaphore, #tpu.memory_space<semaphore_mem>>) src(%arg7 : memref<128x8xf32, #tpu.memory_space<vmem>>) dst(%dma_wait3A_95 : memref<10240x8xf32, #tpu.memory_space<vmem_shared>>)
    }
    %barrier3A_48 = arith.constant 0 : index
    tpu.barrier barrier_id(%barrier3A_48)
    %mul3A_49 = arith.constant 640 : i32
    %mul3A_50 = arith.muli %arg1, %mul3A_49 : i32
    %add3A_51 = arith.constant 0 : i32
    %add3A_52 = arith.addi %mul3A_50, %add3A_51 : i32
    "tpu.region"() ({
      %run_scoped3A = tpu.sem_alloc : memref<!tpu.dma_semaphore, #tpu.memory_space<semaphore_mem>>
      %dma_start3A = arith.constant 0 : i32
      %dma_start3A_89 = tpu.memref_slice %arg9[%add3A_52, %dma_start3A] : memref<10240x8xf32, #tpu.memory_space<vmem_shared>> -> memref<128x8xf32, #tpu.memory_space<vmem_shared>>
      %dma_start3A_90 = arith.constant 0 : i32
      %dma_start3A_91 = tpu.memref_slice %arg9[%add3A_52, %dma_start3A_90] : memref<10240x8xf32, #tpu.memory_space<vmem_shared>> -> memref<128x8xf32, #tpu.memory_space<vmem_shared>>
      tpu.enqueue_dma source(%dma_start3A_91 : memref<128x8xf32, #tpu.memory_space<vmem_shared>>) target(%arg8 : memref<128x8xf32, #tpu.memory_space<vmem>>) target_semaphore(%run_scoped3A : memref<!tpu.dma_semaphore, #tpu.memory_space<semaphore_mem>>)
      %dma_wait3A = arith.constant 0 : i32
      %dma_wait3A_92 = tpu.memref_slice %arg9[%add3A_52, %dma_wait3A] : memref<10240x8xf32, #tpu.memory_space<vmem_shared>> -> memref<128x8xf32, #tpu.memory_space<vmem_shared>>
      %dma_wait3A_93 = arith.constant 0 : i32
      %dma_wait3A_94 = tpu.memref_slice %arg9[%add3A_52, %dma_wait3A_93] : memref<10240x8xf32, #tpu.memory_space<vmem_shared>> -> memref<128x8xf32, #tpu.memory_space<vmem_shared>>
      tpu.wait_dma2 semaphore(%run_scoped3A : memref<!tpu.dma_semaphore, #tpu.memory_space<semaphore_mem>>) src(%dma_wait3A_94 : memref<128x8xf32, #tpu.memory_space<vmem_shared>>) dst(%arg8 : memref<128x8xf32, #tpu.memory_space<vmem>>)
      tpu.yield
    }) : () -> ()
    %mul3A_53 = arith.constant 640 : i32
    %mul3A_54 = arith.muli %arg1, %mul3A_53 : i32
    %add3A_55 = arith.constant 0 : i32
    %add3A_56 = arith.addi %mul3A_54, %add3A_55 : i32
    "tpu.region"() ({
      %run_scoped3A = tpu.sem_alloc : memref<!tpu.dma_semaphore, #tpu.memory_space<semaphore_mem>>
      %dma_start3A = arith.constant 0 : i32
      %dma_start3A_89 = tpu.memref_slice %arg5[%arg0, %add3A_56, %dma_start3A] : memref<2x10240x8xf32, #tpu.memory_space<hbm>> -> memref<1x128x8xf32, #tpu.memory_space<hbm>>
      %dma_start3A_90 = tpu.memref_squeeze %dma_start3A_89 : memref<1x128x8xf32, #tpu.memory_space<hbm>> -> memref<128x8xf32, #tpu.memory_space<hbm>>
      %dma_start3A_91 = arith.constant 0 : i32
      %dma_start3A_92 = tpu.memref_slice %arg5[%arg0, %add3A_56, %dma_start3A_91] : memref<2x10240x8xf32, #tpu.memory_space<hbm>> -> memref<1x128x8xf32, #tpu.memory_space<hbm>>
      %dma_start3A_93 = tpu.memref_squeeze %dma_start3A_92 : memref<1x128x8xf32, #tpu.memory_space<hbm>> -> memref<128x8xf32, #tpu.memory_space<hbm>>
      tpu.enqueue_dma source(%arg8 : memref<128x8xf32, #tpu.memory_space<vmem>>) target(%dma_start3A_93 : memref<128x8xf32, #tpu.memory_space<hbm>>) target_semaphore(%run_scoped3A : memref<!tpu.dma_semaphore, #tpu.memory_space<semaphore_mem>>)
      %dma_wait3A = arith.constant 0 : i32
      %dma_wait3A_94 = tpu.memref_slice %arg5[%arg0, %add3A_56, %dma_wait3A] : memref<2x10240x8xf32, #tpu.memory_space<hbm>> -> memref<1x128x8xf32, #tpu.memory_space<hbm>>
      %dma_wait3A_95 = tpu.memref_squeeze %dma_wait3A_94 : memref<1x128x8xf32, #tpu.memory_space<hbm>> -> memref<128x8xf32, #tpu.memory_space<hbm>>
      %dma_wait3A_96 = arith.constant 0 : i32
      %dma_wait3A_97 = tpu.memref_slice %arg5[%arg0, %add3A_56, %dma_wait3A_96] : memref<2x10240x8xf32, #tpu.memory_space<hbm>> -> memref<1x128x8xf32, #tpu.memory_space<hbm>>
      %dma_wait3A_98 = tpu.memref_squeeze %dma_wait3A_97 : memref<1x128x8xf32, #tpu.memory_space<hbm>> -> memref<128x8xf32, #tpu.memory_space<hbm>>
      tpu.wait_dma2 semaphore(%run_scoped3A : memref<!tpu.dma_semaphore, #tpu.memory_space<semaphore_mem>>) src(%arg8 : memref<128x8xf32, #tpu.memory_space<vmem>>) dst(%dma_wait3A_98 : memref<128x8xf32, #tpu.memory_space<hbm>>)
      tpu.yield
    }) : () -> ()
    %mul3A_57 = arith.constant 640 : i32
    %mul3A_58 = arith.muli %arg1, %mul3A_57 : i32
    %add3A_59 = arith.constant 128 : i32
    %add3A_60 = arith.addi %mul3A_58, %add3A_59 : i32
    "tpu.region"() ({
      %run_scoped3A = tpu.sem_alloc : memref<!tpu.dma_semaphore, #tpu.memory_space<semaphore_mem>>
      %dma_start3A = arith.constant 0 : i32
      %dma_start3A_89 = tpu.memref_slice %arg9[%add3A_60, %dma_start3A] : memref<10240x8xf32, #tpu.memory_space<vmem_shared>> -> memref<128x8xf32, #tpu.memory_space<vmem_shared>>
      %dma_start3A_90 = arith.constant 0 : i32
      %dma_start3A_91 = tpu.memref_slice %arg9[%add3A_60, %dma_start3A_90] : memref<10240x8xf32, #tpu.memory_space<vmem_shared>> -> memref<128x8xf32, #tpu.memory_space<vmem_shared>>
      tpu.enqueue_dma source(%dma_start3A_91 : memref<128x8xf32, #tpu.memory_space<vmem_shared>>) target(%arg8 : memref<128x8xf32, #tpu.memory_space<vmem>>) target_semaphore(%run_scoped3A : memref<!tpu.dma_semaphore, #tpu.memory_space<semaphore_mem>>)
      %dma_wait3A = arith.constant 0 : i32
      %dma_wait3A_92 = tpu.memref_slice %arg9[%add3A_60, %dma_wait3A] : memref<10240x8xf32, #tpu.memory_space<vmem_shared>> -> memref<128x8xf32, #tpu.memory_space<vmem_shared>>
      %dma_wait3A_93 = arith.constant 0 : i32
      %dma_wait3A_94 = tpu.memref_slice %arg9[%add3A_60, %dma_wait3A_93] : memref<10240x8xf32, #tpu.memory_space<vmem_shared>> -> memref<128x8xf32, #tpu.memory_space<vmem_shared>>
      tpu.wait_dma2 semaphore(%run_scoped3A : memref<!tpu.dma_semaphore, #tpu.memory_space<semaphore_mem>>) src(%dma_wait3A_94 : memref<128x8xf32, #tpu.memory_space<vmem_shared>>) dst(%arg8 : memref<128x8xf32, #tpu.memory_space<vmem>>)
      tpu.yield
    }) : () -> ()
    %mul3A_61 = arith.constant 640 : i32
    %mul3A_62 = arith.muli %arg1, %mul3A_61 : i32
    %add3A_63 = arith.constant 128 : i32
    %add3A_64 = arith.addi %mul3A_62, %add3A_63 : i32
    "tpu.region"() ({
      %run_scoped3A = tpu.sem_alloc : memref<!tpu.dma_semaphore, #tpu.memory_space<semaphore_mem>>
      %dma_start3A = arith.constant 0 : i32
      %dma_start3A_89 = tpu.memref_slice %arg5[%arg0, %add3A_64, %dma_start3A] : memref<2x10240x8xf32, #tpu.memory_space<hbm>> -> memref<1x128x8xf32, #tpu.memory_space<hbm>>
      %dma_start3A_90 = tpu.memref_squeeze %dma_start3A_89 : memref<1x128x8xf32, #tpu.memory_space<hbm>> -> memref<128x8xf32, #tpu.memory_space<hbm>>
      %dma_start3A_91 = arith.constant 0 : i32
      %dma_start3A_92 = tpu.memref_slice %arg5[%arg0, %add3A_64, %dma_start3A_91] : memref<2x10240x8xf32, #tpu.memory_space<hbm>> -> memref<1x128x8xf32, #tpu.memory_space<hbm>>
      %dma_start3A_93 = tpu.memref_squeeze %dma_start3A_92 : memref<1x128x8xf32, #tpu.memory_space<hbm>> -> memref<128x8xf32, #tpu.memory_space<hbm>>
      tpu.enqueue_dma source(%arg8 : memref<128x8xf32, #tpu.memory_space<vmem>>) target(%dma_start3A_93 : memref<128x8xf32, #tpu.memory_space<hbm>>) target_semaphore(%run_scoped3A : memref<!tpu.dma_semaphore, #tpu.memory_space<semaphore_mem>>)
      %dma_wait3A = arith.constant 0 : i32
      %dma_wait3A_94 = tpu.memref_slice %arg5[%arg0, %add3A_64, %dma_wait3A] : memref<2x10240x8xf32, #tpu.memory_space<hbm>> -> memref<1x128x8xf32, #tpu.memory_space<hbm>>
      %dma_wait3A_95 = tpu.memref_squeeze %dma_wait3A_94 : memref<1x128x8xf32, #tpu.memory_space<hbm>> -> memref<128x8xf32, #tpu.memory_space<hbm>>
      %dma_wait3A_96 = arith.constant 0 : i32
      %dma_wait3A_97 = tpu.memref_slice %arg5[%arg0, %add3A_64, %dma_wait3A_96] : memref<2x10240x8xf32, #tpu.memory_space<hbm>> -> memref<1x128x8xf32, #tpu.memory_space<hbm>>
      %dma_wait3A_98 = tpu.memref_squeeze %dma_wait3A_97 : memref<1x128x8xf32, #tpu.memory_space<hbm>> -> memref<128x8xf32, #tpu.memory_space<hbm>>
      tpu.wait_dma2 semaphore(%run_scoped3A : memref<!tpu.dma_semaphore, #tpu.memory_space<semaphore_mem>>) src(%arg8 : memref<128x8xf32, #tpu.memory_space<vmem>>) dst(%dma_wait3A_98 : memref<128x8xf32, #tpu.memory_space<hbm>>)
      tpu.yield
    }) : () -> ()
    %mul3A_65 = arith.constant 640 : i32
    %mul3A_66 = arith.muli %arg1, %mul3A_65 : i32
    %add3A_67 = arith.constant 256 : i32
    %add3A_68 = arith.addi %mul3A_66, %add3A_67 : i32
    "tpu.region"() ({
      %run_scoped3A = tpu.sem_alloc : memref<!tpu.dma_semaphore, #tpu.memory_space<semaphore_mem>>
      %dma_start3A = arith.constant 0 : i32
      %dma_start3A_89 = tpu.memref_slice %arg9[%add3A_68, %dma_start3A] : memref<10240x8xf32, #tpu.memory_space<vmem_shared>> -> memref<128x8xf32, #tpu.memory_space<vmem_shared>>
      %dma_start3A_90 = arith.constant 0 : i32
      %dma_start3A_91 = tpu.memref_slice %arg9[%add3A_68, %dma_start3A_90] : memref<10240x8xf32, #tpu.memory_space<vmem_shared>> -> memref<128x8xf32, #tpu.memory_space<vmem_shared>>
      tpu.enqueue_dma source(%dma_start3A_91 : memref<128x8xf32, #tpu.memory_space<vmem_shared>>) target(%arg8 : memref<128x8xf32, #tpu.memory_space<vmem>>) target_semaphore(%run_scoped3A : memref<!tpu.dma_semaphore, #tpu.memory_space<semaphore_mem>>)
      %dma_wait3A = arith.constant 0 : i32
      %dma_wait3A_92 = tpu.memref_slice %arg9[%add3A_68, %dma_wait3A] : memref<10240x8xf32, #tpu.memory_space<vmem_shared>> -> memref<128x8xf32, #tpu.memory_space<vmem_shared>>
      %dma_wait3A_93 = arith.constant 0 : i32
      %dma_wait3A_94 = tpu.memref_slice %arg9[%add3A_68, %dma_wait3A_93] : memref<10240x8xf32, #tpu.memory_space<vmem_shared>> -> memref<128x8xf32, #tpu.memory_space<vmem_shared>>
      tpu.wait_dma2 semaphore(%run_scoped3A : memref<!tpu.dma_semaphore, #tpu.memory_space<semaphore_mem>>) src(%dma_wait3A_94 : memref<128x8xf32, #tpu.memory_space<vmem_shared>>) dst(%arg8 : memref<128x8xf32, #tpu.memory_space<vmem>>)
      tpu.yield
    }) : () -> ()
    %mul3A_69 = arith.constant 640 : i32
    %mul3A_70 = arith.muli %arg1, %mul3A_69 : i32
    %add3A_71 = arith.constant 256 : i32
    %add3A_72 = arith.addi %mul3A_70, %add3A_71 : i32
    "tpu.region"() ({
      %run_scoped3A = tpu.sem_alloc : memref<!tpu.dma_semaphore, #tpu.memory_space<semaphore_mem>>
      %dma_start3A = arith.constant 0 : i32
      %dma_start3A_89 = tpu.memref_slice %arg5[%arg0, %add3A_72, %dma_start3A] : memref<2x10240x8xf32, #tpu.memory_space<hbm>> -> memref<1x128x8xf32, #tpu.memory_space<hbm>>
      %dma_start3A_90 = tpu.memref_squeeze %dma_start3A_89 : memref<1x128x8xf32, #tpu.memory_space<hbm>> -> memref<128x8xf32, #tpu.memory_space<hbm>>
      %dma_start3A_91 = arith.constant 0 : i32
      %dma_start3A_92 = tpu.memref_slice %arg5[%arg0, %add3A_72, %dma_start3A_91] : memref<2x10240x8xf32, #tpu.memory_space<hbm>> -> memref<1x128x8xf32, #tpu.memory_space<hbm>>
      %dma_start3A_93 = tpu.memref_squeeze %dma_start3A_92 : memref<1x128x8xf32, #tpu.memory_space<hbm>> -> memref<128x8xf32, #tpu.memory_space<hbm>>
      tpu.enqueue_dma source(%arg8 : memref<128x8xf32, #tpu.memory_space<vmem>>) target(%dma_start3A_93 : memref<128x8xf32, #tpu.memory_space<hbm>>) target_semaphore(%run_scoped3A : memref<!tpu.dma_semaphore, #tpu.memory_space<semaphore_mem>>)
      %dma_wait3A = arith.constant 0 : i32
      %dma_wait3A_94 = tpu.memref_slice %arg5[%arg0, %add3A_72, %dma_wait3A] : memref<2x10240x8xf32, #tpu.memory_space<hbm>> -> memref<1x128x8xf32, #tpu.memory_space<hbm>>
      %dma_wait3A_95 = tpu.memref_squeeze %dma_wait3A_94 : memref<1x128x8xf32, #tpu.memory_space<hbm>> -> memref<128x8xf32, #tpu.memory_space<hbm>>
      %dma_wait3A_96 = arith.constant 0 : i32
      %dma_wait3A_97 = tpu.memref_slice %arg5[%arg0, %add3A_72, %dma_wait3A_96] : memref<2x10240x8xf32, #tpu.memory_space<hbm>> -> memref<1x128x8xf32, #tpu.memory_space<hbm>>
      %dma_wait3A_98 = tpu.memref_squeeze %dma_wait3A_97 : memref<1x128x8xf32, #tpu.memory_space<hbm>> -> memref<128x8xf32, #tpu.memory_space<hbm>>
      tpu.wait_dma2 semaphore(%run_scoped3A : memref<!tpu.dma_semaphore, #tpu.memory_space<semaphore_mem>>) src(%arg8 : memref<128x8xf32, #tpu.memory_space<vmem>>) dst(%dma_wait3A_98 : memref<128x8xf32, #tpu.memory_space<hbm>>)
      tpu.yield
    }) : () -> ()
    %mul3A_73 = arith.constant 640 : i32
    %mul3A_74 = arith.muli %arg1, %mul3A_73 : i32
    %add3A_75 = arith.constant 384 : i32
    %add3A_76 = arith.addi %mul3A_74, %add3A_75 : i32
    "tpu.region"() ({
      %run_scoped3A = tpu.sem_alloc : memref<!tpu.dma_semaphore, #tpu.memory_space<semaphore_mem>>
      %dma_start3A = arith.constant 0 : i32
      %dma_start3A_89 = tpu.memref_slice %arg9[%add3A_76, %dma_start3A] : memref<10240x8xf32, #tpu.memory_space<vmem_shared>> -> memref<128x8xf32, #tpu.memory_space<vmem_shared>>
      %dma_start3A_90 = arith.constant 0 : i32
      %dma_start3A_91 = tpu.memref_slice %arg9[%add3A_76, %dma_start3A_90] : memref<10240x8xf32, #tpu.memory_space<vmem_shared>> -> memref<128x8xf32, #tpu.memory_space<vmem_shared>>
      tpu.enqueue_dma source(%dma_start3A_91 : memref<128x8xf32, #tpu.memory_space<vmem_shared>>) target(%arg8 : memref<128x8xf32, #tpu.memory_space<vmem>>) target_semaphore(%run_scoped3A : memref<!tpu.dma_semaphore, #tpu.memory_space<semaphore_mem>>)
      %dma_wait3A = arith.constant 0 : i32
      %dma_wait3A_92 = tpu.memref_slice %arg9[%add3A_76, %dma_wait3A] : memref<10240x8xf32, #tpu.memory_space<vmem_shared>> -> memref<128x8xf32, #tpu.memory_space<vmem_shared>>
      %dma_wait3A_93 = arith.constant 0 : i32
      %dma_wait3A_94 = tpu.memref_slice %arg9[%add3A_76, %dma_wait3A_93] : memref<10240x8xf32, #tpu.memory_space<vmem_shared>> -> memref<128x8xf32, #tpu.memory_space<vmem_shared>>
      tpu.wait_dma2 semaphore(%run_scoped3A : memref<!tpu.dma_semaphore, #tpu.memory_space<semaphore_mem>>) src(%dma_wait3A_94 : memref<128x8xf32, #tpu.memory_space<vmem_shared>>) dst(%arg8 : memref<128x8xf32, #tpu.memory_space<vmem>>)
      tpu.yield
    }) : () -> ()
    %mul3A_77 = arith.constant 640 : i32
    %mul3A_78 = arith.muli %arg1, %mul3A_77 : i32
    %add3A_79 = arith.constant 384 : i32
    %add3A_80 = arith.addi %mul3A_78, %add3A_79 : i32
    "tpu.region"() ({
      %run_scoped3A = tpu.sem_alloc : memref<!tpu.dma_semaphore, #tpu.memory_space<semaphore_mem>>
      %dma_start3A = arith.constant 0 : i32
      %dma_start3A_89 = tpu.memref_slice %arg5[%arg0, %add3A_80, %dma_start3A] : memref<2x10240x8xf32, #tpu.memory_space<hbm>> -> memref<1x128x8xf32, #tpu.memory_space<hbm>>
      %dma_start3A_90 = tpu.memref_squeeze %dma_start3A_89 : memref<1x128x8xf32, #tpu.memory_space<hbm>> -> memref<128x8xf32, #tpu.memory_space<hbm>>
      %dma_start3A_91 = arith.constant 0 : i32
      %dma_start3A_92 = tpu.memref_slice %arg5[%arg0, %add3A_80, %dma_start3A_91] : memref<2x10240x8xf32, #tpu.memory_space<hbm>> -> memref<1x128x8xf32, #tpu.memory_space<hbm>>
      %dma_start3A_93 = tpu.memref_squeeze %dma_start3A_92 : memref<1x128x8xf32, #tpu.memory_space<hbm>> -> memref<128x8xf32, #tpu.memory_space<hbm>>
      tpu.enqueue_dma source(%arg8 : memref<128x8xf32, #tpu.memory_space<vmem>>) target(%dma_start3A_93 : memref<128x8xf32, #tpu.memory_space<hbm>>) target_semaphore(%run_scoped3A : memref<!tpu.dma_semaphore, #tpu.memory_space<semaphore_mem>>)
      %dma_wait3A = arith.constant 0 : i32
      %dma_wait3A_94 = tpu.memref_slice %arg5[%arg0, %add3A_80, %dma_wait3A] : memref<2x10240x8xf32, #tpu.memory_space<hbm>> -> memref<1x128x8xf32, #tpu.memory_space<hbm>>
      %dma_wait3A_95 = tpu.memref_squeeze %dma_wait3A_94 : memref<1x128x8xf32, #tpu.memory_space<hbm>> -> memref<128x8xf32, #tpu.memory_space<hbm>>
      %dma_wait3A_96 = arith.constant 0 : i32
      %dma_wait3A_97 = tpu.memref_slice %arg5[%arg0, %add3A_80, %dma_wait3A_96] : memref<2x10240x8xf32, #tpu.memory_space<hbm>> -> memref<1x128x8xf32, #tpu.memory_space<hbm>>
      %dma_wait3A_98 = tpu.memref_squeeze %dma_wait3A_97 : memref<1x128x8xf32, #tpu.memory_space<hbm>> -> memref<128x8xf32, #tpu.memory_space<hbm>>
      tpu.wait_dma2 semaphore(%run_scoped3A : memref<!tpu.dma_semaphore, #tpu.memory_space<semaphore_mem>>) src(%arg8 : memref<128x8xf32, #tpu.memory_space<vmem>>) dst(%dma_wait3A_98 : memref<128x8xf32, #tpu.memory_space<hbm>>)
      tpu.yield
    }) : () -> ()
    %mul3A_81 = arith.constant 640 : i32
    %mul3A_82 = arith.muli %arg1, %mul3A_81 : i32
    %add3A_83 = arith.constant 512 : i32
    %add3A_84 = arith.addi %mul3A_82, %add3A_83 : i32
    "tpu.region"() ({
      %run_scoped3A = tpu.sem_alloc : memref<!tpu.dma_semaphore, #tpu.memory_space<semaphore_mem>>
      %dma_start3A = arith.constant 0 : i32
      %dma_start3A_89 = tpu.memref_slice %arg9[%add3A_84, %dma_start3A] : memref<10240x8xf32, #tpu.memory_space<vmem_shared>> -> memref<128x8xf32, #tpu.memory_space<vmem_shared>>
      %dma_start3A_90 = arith.constant 0 : i32
      %dma_start3A_91 = tpu.memref_slice %arg9[%add3A_84, %dma_start3A_90] : memref<10240x8xf32, #tpu.memory_space<vmem_shared>> -> memref<128x8xf32, #tpu.memory_space<vmem_shared>>
      tpu.enqueue_dma source(%dma_start3A_91 : memref<128x8xf32, #tpu.memory_space<vmem_shared>>) target(%arg8 : memref<128x8xf32, #tpu.memory_space<vmem>>) target_semaphore(%run_scoped3A : memref<!tpu.dma_semaphore, #tpu.memory_space<semaphore_mem>>)
      %dma_wait3A = arith.constant 0 : i32
      %dma_wait3A_92 = tpu.memref_slice %arg9[%add3A_84, %dma_wait3A] : memref<10240x8xf32, #tpu.memory_space<vmem_shared>> -> memref<128x8xf32, #tpu.memory_space<vmem_shared>>
      %dma_wait3A_93 = arith.constant 0 : i32
      %dma_wait3A_94 = tpu.memref_slice %arg9[%add3A_84, %dma_wait3A_93] : memref<10240x8xf32, #tpu.memory_space<vmem_shared>> -> memref<128x8xf32, #tpu.memory_space<vmem_shared>>
      tpu.wait_dma2 semaphore(%run_scoped3A : memref<!tpu.dma_semaphore, #tpu.memory_space<semaphore_mem>>) src(%dma_wait3A_94 : memref<128x8xf32, #tpu.memory_space<vmem_shared>>) dst(%arg8 : memref<128x8xf32, #tpu.memory_space<vmem>>)
      tpu.yield
    }) : () -> ()
    %mul3A_85 = arith.constant 640 : i32
    %mul3A_86 = arith.muli %arg1, %mul3A_85 : i32
    %add3A_87 = arith.constant 512 : i32
    %add3A_88 = arith.addi %mul3A_86, %add3A_87 : i32
    "tpu.region"() ({
      %run_scoped3A = tpu.sem_alloc : memref<!tpu.dma_semaphore, #tpu.memory_space<semaphore_mem>>
      %dma_start3A = arith.constant 0 : i32
      %dma_start3A_89 = tpu.memref_slice %arg5[%arg0, %add3A_88, %dma_start3A] : memref<2x10240x8xf32, #tpu.memory_space<hbm>> -> memref<1x128x8xf32, #tpu.memory_space<hbm>>
      %dma_start3A_90 = tpu.memref_squeeze %dma_start3A_89 : memref<1x128x8xf32, #tpu.memory_space<hbm>> -> memref<128x8xf32, #tpu.memory_space<hbm>>
      %dma_start3A_91 = arith.constant 0 : i32
      %dma_start3A_92 = tpu.memref_slice %arg5[%arg0, %add3A_88, %dma_start3A_91] : memref<2x10240x8xf32, #tpu.memory_space<hbm>> -> memref<1x128x8xf32, #tpu.memory_space<hbm>>
      %dma_start3A_93 = tpu.memref_squeeze %dma_start3A_92 : memref<1x128x8xf32, #tpu.memory_space<hbm>> -> memref<128x8xf32, #tpu.memory_space<hbm>>
      tpu.enqueue_dma source(%arg8 : memref<128x8xf32, #tpu.memory_space<vmem>>) target(%dma_start3A_93 : memref<128x8xf32, #tpu.memory_space<hbm>>) target_semaphore(%run_scoped3A : memref<!tpu.dma_semaphore, #tpu.memory_space<semaphore_mem>>)
      %dma_wait3A = arith.constant 0 : i32
      %dma_wait3A_94 = tpu.memref_slice %arg5[%arg0, %add3A_88, %dma_wait3A] : memref<2x10240x8xf32, #tpu.memory_space<hbm>> -> memref<1x128x8xf32, #tpu.memory_space<hbm>>
      %dma_wait3A_95 = tpu.memref_squeeze %dma_wait3A_94 : memref<1x128x8xf32, #tpu.memory_space<hbm>> -> memref<128x8xf32, #tpu.memory_space<hbm>>
      %dma_wait3A_96 = arith.constant 0 : i32
      %dma_wait3A_97 = tpu.memref_slice %arg5[%arg0, %add3A_88, %dma_wait3A_96] : memref<2x10240x8xf32, #tpu.memory_space<hbm>> -> memref<1x128x8xf32, #tpu.memory_space<hbm>>
      %dma_wait3A_98 = tpu.memref_squeeze %dma_wait3A_97 : memref<1x128x8xf32, #tpu.memory_space<hbm>> -> memref<128x8xf32, #tpu.memory_space<hbm>>
      tpu.wait_dma2 semaphore(%run_scoped3A : memref<!tpu.dma_semaphore, #tpu.memory_space<semaphore_mem>>) src(%arg8 : memref<128x8xf32, #tpu.memory_space<vmem>>) dst(%dma_wait3A_98 : memref<128x8xf32, #tpu.memory_space<hbm>>)
      tpu.yield
    }) : () -> ()
    return
  }
}

#map = affine_map<(d0, d1) -> (0, 0)>
#map1 = affine_map<(d0, d1) -> (0, 0, 0)>
module attributes {stable_mosaic.version = 14 : i64} {
  func.func @agg(%arg0: i32, %arg1: i32, %arg2: memref<2590x128xi32, #tpu.memory_space<hbm>>, %arg3: memref<2590x128xi32, #tpu.memory_space<hbm>>, %arg4: memref<10000x64xf32, #tpu.memory_space<hbm>>, %arg5: memref<128x64xf32, #tpu.memory_space<hbm>>, %arg6: memref<2x10240x64xf32, #tpu.memory_space<hbm>>, %arg7: memref<110x128xi32, #tpu.memory_space<vmem>>, %arg8: memref<110x128xi32, #tpu.memory_space<vmem>>, %arg9: memref<2x128x64xf32, #tpu.memory_space<vmem>>, %arg10: memref<10240x64xf32, #tpu.memory_space<vmem_shared>>, %arg11: memref<!tpu.dma_semaphore, #tpu.memory_space<semaphore_mem>>, %arg12: memref<!tpu.dma_semaphore, #tpu.memory_space<semaphore_mem>>) attributes {dimension_semantics = [#tpu.dimension_semantics<core_parallel>, #tpu.dimension_semantics<subcore_parallel>], iteration_bounds = array<i64: 2, 16>, scalar_prefetch = 0 : i64, scratch_operands = 6 : i64, tpu.core_type = #tpu.core_type<sc_vector_subcore>, window_params = [{transform_indices = #map}, {transform_indices = #map}, {transform_indices = #map}, {transform_indices = #map}, {transform_indices = #map1}]} {
    %eq3A = arith.constant 0 : i32
    %eq3A_0 = arith.cmpi eq, %arg0, %eq3A : i32
    %mul3A = arith.constant 110 : i32
    %mul3A_1 = arith.muli %arg1, %mul3A : i32
    %mul3A_2 = arith.constant 48 : i32
    %mul3A_3 = arith.muli %arg1, %mul3A_2 : i32
    %add3A = arith.constant 1760 : i32
    %add3A_4 = arith.addi %add3A, %mul3A_3 : i32
    %select_n3A = arith.select %eq3A_0, %mul3A_1, %add3A_4 : i32
    %eq3A_5 = arith.constant 0 : i32
    %eq3A_6 = arith.cmpi eq, %arg0, %eq3A_5 : i32
    %jit3A = arith.constant 110 : i32
    %jit3A_7 = arith.constant 48 : i32
    %select_n3A_8 = arith.select %eq3A_6, %jit3A, %jit3A_7 : i32
    "tpu.region"() ({
      %run_scoped3A_112 = tpu.sem_alloc : memref<!tpu.dma_semaphore, #tpu.memory_space<semaphore_mem>>
      %dma_start3A = arith.constant 0 : i32
      %dma_start3A_113 = tpu.memref_slice %arg2[%select_n3A, %dma_start3A] : memref<2590x128xi32, #tpu.memory_space<hbm>> -> memref<110x128xi32, #tpu.memory_space<hbm>>
      %dma_start3A_114 = arith.constant 0 : i32
      %dma_start3A_115 = tpu.memref_slice %arg2[%select_n3A, %dma_start3A_114] : memref<2590x128xi32, #tpu.memory_space<hbm>> -> memref<110x128xi32, #tpu.memory_space<hbm>>
      tpu.enqueue_dma source(%dma_start3A_115 : memref<110x128xi32, #tpu.memory_space<hbm>>) target(%arg7 : memref<110x128xi32, #tpu.memory_space<vmem>>) target_semaphore(%run_scoped3A_112 : memref<!tpu.dma_semaphore, #tpu.memory_space<semaphore_mem>>)
      %dma_wait3A = arith.constant 0 : i32
      %dma_wait3A_116 = tpu.memref_slice %arg2[%select_n3A, %dma_wait3A] : memref<2590x128xi32, #tpu.memory_space<hbm>> -> memref<110x128xi32, #tpu.memory_space<hbm>>
      %dma_wait3A_117 = arith.constant 0 : i32
      %dma_wait3A_118 = tpu.memref_slice %arg2[%select_n3A, %dma_wait3A_117] : memref<2590x128xi32, #tpu.memory_space<hbm>> -> memref<110x128xi32, #tpu.memory_space<hbm>>
      tpu.wait_dma2 semaphore(%run_scoped3A_112 : memref<!tpu.dma_semaphore, #tpu.memory_space<semaphore_mem>>) src(%dma_wait3A_118 : memref<110x128xi32, #tpu.memory_space<hbm>>) dst(%arg7 : memref<110x128xi32, #tpu.memory_space<vmem>>)
      tpu.yield
    }) : () -> ()
    "tpu.region"() ({
      %run_scoped3A_112 = tpu.sem_alloc : memref<!tpu.dma_semaphore, #tpu.memory_space<semaphore_mem>>
      %dma_start3A = arith.constant 0 : i32
      %dma_start3A_113 = tpu.memref_slice %arg3[%select_n3A, %dma_start3A] : memref<2590x128xi32, #tpu.memory_space<hbm>> -> memref<110x128xi32, #tpu.memory_space<hbm>>
      %dma_start3A_114 = arith.constant 0 : i32
      %dma_start3A_115 = tpu.memref_slice %arg3[%select_n3A, %dma_start3A_114] : memref<2590x128xi32, #tpu.memory_space<hbm>> -> memref<110x128xi32, #tpu.memory_space<hbm>>
      tpu.enqueue_dma source(%dma_start3A_115 : memref<110x128xi32, #tpu.memory_space<hbm>>) target(%arg8 : memref<110x128xi32, #tpu.memory_space<vmem>>) target_semaphore(%run_scoped3A_112 : memref<!tpu.dma_semaphore, #tpu.memory_space<semaphore_mem>>)
      %dma_wait3A = arith.constant 0 : i32
      %dma_wait3A_116 = tpu.memref_slice %arg3[%select_n3A, %dma_wait3A] : memref<2590x128xi32, #tpu.memory_space<hbm>> -> memref<110x128xi32, #tpu.memory_space<hbm>>
      %dma_wait3A_117 = arith.constant 0 : i32
      %dma_wait3A_118 = tpu.memref_slice %arg3[%select_n3A, %dma_wait3A_117] : memref<2590x128xi32, #tpu.memory_space<hbm>> -> memref<110x128xi32, #tpu.memory_space<hbm>>
      tpu.wait_dma2 semaphore(%run_scoped3A_112 : memref<!tpu.dma_semaphore, #tpu.memory_space<semaphore_mem>>) src(%dma_wait3A_118 : memref<110x128xi32, #tpu.memory_space<hbm>>) dst(%arg8 : memref<110x128xi32, #tpu.memory_space<vmem>>)
      tpu.yield
    }) : () -> ()
    %run_scoped3A = arith.constant 0 : i32
    "tpu.region"() ({
      %run_scoped3A_112 = tpu.sem_alloc : memref<!tpu.dma_semaphore, #tpu.memory_space<semaphore_mem>>
      %dma_start3A = arith.constant 0 : i32
      %dma_start3A_113 = arith.constant 0 : i32
      %dma_start3A_114 = tpu.memref_slice %arg9[%run_scoped3A, %dma_start3A, %dma_start3A_113] : memref<2x128x64xf32, #tpu.memory_space<vmem>> -> memref<1x128x64xf32, #tpu.memory_space<vmem>>
      %dma_start3A_115 = tpu.memref_squeeze %dma_start3A_114 : memref<1x128x64xf32, #tpu.memory_space<vmem>> -> memref<128x64xf32, #tpu.memory_space<vmem>>
      %dma_start3A_116 = arith.constant 0 : i32
      %dma_start3A_117 = arith.constant 0 : i32
      %dma_start3A_118 = tpu.memref_slice %arg9[%run_scoped3A, %dma_start3A_116, %dma_start3A_117] : memref<2x128x64xf32, #tpu.memory_space<vmem>> -> memref<1x128x64xf32, #tpu.memory_space<vmem>>
      %dma_start3A_119 = tpu.memref_squeeze %dma_start3A_118 : memref<1x128x64xf32, #tpu.memory_space<vmem>> -> memref<128x64xf32, #tpu.memory_space<vmem>>
      tpu.enqueue_dma source(%arg5 : memref<128x64xf32, #tpu.memory_space<hbm>>) target(%dma_start3A_119 : memref<128x64xf32, #tpu.memory_space<vmem>>) target_semaphore(%run_scoped3A_112 : memref<!tpu.dma_semaphore, #tpu.memory_space<semaphore_mem>>)
      %dma_wait3A = arith.constant 0 : i32
      %dma_wait3A_120 = arith.constant 0 : i32
      %dma_wait3A_121 = tpu.memref_slice %arg9[%run_scoped3A, %dma_wait3A, %dma_wait3A_120] : memref<2x128x64xf32, #tpu.memory_space<vmem>> -> memref<1x128x64xf32, #tpu.memory_space<vmem>>
      %dma_wait3A_122 = tpu.memref_squeeze %dma_wait3A_121 : memref<1x128x64xf32, #tpu.memory_space<vmem>> -> memref<128x64xf32, #tpu.memory_space<vmem>>
      %dma_wait3A_123 = arith.constant 0 : i32
      %dma_wait3A_124 = arith.constant 0 : i32
      %dma_wait3A_125 = tpu.memref_slice %arg9[%run_scoped3A, %dma_wait3A_123, %dma_wait3A_124] : memref<2x128x64xf32, #tpu.memory_space<vmem>> -> memref<1x128x64xf32, #tpu.memory_space<vmem>>
      %dma_wait3A_126 = tpu.memref_squeeze %dma_wait3A_125 : memref<1x128x64xf32, #tpu.memory_space<vmem>> -> memref<128x64xf32, #tpu.memory_space<vmem>>
      tpu.wait_dma2 semaphore(%run_scoped3A_112 : memref<!tpu.dma_semaphore, #tpu.memory_space<semaphore_mem>>) src(%arg5 : memref<128x64xf32, #tpu.memory_space<hbm>>) dst(%dma_wait3A_126 : memref<128x64xf32, #tpu.memory_space<vmem>>)
      tpu.yield
    }) : () -> ()
    %mul3A_9 = arith.constant 640 : i32
    %mul3A_10 = arith.muli %arg1, %mul3A_9 : i32
    %add3A_11 = arith.constant 0 : i32
    %add3A_12 = arith.addi %mul3A_10, %add3A_11 : i32
    %run_scoped3A_13 = arith.constant 0 : i32
    "tpu.region"() ({
      %run_scoped3A_112 = tpu.sem_alloc : memref<!tpu.dma_semaphore, #tpu.memory_space<semaphore_mem>>
      %dma_start3A = arith.constant 0 : i32
      %dma_start3A_113 = arith.constant 0 : i32
      %dma_start3A_114 = tpu.memref_slice %arg9[%run_scoped3A_13, %dma_start3A, %dma_start3A_113] : memref<2x128x64xf32, #tpu.memory_space<vmem>> -> memref<1x128x64xf32, #tpu.memory_space<vmem>>
      %dma_start3A_115 = tpu.memref_squeeze %dma_start3A_114 : memref<1x128x64xf32, #tpu.memory_space<vmem>> -> memref<128x64xf32, #tpu.memory_space<vmem>>
      %dma_start3A_116 = arith.constant 0 : i32
      %dma_start3A_117 = tpu.memref_slice %arg10[%add3A_12, %dma_start3A_116] : memref<10240x64xf32, #tpu.memory_space<vmem_shared>> -> memref<128x64xf32, #tpu.memory_space<vmem_shared>>
      %dma_start3A_118 = arith.constant 0 : i32
      %dma_start3A_119 = tpu.memref_slice %arg10[%add3A_12, %dma_start3A_118] : memref<10240x64xf32, #tpu.memory_space<vmem_shared>> -> memref<128x64xf32, #tpu.memory_space<vmem_shared>>
      %dma_start3A_120 = arith.constant 0 : i32
      %dma_start3A_121 = arith.constant 0 : i32
      %dma_start3A_122 = tpu.memref_slice %arg9[%run_scoped3A_13, %dma_start3A_120, %dma_start3A_121] : memref<2x128x64xf32, #tpu.memory_space<vmem>> -> memref<1x128x64xf32, #tpu.memory_space<vmem>>
      %dma_start3A_123 = tpu.memref_squeeze %dma_start3A_122 : memref<1x128x64xf32, #tpu.memory_space<vmem>> -> memref<128x64xf32, #tpu.memory_space<vmem>>
      tpu.enqueue_dma source(%dma_start3A_123 : memref<128x64xf32, #tpu.memory_space<vmem>>) target(%dma_start3A_119 : memref<128x64xf32, #tpu.memory_space<vmem_shared>>) target_semaphore(%run_scoped3A_112 : memref<!tpu.dma_semaphore, #tpu.memory_space<semaphore_mem>>)
      %dma_wait3A = arith.constant 0 : i32
      %dma_wait3A_124 = arith.constant 0 : i32
      %dma_wait3A_125 = tpu.memref_slice %arg9[%run_scoped3A_13, %dma_wait3A, %dma_wait3A_124] : memref<2x128x64xf32, #tpu.memory_space<vmem>> -> memref<1x128x64xf32, #tpu.memory_space<vmem>>
      %dma_wait3A_126 = tpu.memref_squeeze %dma_wait3A_125 : memref<1x128x64xf32, #tpu.memory_space<vmem>> -> memref<128x64xf32, #tpu.memory_space<vmem>>
      %dma_wait3A_127 = arith.constant 0 : i32
      %dma_wait3A_128 = tpu.memref_slice %arg10[%add3A_12, %dma_wait3A_127] : memref<10240x64xf32, #tpu.memory_space<vmem_shared>> -> memref<128x64xf32, #tpu.memory_space<vmem_shared>>
      %dma_wait3A_129 = arith.constant 0 : i32
      %dma_wait3A_130 = tpu.memref_slice %arg10[%add3A_12, %dma_wait3A_129] : memref<10240x64xf32, #tpu.memory_space<vmem_shared>> -> memref<128x64xf32, #tpu.memory_space<vmem_shared>>
      %dma_wait3A_131 = arith.constant 0 : i32
      %dma_wait3A_132 = arith.constant 0 : i32
      %dma_wait3A_133 = tpu.memref_slice %arg9[%run_scoped3A_13, %dma_wait3A_131, %dma_wait3A_132] : memref<2x128x64xf32, #tpu.memory_space<vmem>> -> memref<1x128x64xf32, #tpu.memory_space<vmem>>
      %dma_wait3A_134 = tpu.memref_squeeze %dma_wait3A_133 : memref<1x128x64xf32, #tpu.memory_space<vmem>> -> memref<128x64xf32, #tpu.memory_space<vmem>>
      tpu.wait_dma2 semaphore(%run_scoped3A_112 : memref<!tpu.dma_semaphore, #tpu.memory_space<semaphore_mem>>) src(%dma_wait3A_134 : memref<128x64xf32, #tpu.memory_space<vmem>>) dst(%dma_wait3A_130 : memref<128x64xf32, #tpu.memory_space<vmem_shared>>)
      tpu.yield
    }) : () -> ()
    %mul3A_14 = arith.constant 640 : i32
    %mul3A_15 = arith.muli %arg1, %mul3A_14 : i32
    %add3A_16 = arith.constant 128 : i32
    %add3A_17 = arith.addi %mul3A_15, %add3A_16 : i32
    %run_scoped3A_18 = arith.constant 0 : i32
    "tpu.region"() ({
      %run_scoped3A_112 = tpu.sem_alloc : memref<!tpu.dma_semaphore, #tpu.memory_space<semaphore_mem>>
      %dma_start3A = arith.constant 0 : i32
      %dma_start3A_113 = arith.constant 0 : i32
      %dma_start3A_114 = tpu.memref_slice %arg9[%run_scoped3A_18, %dma_start3A, %dma_start3A_113] : memref<2x128x64xf32, #tpu.memory_space<vmem>> -> memref<1x128x64xf32, #tpu.memory_space<vmem>>
      %dma_start3A_115 = tpu.memref_squeeze %dma_start3A_114 : memref<1x128x64xf32, #tpu.memory_space<vmem>> -> memref<128x64xf32, #tpu.memory_space<vmem>>
      %dma_start3A_116 = arith.constant 0 : i32
      %dma_start3A_117 = tpu.memref_slice %arg10[%add3A_17, %dma_start3A_116] : memref<10240x64xf32, #tpu.memory_space<vmem_shared>> -> memref<128x64xf32, #tpu.memory_space<vmem_shared>>
      %dma_start3A_118 = arith.constant 0 : i32
      %dma_start3A_119 = tpu.memref_slice %arg10[%add3A_17, %dma_start3A_118] : memref<10240x64xf32, #tpu.memory_space<vmem_shared>> -> memref<128x64xf32, #tpu.memory_space<vmem_shared>>
      %dma_start3A_120 = arith.constant 0 : i32
      %dma_start3A_121 = arith.constant 0 : i32
      %dma_start3A_122 = tpu.memref_slice %arg9[%run_scoped3A_18, %dma_start3A_120, %dma_start3A_121] : memref<2x128x64xf32, #tpu.memory_space<vmem>> -> memref<1x128x64xf32, #tpu.memory_space<vmem>>
      %dma_start3A_123 = tpu.memref_squeeze %dma_start3A_122 : memref<1x128x64xf32, #tpu.memory_space<vmem>> -> memref<128x64xf32, #tpu.memory_space<vmem>>
      tpu.enqueue_dma source(%dma_start3A_123 : memref<128x64xf32, #tpu.memory_space<vmem>>) target(%dma_start3A_119 : memref<128x64xf32, #tpu.memory_space<vmem_shared>>) target_semaphore(%run_scoped3A_112 : memref<!tpu.dma_semaphore, #tpu.memory_space<semaphore_mem>>)
      %dma_wait3A = arith.constant 0 : i32
      %dma_wait3A_124 = arith.constant 0 : i32
      %dma_wait3A_125 = tpu.memref_slice %arg9[%run_scoped3A_18, %dma_wait3A, %dma_wait3A_124] : memref<2x128x64xf32, #tpu.memory_space<vmem>> -> memref<1x128x64xf32, #tpu.memory_space<vmem>>
      %dma_wait3A_126 = tpu.memref_squeeze %dma_wait3A_125 : memref<1x128x64xf32, #tpu.memory_space<vmem>> -> memref<128x64xf32, #tpu.memory_space<vmem>>
      %dma_wait3A_127 = arith.constant 0 : i32
      %dma_wait3A_128 = tpu.memref_slice %arg10[%add3A_17, %dma_wait3A_127] : memref<10240x64xf32, #tpu.memory_space<vmem_shared>> -> memref<128x64xf32, #tpu.memory_space<vmem_shared>>
      %dma_wait3A_129 = arith.constant 0 : i32
      %dma_wait3A_130 = tpu.memref_slice %arg10[%add3A_17, %dma_wait3A_129] : memref<10240x64xf32, #tpu.memory_space<vmem_shared>> -> memref<128x64xf32, #tpu.memory_space<vmem_shared>>
      %dma_wait3A_131 = arith.constant 0 : i32
      %dma_wait3A_132 = arith.constant 0 : i32
      %dma_wait3A_133 = tpu.memref_slice %arg9[%run_scoped3A_18, %dma_wait3A_131, %dma_wait3A_132] : memref<2x128x64xf32, #tpu.memory_space<vmem>> -> memref<1x128x64xf32, #tpu.memory_space<vmem>>
      %dma_wait3A_134 = tpu.memref_squeeze %dma_wait3A_133 : memref<1x128x64xf32, #tpu.memory_space<vmem>> -> memref<128x64xf32, #tpu.memory_space<vmem>>
      tpu.wait_dma2 semaphore(%run_scoped3A_112 : memref<!tpu.dma_semaphore, #tpu.memory_space<semaphore_mem>>) src(%dma_wait3A_134 : memref<128x64xf32, #tpu.memory_space<vmem>>) dst(%dma_wait3A_130 : memref<128x64xf32, #tpu.memory_space<vmem_shared>>)
      tpu.yield
    }) : () -> ()
    %mul3A_19 = arith.constant 640 : i32
    %mul3A_20 = arith.muli %arg1, %mul3A_19 : i32
    %add3A_21 = arith.constant 256 : i32
    %add3A_22 = arith.addi %mul3A_20, %add3A_21 : i32
    %run_scoped3A_23 = arith.constant 0 : i32
    "tpu.region"() ({
      %run_scoped3A_112 = tpu.sem_alloc : memref<!tpu.dma_semaphore, #tpu.memory_space<semaphore_mem>>
      %dma_start3A = arith.constant 0 : i32
      %dma_start3A_113 = arith.constant 0 : i32
      %dma_start3A_114 = tpu.memref_slice %arg9[%run_scoped3A_23, %dma_start3A, %dma_start3A_113] : memref<2x128x64xf32, #tpu.memory_space<vmem>> -> memref<1x128x64xf32, #tpu.memory_space<vmem>>
      %dma_start3A_115 = tpu.memref_squeeze %dma_start3A_114 : memref<1x128x64xf32, #tpu.memory_space<vmem>> -> memref<128x64xf32, #tpu.memory_space<vmem>>
      %dma_start3A_116 = arith.constant 0 : i32
      %dma_start3A_117 = tpu.memref_slice %arg10[%add3A_22, %dma_start3A_116] : memref<10240x64xf32, #tpu.memory_space<vmem_shared>> -> memref<128x64xf32, #tpu.memory_space<vmem_shared>>
      %dma_start3A_118 = arith.constant 0 : i32
      %dma_start3A_119 = tpu.memref_slice %arg10[%add3A_22, %dma_start3A_118] : memref<10240x64xf32, #tpu.memory_space<vmem_shared>> -> memref<128x64xf32, #tpu.memory_space<vmem_shared>>
      %dma_start3A_120 = arith.constant 0 : i32
      %dma_start3A_121 = arith.constant 0 : i32
      %dma_start3A_122 = tpu.memref_slice %arg9[%run_scoped3A_23, %dma_start3A_120, %dma_start3A_121] : memref<2x128x64xf32, #tpu.memory_space<vmem>> -> memref<1x128x64xf32, #tpu.memory_space<vmem>>
      %dma_start3A_123 = tpu.memref_squeeze %dma_start3A_122 : memref<1x128x64xf32, #tpu.memory_space<vmem>> -> memref<128x64xf32, #tpu.memory_space<vmem>>
      tpu.enqueue_dma source(%dma_start3A_123 : memref<128x64xf32, #tpu.memory_space<vmem>>) target(%dma_start3A_119 : memref<128x64xf32, #tpu.memory_space<vmem_shared>>) target_semaphore(%run_scoped3A_112 : memref<!tpu.dma_semaphore, #tpu.memory_space<semaphore_mem>>)
      %dma_wait3A = arith.constant 0 : i32
      %dma_wait3A_124 = arith.constant 0 : i32
      %dma_wait3A_125 = tpu.memref_slice %arg9[%run_scoped3A_23, %dma_wait3A, %dma_wait3A_124] : memref<2x128x64xf32, #tpu.memory_space<vmem>> -> memref<1x128x64xf32, #tpu.memory_space<vmem>>
      %dma_wait3A_126 = tpu.memref_squeeze %dma_wait3A_125 : memref<1x128x64xf32, #tpu.memory_space<vmem>> -> memref<128x64xf32, #tpu.memory_space<vmem>>
      %dma_wait3A_127 = arith.constant 0 : i32
      %dma_wait3A_128 = tpu.memref_slice %arg10[%add3A_22, %dma_wait3A_127] : memref<10240x64xf32, #tpu.memory_space<vmem_shared>> -> memref<128x64xf32, #tpu.memory_space<vmem_shared>>
      %dma_wait3A_129 = arith.constant 0 : i32
      %dma_wait3A_130 = tpu.memref_slice %arg10[%add3A_22, %dma_wait3A_129] : memref<10240x64xf32, #tpu.memory_space<vmem_shared>> -> memref<128x64xf32, #tpu.memory_space<vmem_shared>>
      %dma_wait3A_131 = arith.constant 0 : i32
      %dma_wait3A_132 = arith.constant 0 : i32
      %dma_wait3A_133 = tpu.memref_slice %arg9[%run_scoped3A_23, %dma_wait3A_131, %dma_wait3A_132] : memref<2x128x64xf32, #tpu.memory_space<vmem>> -> memref<1x128x64xf32, #tpu.memory_space<vmem>>
      %dma_wait3A_134 = tpu.memref_squeeze %dma_wait3A_133 : memref<1x128x64xf32, #tpu.memory_space<vmem>> -> memref<128x64xf32, #tpu.memory_space<vmem>>
      tpu.wait_dma2 semaphore(%run_scoped3A_112 : memref<!tpu.dma_semaphore, #tpu.memory_space<semaphore_mem>>) src(%dma_wait3A_134 : memref<128x64xf32, #tpu.memory_space<vmem>>) dst(%dma_wait3A_130 : memref<128x64xf32, #tpu.memory_space<vmem_shared>>)
      tpu.yield
    }) : () -> ()
    %mul3A_24 = arith.constant 640 : i32
    %mul3A_25 = arith.muli %arg1, %mul3A_24 : i32
    %add3A_26 = arith.constant 384 : i32
    %add3A_27 = arith.addi %mul3A_25, %add3A_26 : i32
    %run_scoped3A_28 = arith.constant 0 : i32
    "tpu.region"() ({
      %run_scoped3A_112 = tpu.sem_alloc : memref<!tpu.dma_semaphore, #tpu.memory_space<semaphore_mem>>
      %dma_start3A = arith.constant 0 : i32
      %dma_start3A_113 = arith.constant 0 : i32
      %dma_start3A_114 = tpu.memref_slice %arg9[%run_scoped3A_28, %dma_start3A, %dma_start3A_113] : memref<2x128x64xf32, #tpu.memory_space<vmem>> -> memref<1x128x64xf32, #tpu.memory_space<vmem>>
      %dma_start3A_115 = tpu.memref_squeeze %dma_start3A_114 : memref<1x128x64xf32, #tpu.memory_space<vmem>> -> memref<128x64xf32, #tpu.memory_space<vmem>>
      %dma_start3A_116 = arith.constant 0 : i32
      %dma_start3A_117 = tpu.memref_slice %arg10[%add3A_27, %dma_start3A_116] : memref<10240x64xf32, #tpu.memory_space<vmem_shared>> -> memref<128x64xf32, #tpu.memory_space<vmem_shared>>
      %dma_start3A_118 = arith.constant 0 : i32
      %dma_start3A_119 = tpu.memref_slice %arg10[%add3A_27, %dma_start3A_118] : memref<10240x64xf32, #tpu.memory_space<vmem_shared>> -> memref<128x64xf32, #tpu.memory_space<vmem_shared>>
      %dma_start3A_120 = arith.constant 0 : i32
      %dma_start3A_121 = arith.constant 0 : i32
      %dma_start3A_122 = tpu.memref_slice %arg9[%run_scoped3A_28, %dma_start3A_120, %dma_start3A_121] : memref<2x128x64xf32, #tpu.memory_space<vmem>> -> memref<1x128x64xf32, #tpu.memory_space<vmem>>
      %dma_start3A_123 = tpu.memref_squeeze %dma_start3A_122 : memref<1x128x64xf32, #tpu.memory_space<vmem>> -> memref<128x64xf32, #tpu.memory_space<vmem>>
      tpu.enqueue_dma source(%dma_start3A_123 : memref<128x64xf32, #tpu.memory_space<vmem>>) target(%dma_start3A_119 : memref<128x64xf32, #tpu.memory_space<vmem_shared>>) target_semaphore(%run_scoped3A_112 : memref<!tpu.dma_semaphore, #tpu.memory_space<semaphore_mem>>)
      %dma_wait3A = arith.constant 0 : i32
      %dma_wait3A_124 = arith.constant 0 : i32
      %dma_wait3A_125 = tpu.memref_slice %arg9[%run_scoped3A_28, %dma_wait3A, %dma_wait3A_124] : memref<2x128x64xf32, #tpu.memory_space<vmem>> -> memref<1x128x64xf32, #tpu.memory_space<vmem>>
      %dma_wait3A_126 = tpu.memref_squeeze %dma_wait3A_125 : memref<1x128x64xf32, #tpu.memory_space<vmem>> -> memref<128x64xf32, #tpu.memory_space<vmem>>
      %dma_wait3A_127 = arith.constant 0 : i32
      %dma_wait3A_128 = tpu.memref_slice %arg10[%add3A_27, %dma_wait3A_127] : memref<10240x64xf32, #tpu.memory_space<vmem_shared>> -> memref<128x64xf32, #tpu.memory_space<vmem_shared>>
      %dma_wait3A_129 = arith.constant 0 : i32
      %dma_wait3A_130 = tpu.memref_slice %arg10[%add3A_27, %dma_wait3A_129] : memref<10240x64xf32, #tpu.memory_space<vmem_shared>> -> memref<128x64xf32, #tpu.memory_space<vmem_shared>>
      %dma_wait3A_131 = arith.constant 0 : i32
      %dma_wait3A_132 = arith.constant 0 : i32
      %dma_wait3A_133 = tpu.memref_slice %arg9[%run_scoped3A_28, %dma_wait3A_131, %dma_wait3A_132] : memref<2x128x64xf32, #tpu.memory_space<vmem>> -> memref<1x128x64xf32, #tpu.memory_space<vmem>>
      %dma_wait3A_134 = tpu.memref_squeeze %dma_wait3A_133 : memref<1x128x64xf32, #tpu.memory_space<vmem>> -> memref<128x64xf32, #tpu.memory_space<vmem>>
      tpu.wait_dma2 semaphore(%run_scoped3A_112 : memref<!tpu.dma_semaphore, #tpu.memory_space<semaphore_mem>>) src(%dma_wait3A_134 : memref<128x64xf32, #tpu.memory_space<vmem>>) dst(%dma_wait3A_130 : memref<128x64xf32, #tpu.memory_space<vmem_shared>>)
      tpu.yield
    }) : () -> ()
    %mul3A_29 = arith.constant 640 : i32
    %mul3A_30 = arith.muli %arg1, %mul3A_29 : i32
    %add3A_31 = arith.constant 512 : i32
    %add3A_32 = arith.addi %mul3A_30, %add3A_31 : i32
    %run_scoped3A_33 = arith.constant 0 : i32
    "tpu.region"() ({
      %run_scoped3A_112 = tpu.sem_alloc : memref<!tpu.dma_semaphore, #tpu.memory_space<semaphore_mem>>
      %dma_start3A = arith.constant 0 : i32
      %dma_start3A_113 = arith.constant 0 : i32
      %dma_start3A_114 = tpu.memref_slice %arg9[%run_scoped3A_33, %dma_start3A, %dma_start3A_113] : memref<2x128x64xf32, #tpu.memory_space<vmem>> -> memref<1x128x64xf32, #tpu.memory_space<vmem>>
      %dma_start3A_115 = tpu.memref_squeeze %dma_start3A_114 : memref<1x128x64xf32, #tpu.memory_space<vmem>> -> memref<128x64xf32, #tpu.memory_space<vmem>>
      %dma_start3A_116 = arith.constant 0 : i32
      %dma_start3A_117 = tpu.memref_slice %arg10[%add3A_32, %dma_start3A_116] : memref<10240x64xf32, #tpu.memory_space<vmem_shared>> -> memref<128x64xf32, #tpu.memory_space<vmem_shared>>
      %dma_start3A_118 = arith.constant 0 : i32
      %dma_start3A_119 = tpu.memref_slice %arg10[%add3A_32, %dma_start3A_118] : memref<10240x64xf32, #tpu.memory_space<vmem_shared>> -> memref<128x64xf32, #tpu.memory_space<vmem_shared>>
      %dma_start3A_120 = arith.constant 0 : i32
      %dma_start3A_121 = arith.constant 0 : i32
      %dma_start3A_122 = tpu.memref_slice %arg9[%run_scoped3A_33, %dma_start3A_120, %dma_start3A_121] : memref<2x128x64xf32, #tpu.memory_space<vmem>> -> memref<1x128x64xf32, #tpu.memory_space<vmem>>
      %dma_start3A_123 = tpu.memref_squeeze %dma_start3A_122 : memref<1x128x64xf32, #tpu.memory_space<vmem>> -> memref<128x64xf32, #tpu.memory_space<vmem>>
      tpu.enqueue_dma source(%dma_start3A_123 : memref<128x64xf32, #tpu.memory_space<vmem>>) target(%dma_start3A_119 : memref<128x64xf32, #tpu.memory_space<vmem_shared>>) target_semaphore(%run_scoped3A_112 : memref<!tpu.dma_semaphore, #tpu.memory_space<semaphore_mem>>)
      %dma_wait3A = arith.constant 0 : i32
      %dma_wait3A_124 = arith.constant 0 : i32
      %dma_wait3A_125 = tpu.memref_slice %arg9[%run_scoped3A_33, %dma_wait3A, %dma_wait3A_124] : memref<2x128x64xf32, #tpu.memory_space<vmem>> -> memref<1x128x64xf32, #tpu.memory_space<vmem>>
      %dma_wait3A_126 = tpu.memref_squeeze %dma_wait3A_125 : memref<1x128x64xf32, #tpu.memory_space<vmem>> -> memref<128x64xf32, #tpu.memory_space<vmem>>
      %dma_wait3A_127 = arith.constant 0 : i32
      %dma_wait3A_128 = tpu.memref_slice %arg10[%add3A_32, %dma_wait3A_127] : memref<10240x64xf32, #tpu.memory_space<vmem_shared>> -> memref<128x64xf32, #tpu.memory_space<vmem_shared>>
      %dma_wait3A_129 = arith.constant 0 : i32
      %dma_wait3A_130 = tpu.memref_slice %arg10[%add3A_32, %dma_wait3A_129] : memref<10240x64xf32, #tpu.memory_space<vmem_shared>> -> memref<128x64xf32, #tpu.memory_space<vmem_shared>>
      %dma_wait3A_131 = arith.constant 0 : i32
      %dma_wait3A_132 = arith.constant 0 : i32
      %dma_wait3A_133 = tpu.memref_slice %arg9[%run_scoped3A_33, %dma_wait3A_131, %dma_wait3A_132] : memref<2x128x64xf32, #tpu.memory_space<vmem>> -> memref<1x128x64xf32, #tpu.memory_space<vmem>>
      %dma_wait3A_134 = tpu.memref_squeeze %dma_wait3A_133 : memref<1x128x64xf32, #tpu.memory_space<vmem>> -> memref<128x64xf32, #tpu.memory_space<vmem>>
      tpu.wait_dma2 semaphore(%run_scoped3A_112 : memref<!tpu.dma_semaphore, #tpu.memory_space<semaphore_mem>>) src(%dma_wait3A_134 : memref<128x64xf32, #tpu.memory_space<vmem>>) dst(%dma_wait3A_130 : memref<128x64xf32, #tpu.memory_space<vmem_shared>>)
      tpu.yield
    }) : () -> ()
    %barrier3A = arith.constant 0 : index
    tpu.barrier barrier_id(%barrier3A)
    %jit3A_34 = arith.constant 2 : i32
    %div3A = arith.divsi %select_n3A_8, %jit3A_34 : i32
    %sign3A = arith.constant 0 : i32
    %sign3A_35 = arith.cmpi sgt, %select_n3A_8, %sign3A : i32
    %sign3A_36 = arith.extui %sign3A_35 : i1 to i32
    %sign3A_37 = arith.constant 0 : i32
    %sign3A_38 = arith.cmpi slt, %select_n3A_8, %sign3A_37 : i32
    %sign3A_39 = arith.extui %sign3A_38 : i1 to i32
    %sign3A_40 = arith.subi %sign3A_36, %sign3A_39 : i32
    %sign3A_41 = arith.constant 0 : i32
    %sign3A_42 = arith.cmpi sgt, %jit3A_34, %sign3A_41 : i32
    %sign3A_43 = arith.extui %sign3A_42 : i1 to i32
    %sign3A_44 = arith.constant 0 : i32
    %sign3A_45 = arith.cmpi slt, %jit3A_34, %sign3A_44 : i32
    %sign3A_46 = arith.extui %sign3A_45 : i1 to i32
    %sign3A_47 = arith.subi %sign3A_43, %sign3A_46 : i32
    %ne3A = arith.cmpi ne, %sign3A_40, %sign3A_47 : i32
    %rem3A = arith.remsi %select_n3A_8, %jit3A_34 : i32
    %ne3A_48 = arith.constant 0 : i32
    %ne3A_49 = arith.cmpi ne, %rem3A, %ne3A_48 : i32
    %and3A = arith.andi %ne3A, %ne3A_49 : i1
    %sub3A = arith.constant 1 : i32
    %sub3A_50 = arith.subi %div3A, %sub3A : i32
    %select_n3A_51 = arith.select %and3A, %sub3A_50, %div3A : i32
    %while3A = arith.constant 0 : i32
    %while3A_52 = arith.constant 0 : i32
    %while3A_53 = arith.subi %select_n3A_51, %while3A_52 : i32
    %while3A_54 = arith.addi %while3A_52, %while3A_53 : i32
    %while3A_55 = arith.constant 1 : i32
    %while3A_56 = arith.divsi %while3A_53, %while3A_55 : i32
    %while3A_57 = arith.muli %while3A_56, %while3A_55 : i32
    %while3A_58 = arith.addi %while3A_52, %while3A_57 : i32
    %while3A_59 = arith.constant 1 : i32
    scf.for %while3A_112 = %while3A_52 to %while3A_58 step %while3A_59  : i32 {
      %mul3A_113 = arith.constant 2 : i32
      %mul3A_114 = arith.muli %mul3A_113, %while3A_112 : i32
      %dma_start3A = arith.constant 0 : i32
      %dma_start3A_115 = arith.constant 0 : i32
      %dma_start3A_116 = arith.constant 0 : i32
      %dma_start3A_117 = tpu.memref_slice %arg9[%dma_start3A, %dma_start3A_115, %dma_start3A_116] : memref<2x128x64xf32, #tpu.memory_space<vmem>> -> memref<1x128x64xf32, #tpu.memory_space<vmem>>
      %dma_start3A_118 = tpu.memref_squeeze %dma_start3A_117 : memref<1x128x64xf32, #tpu.memory_space<vmem>> -> memref<128x64xf32, #tpu.memory_space<vmem>>
      %dma_start3A_119 = arith.constant 0 : i32
      %dma_start3A_120 = tpu.memref_slice %arg7[%mul3A_114, %dma_start3A_119] : memref<110x128xi32, #tpu.memory_space<vmem>> -> memref<1x128xi32, #tpu.memory_space<vmem>>
      %dma_start3A_121 = tpu.memref_squeeze %dma_start3A_120 : memref<1x128xi32, #tpu.memory_space<vmem>> -> memref<128xi32, #tpu.memory_space<vmem>>
      %dma_start3A_122 = arith.constant 0 : i32
      %dma_start3A_123 = arith.constant 0 : i32
      %dma_start3A_124 = tpu.memref_slice %arg4[%dma_start3A_122, %dma_start3A_123] : memref<10000x64xf32, #tpu.memory_space<hbm>> -> memref<10000x64xf32, #tpu.memory_space<hbm>>
      tpu.enqueue_indirect_dma source(%dma_start3A_124 : memref<10000x64xf32, #tpu.memory_space<hbm>>) target(%dma_start3A_118 : memref<128x64xf32, #tpu.memory_space<vmem>>) offsets(%dma_start3A_121 : memref<128xi32, #tpu.memory_space<vmem>>) semaphore(%arg11 : memref<!tpu.dma_semaphore, #tpu.memory_space<semaphore_mem>>)
      %add3A_125 = arith.constant 1 : i32
      %add3A_126 = arith.addi %mul3A_114, %add3A_125 : i32
      %dma_start3A_127 = arith.constant 1 : i32
      %dma_start3A_128 = arith.constant 0 : i32
      %dma_start3A_129 = arith.constant 0 : i32
      %dma_start3A_130 = tpu.memref_slice %arg9[%dma_start3A_127, %dma_start3A_128, %dma_start3A_129] : memref<2x128x64xf32, #tpu.memory_space<vmem>> -> memref<1x128x64xf32, #tpu.memory_space<vmem>>
      %dma_start3A_131 = tpu.memref_squeeze %dma_start3A_130 : memref<1x128x64xf32, #tpu.memory_space<vmem>> -> memref<128x64xf32, #tpu.memory_space<vmem>>
      %dma_start3A_132 = arith.constant 0 : i32
      %dma_start3A_133 = tpu.memref_slice %arg7[%add3A_126, %dma_start3A_132] : memref<110x128xi32, #tpu.memory_space<vmem>> -> memref<1x128xi32, #tpu.memory_space<vmem>>
      %dma_start3A_134 = tpu.memref_squeeze %dma_start3A_133 : memref<1x128xi32, #tpu.memory_space<vmem>> -> memref<128xi32, #tpu.memory_space<vmem>>
      %dma_start3A_135 = arith.constant 0 : i32
      %dma_start3A_136 = arith.constant 0 : i32
      %dma_start3A_137 = tpu.memref_slice %arg4[%dma_start3A_135, %dma_start3A_136] : memref<10000x64xf32, #tpu.memory_space<hbm>> -> memref<10000x64xf32, #tpu.memory_space<hbm>>
      tpu.enqueue_indirect_dma source(%dma_start3A_137 : memref<10000x64xf32, #tpu.memory_space<hbm>>) target(%dma_start3A_131 : memref<128x64xf32, #tpu.memory_space<vmem>>) offsets(%dma_start3A_134 : memref<128xi32, #tpu.memory_space<vmem>>) semaphore(%arg12 : memref<!tpu.dma_semaphore, #tpu.memory_space<semaphore_mem>>)
      %dma_wait3A = arith.constant 0 : i32
      %dma_wait3A_138 = arith.constant 0 : i32
      %dma_wait3A_139 = arith.constant 0 : i32
      %dma_wait3A_140 = tpu.memref_slice %arg9[%dma_wait3A, %dma_wait3A_138, %dma_wait3A_139] : memref<2x128x64xf32, #tpu.memory_space<vmem>> -> memref<1x128x64xf32, #tpu.memory_space<vmem>>
      %dma_wait3A_141 = tpu.memref_squeeze %dma_wait3A_140 : memref<1x128x64xf32, #tpu.memory_space<vmem>> -> memref<128x64xf32, #tpu.memory_space<vmem>>
      %dma_wait3A_142 = arith.constant 0 : i32
      %dma_wait3A_143 = tpu.memref_slice %arg7[%mul3A_114, %dma_wait3A_142] : memref<110x128xi32, #tpu.memory_space<vmem>> -> memref<1x128xi32, #tpu.memory_space<vmem>>
      %dma_wait3A_144 = tpu.memref_squeeze %dma_wait3A_143 : memref<1x128xi32, #tpu.memory_space<vmem>> -> memref<128xi32, #tpu.memory_space<vmem>>
      %dma_wait3A_145 = arith.constant 0 : i32
      %dma_wait3A_146 = arith.constant 0 : i32
      %dma_wait3A_147 = tpu.memref_slice %arg4[%dma_wait3A_145, %dma_wait3A_146] : memref<10000x64xf32, #tpu.memory_space<hbm>> -> memref<10000x64xf32, #tpu.memory_space<hbm>>
      tpu.wait_indirect_dma semaphore(%arg11 : memref<!tpu.dma_semaphore, #tpu.memory_space<semaphore_mem>>) src(%dma_wait3A_147 : memref<10000x64xf32, #tpu.memory_space<hbm>>) dst(%dma_wait3A_141 : memref<128x64xf32, #tpu.memory_space<vmem>>)
      %run_scoped3A_148 = arith.constant 0 : i32
      "tpu.region"() ({
        %run_scoped3A_163 = tpu.sem_alloc : memref<!tpu.dma_semaphore, #tpu.memory_space<semaphore_mem>>
        %dma_start3A_164 = arith.constant 0 : i32
        %dma_start3A_165 = arith.constant 0 : i32
        %dma_start3A_166 = tpu.memref_slice %arg9[%run_scoped3A_148, %dma_start3A_164, %dma_start3A_165] : memref<2x128x64xf32, #tpu.memory_space<vmem>> -> memref<1x128x64xf32, #tpu.memory_space<vmem>>
        %dma_start3A_167 = tpu.memref_squeeze %dma_start3A_166 : memref<1x128x64xf32, #tpu.memory_space<vmem>> -> memref<128x64xf32, #tpu.memory_space<vmem>>
        %dma_start3A_168 = arith.constant 0 : i32
        %dma_start3A_169 = tpu.memref_slice %arg8[%mul3A_114, %dma_start3A_168] : memref<110x128xi32, #tpu.memory_space<vmem>> -> memref<1x128xi32, #tpu.memory_space<vmem>>
        %dma_start3A_170 = tpu.memref_squeeze %dma_start3A_169 : memref<1x128xi32, #tpu.memory_space<vmem>> -> memref<128xi32, #tpu.memory_space<vmem>>
        %dma_start3A_171 = arith.constant 0 : i32
        %dma_start3A_172 = arith.constant 0 : i32
        %dma_start3A_173 = tpu.memref_slice %arg10[%dma_start3A_171, %dma_start3A_172] : memref<10240x64xf32, #tpu.memory_space<vmem_shared>> -> memref<10240x64xf32, #tpu.memory_space<vmem_shared>>
        tpu.enqueue_indirect_dma source(%dma_start3A_167 : memref<128x64xf32, #tpu.memory_space<vmem>>) target(%dma_start3A_173 : memref<10240x64xf32, #tpu.memory_space<vmem_shared>>) offsets(%dma_start3A_170 : memref<128xi32, #tpu.memory_space<vmem>>) semaphore(%run_scoped3A_163 : memref<!tpu.dma_semaphore, #tpu.memory_space<semaphore_mem>>) {add = true}
        %dma_wait3A_174 = arith.constant 0 : i32
        %dma_wait3A_175 = arith.constant 0 : i32
        %dma_wait3A_176 = tpu.memref_slice %arg9[%run_scoped3A_148, %dma_wait3A_174, %dma_wait3A_175] : memref<2x128x64xf32, #tpu.memory_space<vmem>> -> memref<1x128x64xf32, #tpu.memory_space<vmem>>
        %dma_wait3A_177 = tpu.memref_squeeze %dma_wait3A_176 : memref<1x128x64xf32, #tpu.memory_space<vmem>> -> memref<128x64xf32, #tpu.memory_space<vmem>>
        %dma_wait3A_178 = arith.constant 0 : i32
        %dma_wait3A_179 = tpu.memref_slice %arg8[%mul3A_114, %dma_wait3A_178] : memref<110x128xi32, #tpu.memory_space<vmem>> -> memref<1x128xi32, #tpu.memory_space<vmem>>
        %dma_wait3A_180 = tpu.memref_squeeze %dma_wait3A_179 : memref<1x128xi32, #tpu.memory_space<vmem>> -> memref<128xi32, #tpu.memory_space<vmem>>
        %dma_wait3A_181 = arith.constant 0 : i32
        %dma_wait3A_182 = arith.constant 0 : i32
        %dma_wait3A_183 = tpu.memref_slice %arg10[%dma_wait3A_181, %dma_wait3A_182] : memref<10240x64xf32, #tpu.memory_space<vmem_shared>> -> memref<10240x64xf32, #tpu.memory_space<vmem_shared>>
        tpu.wait_indirect_dma semaphore(%run_scoped3A_163 : memref<!tpu.dma_semaphore, #tpu.memory_space<semaphore_mem>>) src(%dma_wait3A_177 : memref<128x64xf32, #tpu.memory_space<vmem>>) dst(%dma_wait3A_183 : memref<10240x64xf32, #tpu.memory_space<vmem_shared>>)
        tpu.yield
      }) : () -> ()
      %dma_wait3A_149 = arith.constant 1 : i32
      %dma_wait3A_150 = arith.constant 0 : i32
      %dma_wait3A_151 = arith.constant 0 : i32
      %dma_wait3A_152 = tpu.memref_slice %arg9[%dma_wait3A_149, %dma_wait3A_150, %dma_wait3A_151] : memref<2x128x64xf32, #tpu.memory_space<vmem>> -> memref<1x128x64xf32, #tpu.memory_space<vmem>>
      %dma_wait3A_153 = tpu.memref_squeeze %dma_wait3A_152 : memref<1x128x64xf32, #tpu.memory_space<vmem>> -> memref<128x64xf32, #tpu.memory_space<vmem>>
      %dma_wait3A_154 = arith.constant 0 : i32
      %dma_wait3A_155 = tpu.memref_slice %arg7[%add3A_126, %dma_wait3A_154] : memref<110x128xi32, #tpu.memory_space<vmem>> -> memref<1x128xi32, #tpu.memory_space<vmem>>
      %dma_wait3A_156 = tpu.memref_squeeze %dma_wait3A_155 : memref<1x128xi32, #tpu.memory_space<vmem>> -> memref<128xi32, #tpu.memory_space<vmem>>
      %dma_wait3A_157 = arith.constant 0 : i32
      %dma_wait3A_158 = arith.constant 0 : i32
      %dma_wait3A_159 = tpu.memref_slice %arg4[%dma_wait3A_157, %dma_wait3A_158] : memref<10000x64xf32, #tpu.memory_space<hbm>> -> memref<10000x64xf32, #tpu.memory_space<hbm>>
      tpu.wait_indirect_dma semaphore(%arg12 : memref<!tpu.dma_semaphore, #tpu.memory_space<semaphore_mem>>) src(%dma_wait3A_159 : memref<10000x64xf32, #tpu.memory_space<hbm>>) dst(%dma_wait3A_153 : memref<128x64xf32, #tpu.memory_space<vmem>>)
      %add3A_160 = arith.constant 1 : i32
      %add3A_161 = arith.addi %mul3A_114, %add3A_160 : i32
      %run_scoped3A_162 = arith.constant 1 : i32
      "tpu.region"() ({
        %run_scoped3A_163 = tpu.sem_alloc : memref<!tpu.dma_semaphore, #tpu.memory_space<semaphore_mem>>
        %dma_start3A_164 = arith.constant 0 : i32
        %dma_start3A_165 = arith.constant 0 : i32
        %dma_start3A_166 = tpu.memref_slice %arg9[%run_scoped3A_162, %dma_start3A_164, %dma_start3A_165] : memref<2x128x64xf32, #tpu.memory_space<vmem>> -> memref<1x128x64xf32, #tpu.memory_space<vmem>>
        %dma_start3A_167 = tpu.memref_squeeze %dma_start3A_166 : memref<1x128x64xf32, #tpu.memory_space<vmem>> -> memref<128x64xf32, #tpu.memory_space<vmem>>
        %dma_start3A_168 = arith.constant 0 : i32
        %dma_start3A_169 = tpu.memref_slice %arg8[%add3A_161, %dma_start3A_168] : memref<110x128xi32, #tpu.memory_space<vmem>> -> memref<1x128xi32, #tpu.memory_space<vmem>>
        %dma_start3A_170 = tpu.memref_squeeze %dma_start3A_169 : memref<1x128xi32, #tpu.memory_space<vmem>> -> memref<128xi32, #tpu.memory_space<vmem>>
        %dma_start3A_171 = arith.constant 0 : i32
        %dma_start3A_172 = arith.constant 0 : i32
        %dma_start3A_173 = tpu.memref_slice %arg10[%dma_start3A_171, %dma_start3A_172] : memref<10240x64xf32, #tpu.memory_space<vmem_shared>> -> memref<10240x64xf32, #tpu.memory_space<vmem_shared>>
        tpu.enqueue_indirect_dma source(%dma_start3A_167 : memref<128x64xf32, #tpu.memory_space<vmem>>) target(%dma_start3A_173 : memref<10240x64xf32, #tpu.memory_space<vmem_shared>>) offsets(%dma_start3A_170 : memref<128xi32, #tpu.memory_space<vmem>>) semaphore(%run_scoped3A_163 : memref<!tpu.dma_semaphore, #tpu.memory_space<semaphore_mem>>) {add = true}
        %dma_wait3A_174 = arith.constant 0 : i32
        %dma_wait3A_175 = arith.constant 0 : i32
        %dma_wait3A_176 = tpu.memref_slice %arg9[%run_scoped3A_162, %dma_wait3A_174, %dma_wait3A_175] : memref<2x128x64xf32, #tpu.memory_space<vmem>> -> memref<1x128x64xf32, #tpu.memory_space<vmem>>
        %dma_wait3A_177 = tpu.memref_squeeze %dma_wait3A_176 : memref<1x128x64xf32, #tpu.memory_space<vmem>> -> memref<128x64xf32, #tpu.memory_space<vmem>>
        %dma_wait3A_178 = arith.constant 0 : i32
        %dma_wait3A_179 = tpu.memref_slice %arg8[%add3A_161, %dma_wait3A_178] : memref<110x128xi32, #tpu.memory_space<vmem>> -> memref<1x128xi32, #tpu.memory_space<vmem>>
        %dma_wait3A_180 = tpu.memref_squeeze %dma_wait3A_179 : memref<1x128xi32, #tpu.memory_space<vmem>> -> memref<128xi32, #tpu.memory_space<vmem>>
        %dma_wait3A_181 = arith.constant 0 : i32
        %dma_wait3A_182 = arith.constant 0 : i32
        %dma_wait3A_183 = tpu.memref_slice %arg10[%dma_wait3A_181, %dma_wait3A_182] : memref<10240x64xf32, #tpu.memory_space<vmem_shared>> -> memref<10240x64xf32, #tpu.memory_space<vmem_shared>>
        tpu.wait_indirect_dma semaphore(%run_scoped3A_163 : memref<!tpu.dma_semaphore, #tpu.memory_space<semaphore_mem>>) src(%dma_wait3A_177 : memref<128x64xf32, #tpu.memory_space<vmem>>) dst(%dma_wait3A_183 : memref<10240x64xf32, #tpu.memory_space<vmem_shared>>)
        tpu.yield
      }) : () -> ()
    }
    %while3A_60 = arith.constant 1 : i32
    scf.for %while3A_112 = %while3A_58 to %while3A_54 step %while3A_60  : i32 {
      %mul3A_113 = arith.constant 2 : i32
      %mul3A_114 = arith.muli %mul3A_113, %while3A_112 : i32
      %dma_start3A = arith.constant 0 : i32
      %dma_start3A_115 = arith.constant 0 : i32
      %dma_start3A_116 = arith.constant 0 : i32
      %dma_start3A_117 = tpu.memref_slice %arg9[%dma_start3A, %dma_start3A_115, %dma_start3A_116] : memref<2x128x64xf32, #tpu.memory_space<vmem>> -> memref<1x128x64xf32, #tpu.memory_space<vmem>>
      %dma_start3A_118 = tpu.memref_squeeze %dma_start3A_117 : memref<1x128x64xf32, #tpu.memory_space<vmem>> -> memref<128x64xf32, #tpu.memory_space<vmem>>
      %dma_start3A_119 = arith.constant 0 : i32
      %dma_start3A_120 = tpu.memref_slice %arg7[%mul3A_114, %dma_start3A_119] : memref<110x128xi32, #tpu.memory_space<vmem>> -> memref<1x128xi32, #tpu.memory_space<vmem>>
      %dma_start3A_121 = tpu.memref_squeeze %dma_start3A_120 : memref<1x128xi32, #tpu.memory_space<vmem>> -> memref<128xi32, #tpu.memory_space<vmem>>
      %dma_start3A_122 = arith.constant 0 : i32
      %dma_start3A_123 = arith.constant 0 : i32
      %dma_start3A_124 = tpu.memref_slice %arg4[%dma_start3A_122, %dma_start3A_123] : memref<10000x64xf32, #tpu.memory_space<hbm>> -> memref<10000x64xf32, #tpu.memory_space<hbm>>
      tpu.enqueue_indirect_dma source(%dma_start3A_124 : memref<10000x64xf32, #tpu.memory_space<hbm>>) target(%dma_start3A_118 : memref<128x64xf32, #tpu.memory_space<vmem>>) offsets(%dma_start3A_121 : memref<128xi32, #tpu.memory_space<vmem>>) semaphore(%arg11 : memref<!tpu.dma_semaphore, #tpu.memory_space<semaphore_mem>>)
      %add3A_125 = arith.constant 1 : i32
      %add3A_126 = arith.addi %mul3A_114, %add3A_125 : i32
      %dma_start3A_127 = arith.constant 1 : i32
      %dma_start3A_128 = arith.constant 0 : i32
      %dma_start3A_129 = arith.constant 0 : i32
      %dma_start3A_130 = tpu.memref_slice %arg9[%dma_start3A_127, %dma_start3A_128, %dma_start3A_129] : memref<2x128x64xf32, #tpu.memory_space<vmem>> -> memref<1x128x64xf32, #tpu.memory_space<vmem>>
      %dma_start3A_131 = tpu.memref_squeeze %dma_start3A_130 : memref<1x128x64xf32, #tpu.memory_space<vmem>> -> memref<128x64xf32, #tpu.memory_space<vmem>>
      %dma_start3A_132 = arith.constant 0 : i32
      %dma_start3A_133 = tpu.memref_slice %arg7[%add3A_126, %dma_start3A_132] : memref<110x128xi32, #tpu.memory_space<vmem>> -> memref<1x128xi32, #tpu.memory_space<vmem>>
      %dma_start3A_134 = tpu.memref_squeeze %dma_start3A_133 : memref<1x128xi32, #tpu.memory_space<vmem>> -> memref<128xi32, #tpu.memory_space<vmem>>
      %dma_start3A_135 = arith.constant 0 : i32
      %dma_start3A_136 = arith.constant 0 : i32
      %dma_start3A_137 = tpu.memref_slice %arg4[%dma_start3A_135, %dma_start3A_136] : memref<10000x64xf32, #tpu.memory_space<hbm>> -> memref<10000x64xf32, #tpu.memory_space<hbm>>
      tpu.enqueue_indirect_dma source(%dma_start3A_137 : memref<10000x64xf32, #tpu.memory_space<hbm>>) target(%dma_start3A_131 : memref<128x64xf32, #tpu.memory_space<vmem>>) offsets(%dma_start3A_134 : memref<128xi32, #tpu.memory_space<vmem>>) semaphore(%arg12 : memref<!tpu.dma_semaphore, #tpu.memory_space<semaphore_mem>>)
      %dma_wait3A = arith.constant 0 : i32
      %dma_wait3A_138 = arith.constant 0 : i32
      %dma_wait3A_139 = arith.constant 0 : i32
      %dma_wait3A_140 = tpu.memref_slice %arg9[%dma_wait3A, %dma_wait3A_138, %dma_wait3A_139] : memref<2x128x64xf32, #tpu.memory_space<vmem>> -> memref<1x128x64xf32, #tpu.memory_space<vmem>>
      %dma_wait3A_141 = tpu.memref_squeeze %dma_wait3A_140 : memref<1x128x64xf32, #tpu.memory_space<vmem>> -> memref<128x64xf32, #tpu.memory_space<vmem>>
      %dma_wait3A_142 = arith.constant 0 : i32
      %dma_wait3A_143 = tpu.memref_slice %arg7[%mul3A_114, %dma_wait3A_142] : memref<110x128xi32, #tpu.memory_space<vmem>> -> memref<1x128xi32, #tpu.memory_space<vmem>>
      %dma_wait3A_144 = tpu.memref_squeeze %dma_wait3A_143 : memref<1x128xi32, #tpu.memory_space<vmem>> -> memref<128xi32, #tpu.memory_space<vmem>>
      %dma_wait3A_145 = arith.constant 0 : i32
      %dma_wait3A_146 = arith.constant 0 : i32
      %dma_wait3A_147 = tpu.memref_slice %arg4[%dma_wait3A_145, %dma_wait3A_146] : memref<10000x64xf32, #tpu.memory_space<hbm>> -> memref<10000x64xf32, #tpu.memory_space<hbm>>
      tpu.wait_indirect_dma semaphore(%arg11 : memref<!tpu.dma_semaphore, #tpu.memory_space<semaphore_mem>>) src(%dma_wait3A_147 : memref<10000x64xf32, #tpu.memory_space<hbm>>) dst(%dma_wait3A_141 : memref<128x64xf32, #tpu.memory_space<vmem>>)
      %run_scoped3A_148 = arith.constant 0 : i32
      "tpu.region"() ({
        %run_scoped3A_163 = tpu.sem_alloc : memref<!tpu.dma_semaphore, #tpu.memory_space<semaphore_mem>>
        %dma_start3A_164 = arith.constant 0 : i32
        %dma_start3A_165 = arith.constant 0 : i32
        %dma_start3A_166 = tpu.memref_slice %arg9[%run_scoped3A_148, %dma_start3A_164, %dma_start3A_165] : memref<2x128x64xf32, #tpu.memory_space<vmem>> -> memref<1x128x64xf32, #tpu.memory_space<vmem>>
        %dma_start3A_167 = tpu.memref_squeeze %dma_start3A_166 : memref<1x128x64xf32, #tpu.memory_space<vmem>> -> memref<128x64xf32, #tpu.memory_space<vmem>>
        %dma_start3A_168 = arith.constant 0 : i32
        %dma_start3A_169 = tpu.memref_slice %arg8[%mul3A_114, %dma_start3A_168] : memref<110x128xi32, #tpu.memory_space<vmem>> -> memref<1x128xi32, #tpu.memory_space<vmem>>
        %dma_start3A_170 = tpu.memref_squeeze %dma_start3A_169 : memref<1x128xi32, #tpu.memory_space<vmem>> -> memref<128xi32, #tpu.memory_space<vmem>>
        %dma_start3A_171 = arith.constant 0 : i32
        %dma_start3A_172 = arith.constant 0 : i32
        %dma_start3A_173 = tpu.memref_slice %arg10[%dma_start3A_171, %dma_start3A_172] : memref<10240x64xf32, #tpu.memory_space<vmem_shared>> -> memref<10240x64xf32, #tpu.memory_space<vmem_shared>>
        tpu.enqueue_indirect_dma source(%dma_start3A_167 : memref<128x64xf32, #tpu.memory_space<vmem>>) target(%dma_start3A_173 : memref<10240x64xf32, #tpu.memory_space<vmem_shared>>) offsets(%dma_start3A_170 : memref<128xi32, #tpu.memory_space<vmem>>) semaphore(%run_scoped3A_163 : memref<!tpu.dma_semaphore, #tpu.memory_space<semaphore_mem>>) {add = true}
        %dma_wait3A_174 = arith.constant 0 : i32
        %dma_wait3A_175 = arith.constant 0 : i32
        %dma_wait3A_176 = tpu.memref_slice %arg9[%run_scoped3A_148, %dma_wait3A_174, %dma_wait3A_175] : memref<2x128x64xf32, #tpu.memory_space<vmem>> -> memref<1x128x64xf32, #tpu.memory_space<vmem>>
        %dma_wait3A_177 = tpu.memref_squeeze %dma_wait3A_176 : memref<1x128x64xf32, #tpu.memory_space<vmem>> -> memref<128x64xf32, #tpu.memory_space<vmem>>
        %dma_wait3A_178 = arith.constant 0 : i32
        %dma_wait3A_179 = tpu.memref_slice %arg8[%mul3A_114, %dma_wait3A_178] : memref<110x128xi32, #tpu.memory_space<vmem>> -> memref<1x128xi32, #tpu.memory_space<vmem>>
        %dma_wait3A_180 = tpu.memref_squeeze %dma_wait3A_179 : memref<1x128xi32, #tpu.memory_space<vmem>> -> memref<128xi32, #tpu.memory_space<vmem>>
        %dma_wait3A_181 = arith.constant 0 : i32
        %dma_wait3A_182 = arith.constant 0 : i32
        %dma_wait3A_183 = tpu.memref_slice %arg10[%dma_wait3A_181, %dma_wait3A_182] : memref<10240x64xf32, #tpu.memory_space<vmem_shared>> -> memref<10240x64xf32, #tpu.memory_space<vmem_shared>>
        tpu.wait_indirect_dma semaphore(%run_scoped3A_163 : memref<!tpu.dma_semaphore, #tpu.memory_space<semaphore_mem>>) src(%dma_wait3A_177 : memref<128x64xf32, #tpu.memory_space<vmem>>) dst(%dma_wait3A_183 : memref<10240x64xf32, #tpu.memory_space<vmem_shared>>)
        tpu.yield
      }) : () -> ()
      %dma_wait3A_149 = arith.constant 1 : i32
      %dma_wait3A_150 = arith.constant 0 : i32
      %dma_wait3A_151 = arith.constant 0 : i32
      %dma_wait3A_152 = tpu.memref_slice %arg9[%dma_wait3A_149, %dma_wait3A_150, %dma_wait3A_151] : memref<2x128x64xf32, #tpu.memory_space<vmem>> -> memref<1x128x64xf32, #tpu.memory_space<vmem>>
      %dma_wait3A_153 = tpu.memref_squeeze %dma_wait3A_152 : memref<1x128x64xf32, #tpu.memory_space<vmem>> -> memref<128x64xf32, #tpu.memory_space<vmem>>
      %dma_wait3A_154 = arith.constant 0 : i32
      %dma_wait3A_155 = tpu.memref_slice %arg7[%add3A_126, %dma_wait3A_154] : memref<110x128xi32, #tpu.memory_space<vmem>> -> memref<1x128xi32, #tpu.memory_space<vmem>>
      %dma_wait3A_156 = tpu.memref_squeeze %dma_wait3A_155 : memref<1x128xi32, #tpu.memory_space<vmem>> -> memref<128xi32, #tpu.memory_space<vmem>>
      %dma_wait3A_157 = arith.constant 0 : i32
      %dma_wait3A_158 = arith.constant 0 : i32
      %dma_wait3A_159 = tpu.memref_slice %arg4[%dma_wait3A_157, %dma_wait3A_158] : memref<10000x64xf32, #tpu.memory_space<hbm>> -> memref<10000x64xf32, #tpu.memory_space<hbm>>
      tpu.wait_indirect_dma semaphore(%arg12 : memref<!tpu.dma_semaphore, #tpu.memory_space<semaphore_mem>>) src(%dma_wait3A_159 : memref<10000x64xf32, #tpu.memory_space<hbm>>) dst(%dma_wait3A_153 : memref<128x64xf32, #tpu.memory_space<vmem>>)
      %add3A_160 = arith.constant 1 : i32
      %add3A_161 = arith.addi %mul3A_114, %add3A_160 : i32
      %run_scoped3A_162 = arith.constant 1 : i32
      "tpu.region"() ({
        %run_scoped3A_163 = tpu.sem_alloc : memref<!tpu.dma_semaphore, #tpu.memory_space<semaphore_mem>>
        %dma_start3A_164 = arith.constant 0 : i32
        %dma_start3A_165 = arith.constant 0 : i32
        %dma_start3A_166 = tpu.memref_slice %arg9[%run_scoped3A_162, %dma_start3A_164, %dma_start3A_165] : memref<2x128x64xf32, #tpu.memory_space<vmem>> -> memref<1x128x64xf32, #tpu.memory_space<vmem>>
        %dma_start3A_167 = tpu.memref_squeeze %dma_start3A_166 : memref<1x128x64xf32, #tpu.memory_space<vmem>> -> memref<128x64xf32, #tpu.memory_space<vmem>>
        %dma_start3A_168 = arith.constant 0 : i32
        %dma_start3A_169 = tpu.memref_slice %arg8[%add3A_161, %dma_start3A_168] : memref<110x128xi32, #tpu.memory_space<vmem>> -> memref<1x128xi32, #tpu.memory_space<vmem>>
        %dma_start3A_170 = tpu.memref_squeeze %dma_start3A_169 : memref<1x128xi32, #tpu.memory_space<vmem>> -> memref<128xi32, #tpu.memory_space<vmem>>
        %dma_start3A_171 = arith.constant 0 : i32
        %dma_start3A_172 = arith.constant 0 : i32
        %dma_start3A_173 = tpu.memref_slice %arg10[%dma_start3A_171, %dma_start3A_172] : memref<10240x64xf32, #tpu.memory_space<vmem_shared>> -> memref<10240x64xf32, #tpu.memory_space<vmem_shared>>
        tpu.enqueue_indirect_dma source(%dma_start3A_167 : memref<128x64xf32, #tpu.memory_space<vmem>>) target(%dma_start3A_173 : memref<10240x64xf32, #tpu.memory_space<vmem_shared>>) offsets(%dma_start3A_170 : memref<128xi32, #tpu.memory_space<vmem>>) semaphore(%run_scoped3A_163 : memref<!tpu.dma_semaphore, #tpu.memory_space<semaphore_mem>>) {add = true}
        %dma_wait3A_174 = arith.constant 0 : i32
        %dma_wait3A_175 = arith.constant 0 : i32
        %dma_wait3A_176 = tpu.memref_slice %arg9[%run_scoped3A_162, %dma_wait3A_174, %dma_wait3A_175] : memref<2x128x64xf32, #tpu.memory_space<vmem>> -> memref<1x128x64xf32, #tpu.memory_space<vmem>>
        %dma_wait3A_177 = tpu.memref_squeeze %dma_wait3A_176 : memref<1x128x64xf32, #tpu.memory_space<vmem>> -> memref<128x64xf32, #tpu.memory_space<vmem>>
        %dma_wait3A_178 = arith.constant 0 : i32
        %dma_wait3A_179 = tpu.memref_slice %arg8[%add3A_161, %dma_wait3A_178] : memref<110x128xi32, #tpu.memory_space<vmem>> -> memref<1x128xi32, #tpu.memory_space<vmem>>
        %dma_wait3A_180 = tpu.memref_squeeze %dma_wait3A_179 : memref<1x128xi32, #tpu.memory_space<vmem>> -> memref<128xi32, #tpu.memory_space<vmem>>
        %dma_wait3A_181 = arith.constant 0 : i32
        %dma_wait3A_182 = arith.constant 0 : i32
        %dma_wait3A_183 = tpu.memref_slice %arg10[%dma_wait3A_181, %dma_wait3A_182] : memref<10240x64xf32, #tpu.memory_space<vmem_shared>> -> memref<10240x64xf32, #tpu.memory_space<vmem_shared>>
        tpu.wait_indirect_dma semaphore(%run_scoped3A_163 : memref<!tpu.dma_semaphore, #tpu.memory_space<semaphore_mem>>) src(%dma_wait3A_177 : memref<128x64xf32, #tpu.memory_space<vmem>>) dst(%dma_wait3A_183 : memref<10240x64xf32, #tpu.memory_space<vmem_shared>>)
        tpu.yield
      }) : () -> ()
    }
    %barrier3A_61 = arith.constant 0 : index
    tpu.barrier barrier_id(%barrier3A_61)
    %mul3A_62 = arith.constant 640 : i32
    %mul3A_63 = arith.muli %arg1, %mul3A_62 : i32
    %add3A_64 = arith.constant 0 : i32
    %add3A_65 = arith.addi %mul3A_63, %add3A_64 : i32
    %run_scoped3A_66 = arith.constant 0 : i32
    "tpu.region"() ({
      %run_scoped3A_112 = tpu.sem_alloc : memref<!tpu.dma_semaphore, #tpu.memory_space<semaphore_mem>>
      %dma_start3A = arith.constant 0 : i32
      %dma_start3A_113 = arith.constant 0 : i32
      %dma_start3A_114 = tpu.memref_slice %arg9[%run_scoped3A_66, %dma_start3A, %dma_start3A_113] : memref<2x128x64xf32, #tpu.memory_space<vmem>> -> memref<1x128x64xf32, #tpu.memory_space<vmem>>
      %dma_start3A_115 = tpu.memref_squeeze %dma_start3A_114 : memref<1x128x64xf32, #tpu.memory_space<vmem>> -> memref<128x64xf32, #tpu.memory_space<vmem>>
      %dma_start3A_116 = arith.constant 0 : i32
      %dma_start3A_117 = tpu.memref_slice %arg10[%add3A_65, %dma_start3A_116] : memref<10240x64xf32, #tpu.memory_space<vmem_shared>> -> memref<128x64xf32, #tpu.memory_space<vmem_shared>>
      %dma_start3A_118 = arith.constant 0 : i32
      %dma_start3A_119 = arith.constant 0 : i32
      %dma_start3A_120 = tpu.memref_slice %arg9[%run_scoped3A_66, %dma_start3A_118, %dma_start3A_119] : memref<2x128x64xf32, #tpu.memory_space<vmem>> -> memref<1x128x64xf32, #tpu.memory_space<vmem>>
      %dma_start3A_121 = tpu.memref_squeeze %dma_start3A_120 : memref<1x128x64xf32, #tpu.memory_space<vmem>> -> memref<128x64xf32, #tpu.memory_space<vmem>>
      %dma_start3A_122 = arith.constant 0 : i32
      %dma_start3A_123 = tpu.memref_slice %arg10[%add3A_65, %dma_start3A_122] : memref<10240x64xf32, #tpu.memory_space<vmem_shared>> -> memref<128x64xf32, #tpu.memory_space<vmem_shared>>
      tpu.enqueue_dma source(%dma_start3A_123 : memref<128x64xf32, #tpu.memory_space<vmem_shared>>) target(%dma_start3A_121 : memref<128x64xf32, #tpu.memory_space<vmem>>) target_semaphore(%run_scoped3A_112 : memref<!tpu.dma_semaphore, #tpu.memory_space<semaphore_mem>>)
      %dma_wait3A = arith.constant 0 : i32
      %dma_wait3A_124 = arith.constant 0 : i32
      %dma_wait3A_125 = tpu.memref_slice %arg9[%run_scoped3A_66, %dma_wait3A, %dma_wait3A_124] : memref<2x128x64xf32, #tpu.memory_space<vmem>> -> memref<1x128x64xf32, #tpu.memory_space<vmem>>
      %dma_wait3A_126 = tpu.memref_squeeze %dma_wait3A_125 : memref<1x128x64xf32, #tpu.memory_space<vmem>> -> memref<128x64xf32, #tpu.memory_space<vmem>>
      %dma_wait3A_127 = arith.constant 0 : i32
      %dma_wait3A_128 = tpu.memref_slice %arg10[%add3A_65, %dma_wait3A_127] : memref<10240x64xf32, #tpu.memory_space<vmem_shared>> -> memref<128x64xf32, #tpu.memory_space<vmem_shared>>
      %dma_wait3A_129 = arith.constant 0 : i32
      %dma_wait3A_130 = arith.constant 0 : i32
      %dma_wait3A_131 = tpu.memref_slice %arg9[%run_scoped3A_66, %dma_wait3A_129, %dma_wait3A_130] : memref<2x128x64xf32, #tpu.memory_space<vmem>> -> memref<1x128x64xf32, #tpu.memory_space<vmem>>
      %dma_wait3A_132 = tpu.memref_squeeze %dma_wait3A_131 : memref<1x128x64xf32, #tpu.memory_space<vmem>> -> memref<128x64xf32, #tpu.memory_space<vmem>>
      %dma_wait3A_133 = arith.constant 0 : i32
      %dma_wait3A_134 = tpu.memref_slice %arg10[%add3A_65, %dma_wait3A_133] : memref<10240x64xf32, #tpu.memory_space<vmem_shared>> -> memref<128x64xf32, #tpu.memory_space<vmem_shared>>
      tpu.wait_dma2 semaphore(%run_scoped3A_112 : memref<!tpu.dma_semaphore, #tpu.memory_space<semaphore_mem>>) src(%dma_wait3A_134 : memref<128x64xf32, #tpu.memory_space<vmem_shared>>) dst(%dma_wait3A_132 : memref<128x64xf32, #tpu.memory_space<vmem>>)
      tpu.yield
    }) : () -> ()
    %mul3A_67 = arith.constant 640 : i32
    %mul3A_68 = arith.muli %arg1, %mul3A_67 : i32
    %add3A_69 = arith.constant 0 : i32
    %add3A_70 = arith.addi %mul3A_68, %add3A_69 : i32
    %run_scoped3A_71 = arith.constant 0 : i32
    "tpu.region"() ({
      %run_scoped3A_112 = tpu.sem_alloc : memref<!tpu.dma_semaphore, #tpu.memory_space<semaphore_mem>>
      %dma_start3A = arith.constant 0 : i32
      %dma_start3A_113 = arith.constant 0 : i32
      %dma_start3A_114 = tpu.memref_slice %arg9[%run_scoped3A_71, %dma_start3A, %dma_start3A_113] : memref<2x128x64xf32, #tpu.memory_space<vmem>> -> memref<1x128x64xf32, #tpu.memory_space<vmem>>
      %dma_start3A_115 = tpu.memref_squeeze %dma_start3A_114 : memref<1x128x64xf32, #tpu.memory_space<vmem>> -> memref<128x64xf32, #tpu.memory_space<vmem>>
      %dma_start3A_116 = arith.constant 0 : i32
      %dma_start3A_117 = tpu.memref_slice %arg6[%arg0, %add3A_70, %dma_start3A_116] : memref<2x10240x64xf32, #tpu.memory_space<hbm>> -> memref<1x128x64xf32, #tpu.memory_space<hbm>>
      %dma_start3A_118 = tpu.memref_squeeze %dma_start3A_117 : memref<1x128x64xf32, #tpu.memory_space<hbm>> -> memref<128x64xf32, #tpu.memory_space<hbm>>
      %dma_start3A_119 = arith.constant 0 : i32
      %dma_start3A_120 = tpu.memref_slice %arg6[%arg0, %add3A_70, %dma_start3A_119] : memref<2x10240x64xf32, #tpu.memory_space<hbm>> -> memref<1x128x64xf32, #tpu.memory_space<hbm>>
      %dma_start3A_121 = tpu.memref_squeeze %dma_start3A_120 : memref<1x128x64xf32, #tpu.memory_space<hbm>> -> memref<128x64xf32, #tpu.memory_space<hbm>>
      %dma_start3A_122 = arith.constant 0 : i32
      %dma_start3A_123 = arith.constant 0 : i32
      %dma_start3A_124 = tpu.memref_slice %arg9[%run_scoped3A_71, %dma_start3A_122, %dma_start3A_123] : memref<2x128x64xf32, #tpu.memory_space<vmem>> -> memref<1x128x64xf32, #tpu.memory_space<vmem>>
      %dma_start3A_125 = tpu.memref_squeeze %dma_start3A_124 : memref<1x128x64xf32, #tpu.memory_space<vmem>> -> memref<128x64xf32, #tpu.memory_space<vmem>>
      tpu.enqueue_dma source(%dma_start3A_125 : memref<128x64xf32, #tpu.memory_space<vmem>>) target(%dma_start3A_121 : memref<128x64xf32, #tpu.memory_space<hbm>>) target_semaphore(%run_scoped3A_112 : memref<!tpu.dma_semaphore, #tpu.memory_space<semaphore_mem>>)
      %dma_wait3A = arith.constant 0 : i32
      %dma_wait3A_126 = arith.constant 0 : i32
      %dma_wait3A_127 = tpu.memref_slice %arg9[%run_scoped3A_71, %dma_wait3A, %dma_wait3A_126] : memref<2x128x64xf32, #tpu.memory_space<vmem>> -> memref<1x128x64xf32, #tpu.memory_space<vmem>>
      %dma_wait3A_128 = tpu.memref_squeeze %dma_wait3A_127 : memref<1x128x64xf32, #tpu.memory_space<vmem>> -> memref<128x64xf32, #tpu.memory_space<vmem>>
      %dma_wait3A_129 = arith.constant 0 : i32
      %dma_wait3A_130 = tpu.memref_slice %arg6[%arg0, %add3A_70, %dma_wait3A_129] : memref<2x10240x64xf32, #tpu.memory_space<hbm>> -> memref<1x128x64xf32, #tpu.memory_space<hbm>>
      %dma_wait3A_131 = tpu.memref_squeeze %dma_wait3A_130 : memref<1x128x64xf32, #tpu.memory_space<hbm>> -> memref<128x64xf32, #tpu.memory_space<hbm>>
      %dma_wait3A_132 = arith.constant 0 : i32
      %dma_wait3A_133 = tpu.memref_slice %arg6[%arg0, %add3A_70, %dma_wait3A_132] : memref<2x10240x64xf32, #tpu.memory_space<hbm>> -> memref<1x128x64xf32, #tpu.memory_space<hbm>>
      %dma_wait3A_134 = tpu.memref_squeeze %dma_wait3A_133 : memref<1x128x64xf32, #tpu.memory_space<hbm>> -> memref<128x64xf32, #tpu.memory_space<hbm>>
      %dma_wait3A_135 = arith.constant 0 : i32
      %dma_wait3A_136 = arith.constant 0 : i32
      %dma_wait3A_137 = tpu.memref_slice %arg9[%run_scoped3A_71, %dma_wait3A_135, %dma_wait3A_136] : memref<2x128x64xf32, #tpu.memory_space<vmem>> -> memref<1x128x64xf32, #tpu.memory_space<vmem>>
      %dma_wait3A_138 = tpu.memref_squeeze %dma_wait3A_137 : memref<1x128x64xf32, #tpu.memory_space<vmem>> -> memref<128x64xf32, #tpu.memory_space<vmem>>
      tpu.wait_dma2 semaphore(%run_scoped3A_112 : memref<!tpu.dma_semaphore, #tpu.memory_space<semaphore_mem>>) src(%dma_wait3A_138 : memref<128x64xf32, #tpu.memory_space<vmem>>) dst(%dma_wait3A_134 : memref<128x64xf32, #tpu.memory_space<hbm>>)
      tpu.yield
    }) : () -> ()
    %mul3A_72 = arith.constant 640 : i32
    %mul3A_73 = arith.muli %arg1, %mul3A_72 : i32
    %add3A_74 = arith.constant 128 : i32
    %add3A_75 = arith.addi %mul3A_73, %add3A_74 : i32
    %run_scoped3A_76 = arith.constant 0 : i32
    "tpu.region"() ({
      %run_scoped3A_112 = tpu.sem_alloc : memref<!tpu.dma_semaphore, #tpu.memory_space<semaphore_mem>>
      %dma_start3A = arith.constant 0 : i32
      %dma_start3A_113 = arith.constant 0 : i32
      %dma_start3A_114 = tpu.memref_slice %arg9[%run_scoped3A_76, %dma_start3A, %dma_start3A_113] : memref<2x128x64xf32, #tpu.memory_space<vmem>> -> memref<1x128x64xf32, #tpu.memory_space<vmem>>
      %dma_start3A_115 = tpu.memref_squeeze %dma_start3A_114 : memref<1x128x64xf32, #tpu.memory_space<vmem>> -> memref<128x64xf32, #tpu.memory_space<vmem>>
      %dma_start3A_116 = arith.constant 0 : i32
      %dma_start3A_117 = tpu.memref_slice %arg10[%add3A_75, %dma_start3A_116] : memref<10240x64xf32, #tpu.memory_space<vmem_shared>> -> memref<128x64xf32, #tpu.memory_space<vmem_shared>>
      %dma_start3A_118 = arith.constant 0 : i32
      %dma_start3A_119 = arith.constant 0 : i32
      %dma_start3A_120 = tpu.memref_slice %arg9[%run_scoped3A_76, %dma_start3A_118, %dma_start3A_119] : memref<2x128x64xf32, #tpu.memory_space<vmem>> -> memref<1x128x64xf32, #tpu.memory_space<vmem>>
      %dma_start3A_121 = tpu.memref_squeeze %dma_start3A_120 : memref<1x128x64xf32, #tpu.memory_space<vmem>> -> memref<128x64xf32, #tpu.memory_space<vmem>>
      %dma_start3A_122 = arith.constant 0 : i32
      %dma_start3A_123 = tpu.memref_slice %arg10[%add3A_75, %dma_start3A_122] : memref<10240x64xf32, #tpu.memory_space<vmem_shared>> -> memref<128x64xf32, #tpu.memory_space<vmem_shared>>
      tpu.enqueue_dma source(%dma_start3A_123 : memref<128x64xf32, #tpu.memory_space<vmem_shared>>) target(%dma_start3A_121 : memref<128x64xf32, #tpu.memory_space<vmem>>) target_semaphore(%run_scoped3A_112 : memref<!tpu.dma_semaphore, #tpu.memory_space<semaphore_mem>>)
      %dma_wait3A = arith.constant 0 : i32
      %dma_wait3A_124 = arith.constant 0 : i32
      %dma_wait3A_125 = tpu.memref_slice %arg9[%run_scoped3A_76, %dma_wait3A, %dma_wait3A_124] : memref<2x128x64xf32, #tpu.memory_space<vmem>> -> memref<1x128x64xf32, #tpu.memory_space<vmem>>
      %dma_wait3A_126 = tpu.memref_squeeze %dma_wait3A_125 : memref<1x128x64xf32, #tpu.memory_space<vmem>> -> memref<128x64xf32, #tpu.memory_space<vmem>>
      %dma_wait3A_127 = arith.constant 0 : i32
      %dma_wait3A_128 = tpu.memref_slice %arg10[%add3A_75, %dma_wait3A_127] : memref<10240x64xf32, #tpu.memory_space<vmem_shared>> -> memref<128x64xf32, #tpu.memory_space<vmem_shared>>
      %dma_wait3A_129 = arith.constant 0 : i32
      %dma_wait3A_130 = arith.constant 0 : i32
      %dma_wait3A_131 = tpu.memref_slice %arg9[%run_scoped3A_76, %dma_wait3A_129, %dma_wait3A_130] : memref<2x128x64xf32, #tpu.memory_space<vmem>> -> memref<1x128x64xf32, #tpu.memory_space<vmem>>
      %dma_wait3A_132 = tpu.memref_squeeze %dma_wait3A_131 : memref<1x128x64xf32, #tpu.memory_space<vmem>> -> memref<128x64xf32, #tpu.memory_space<vmem>>
      %dma_wait3A_133 = arith.constant 0 : i32
      %dma_wait3A_134 = tpu.memref_slice %arg10[%add3A_75, %dma_wait3A_133] : memref<10240x64xf32, #tpu.memory_space<vmem_shared>> -> memref<128x64xf32, #tpu.memory_space<vmem_shared>>
      tpu.wait_dma2 semaphore(%run_scoped3A_112 : memref<!tpu.dma_semaphore, #tpu.memory_space<semaphore_mem>>) src(%dma_wait3A_134 : memref<128x64xf32, #tpu.memory_space<vmem_shared>>) dst(%dma_wait3A_132 : memref<128x64xf32, #tpu.memory_space<vmem>>)
      tpu.yield
    }) : () -> ()
    %mul3A_77 = arith.constant 640 : i32
    %mul3A_78 = arith.muli %arg1, %mul3A_77 : i32
    %add3A_79 = arith.constant 128 : i32
    %add3A_80 = arith.addi %mul3A_78, %add3A_79 : i32
    %run_scoped3A_81 = arith.constant 0 : i32
    "tpu.region"() ({
      %run_scoped3A_112 = tpu.sem_alloc : memref<!tpu.dma_semaphore, #tpu.memory_space<semaphore_mem>>
      %dma_start3A = arith.constant 0 : i32
      %dma_start3A_113 = arith.constant 0 : i32
      %dma_start3A_114 = tpu.memref_slice %arg9[%run_scoped3A_81, %dma_start3A, %dma_start3A_113] : memref<2x128x64xf32, #tpu.memory_space<vmem>> -> memref<1x128x64xf32, #tpu.memory_space<vmem>>
      %dma_start3A_115 = tpu.memref_squeeze %dma_start3A_114 : memref<1x128x64xf32, #tpu.memory_space<vmem>> -> memref<128x64xf32, #tpu.memory_space<vmem>>
      %dma_start3A_116 = arith.constant 0 : i32
      %dma_start3A_117 = tpu.memref_slice %arg6[%arg0, %add3A_80, %dma_start3A_116] : memref<2x10240x64xf32, #tpu.memory_space<hbm>> -> memref<1x128x64xf32, #tpu.memory_space<hbm>>
      %dma_start3A_118 = tpu.memref_squeeze %dma_start3A_117 : memref<1x128x64xf32, #tpu.memory_space<hbm>> -> memref<128x64xf32, #tpu.memory_space<hbm>>
      %dma_start3A_119 = arith.constant 0 : i32
      %dma_start3A_120 = tpu.memref_slice %arg6[%arg0, %add3A_80, %dma_start3A_119] : memref<2x10240x64xf32, #tpu.memory_space<hbm>> -> memref<1x128x64xf32, #tpu.memory_space<hbm>>
      %dma_start3A_121 = tpu.memref_squeeze %dma_start3A_120 : memref<1x128x64xf32, #tpu.memory_space<hbm>> -> memref<128x64xf32, #tpu.memory_space<hbm>>
      %dma_start3A_122 = arith.constant 0 : i32
      %dma_start3A_123 = arith.constant 0 : i32
      %dma_start3A_124 = tpu.memref_slice %arg9[%run_scoped3A_81, %dma_start3A_122, %dma_start3A_123] : memref<2x128x64xf32, #tpu.memory_space<vmem>> -> memref<1x128x64xf32, #tpu.memory_space<vmem>>
      %dma_start3A_125 = tpu.memref_squeeze %dma_start3A_124 : memref<1x128x64xf32, #tpu.memory_space<vmem>> -> memref<128x64xf32, #tpu.memory_space<vmem>>
      tpu.enqueue_dma source(%dma_start3A_125 : memref<128x64xf32, #tpu.memory_space<vmem>>) target(%dma_start3A_121 : memref<128x64xf32, #tpu.memory_space<hbm>>) target_semaphore(%run_scoped3A_112 : memref<!tpu.dma_semaphore, #tpu.memory_space<semaphore_mem>>)
      %dma_wait3A = arith.constant 0 : i32
      %dma_wait3A_126 = arith.constant 0 : i32
      %dma_wait3A_127 = tpu.memref_slice %arg9[%run_scoped3A_81, %dma_wait3A, %dma_wait3A_126] : memref<2x128x64xf32, #tpu.memory_space<vmem>> -> memref<1x128x64xf32, #tpu.memory_space<vmem>>
      %dma_wait3A_128 = tpu.memref_squeeze %dma_wait3A_127 : memref<1x128x64xf32, #tpu.memory_space<vmem>> -> memref<128x64xf32, #tpu.memory_space<vmem>>
      %dma_wait3A_129 = arith.constant 0 : i32
      %dma_wait3A_130 = tpu.memref_slice %arg6[%arg0, %add3A_80, %dma_wait3A_129] : memref<2x10240x64xf32, #tpu.memory_space<hbm>> -> memref<1x128x64xf32, #tpu.memory_space<hbm>>
      %dma_wait3A_131 = tpu.memref_squeeze %dma_wait3A_130 : memref<1x128x64xf32, #tpu.memory_space<hbm>> -> memref<128x64xf32, #tpu.memory_space<hbm>>
      %dma_wait3A_132 = arith.constant 0 : i32
      %dma_wait3A_133 = tpu.memref_slice %arg6[%arg0, %add3A_80, %dma_wait3A_132] : memref<2x10240x64xf32, #tpu.memory_space<hbm>> -> memref<1x128x64xf32, #tpu.memory_space<hbm>>
      %dma_wait3A_134 = tpu.memref_squeeze %dma_wait3A_133 : memref<1x128x64xf32, #tpu.memory_space<hbm>> -> memref<128x64xf32, #tpu.memory_space<hbm>>
      %dma_wait3A_135 = arith.constant 0 : i32
      %dma_wait3A_136 = arith.constant 0 : i32
      %dma_wait3A_137 = tpu.memref_slice %arg9[%run_scoped3A_81, %dma_wait3A_135, %dma_wait3A_136] : memref<2x128x64xf32, #tpu.memory_space<vmem>> -> memref<1x128x64xf32, #tpu.memory_space<vmem>>
      %dma_wait3A_138 = tpu.memref_squeeze %dma_wait3A_137 : memref<1x128x64xf32, #tpu.memory_space<vmem>> -> memref<128x64xf32, #tpu.memory_space<vmem>>
      tpu.wait_dma2 semaphore(%run_scoped3A_112 : memref<!tpu.dma_semaphore, #tpu.memory_space<semaphore_mem>>) src(%dma_wait3A_138 : memref<128x64xf32, #tpu.memory_space<vmem>>) dst(%dma_wait3A_134 : memref<128x64xf32, #tpu.memory_space<hbm>>)
      tpu.yield
    }) : () -> ()
    %mul3A_82 = arith.constant 640 : i32
    %mul3A_83 = arith.muli %arg1, %mul3A_82 : i32
    %add3A_84 = arith.constant 256 : i32
    %add3A_85 = arith.addi %mul3A_83, %add3A_84 : i32
    %run_scoped3A_86 = arith.constant 0 : i32
    "tpu.region"() ({
      %run_scoped3A_112 = tpu.sem_alloc : memref<!tpu.dma_semaphore, #tpu.memory_space<semaphore_mem>>
      %dma_start3A = arith.constant 0 : i32
      %dma_start3A_113 = arith.constant 0 : i32
      %dma_start3A_114 = tpu.memref_slice %arg9[%run_scoped3A_86, %dma_start3A, %dma_start3A_113] : memref<2x128x64xf32, #tpu.memory_space<vmem>> -> memref<1x128x64xf32, #tpu.memory_space<vmem>>
      %dma_start3A_115 = tpu.memref_squeeze %dma_start3A_114 : memref<1x128x64xf32, #tpu.memory_space<vmem>> -> memref<128x64xf32, #tpu.memory_space<vmem>>
      %dma_start3A_116 = arith.constant 0 : i32
      %dma_start3A_117 = tpu.memref_slice %arg10[%add3A_85, %dma_start3A_116] : memref<10240x64xf32, #tpu.memory_space<vmem_shared>> -> memref<128x64xf32, #tpu.memory_space<vmem_shared>>
      %dma_start3A_118 = arith.constant 0 : i32
      %dma_start3A_119 = arith.constant 0 : i32
      %dma_start3A_120 = tpu.memref_slice %arg9[%run_scoped3A_86, %dma_start3A_118, %dma_start3A_119] : memref<2x128x64xf32, #tpu.memory_space<vmem>> -> memref<1x128x64xf32, #tpu.memory_space<vmem>>
      %dma_start3A_121 = tpu.memref_squeeze %dma_start3A_120 : memref<1x128x64xf32, #tpu.memory_space<vmem>> -> memref<128x64xf32, #tpu.memory_space<vmem>>
      %dma_start3A_122 = arith.constant 0 : i32
      %dma_start3A_123 = tpu.memref_slice %arg10[%add3A_85, %dma_start3A_122] : memref<10240x64xf32, #tpu.memory_space<vmem_shared>> -> memref<128x64xf32, #tpu.memory_space<vmem_shared>>
      tpu.enqueue_dma source(%dma_start3A_123 : memref<128x64xf32, #tpu.memory_space<vmem_shared>>) target(%dma_start3A_121 : memref<128x64xf32, #tpu.memory_space<vmem>>) target_semaphore(%run_scoped3A_112 : memref<!tpu.dma_semaphore, #tpu.memory_space<semaphore_mem>>)
      %dma_wait3A = arith.constant 0 : i32
      %dma_wait3A_124 = arith.constant 0 : i32
      %dma_wait3A_125 = tpu.memref_slice %arg9[%run_scoped3A_86, %dma_wait3A, %dma_wait3A_124] : memref<2x128x64xf32, #tpu.memory_space<vmem>> -> memref<1x128x64xf32, #tpu.memory_space<vmem>>
      %dma_wait3A_126 = tpu.memref_squeeze %dma_wait3A_125 : memref<1x128x64xf32, #tpu.memory_space<vmem>> -> memref<128x64xf32, #tpu.memory_space<vmem>>
      %dma_wait3A_127 = arith.constant 0 : i32
      %dma_wait3A_128 = tpu.memref_slice %arg10[%add3A_85, %dma_wait3A_127] : memref<10240x64xf32, #tpu.memory_space<vmem_shared>> -> memref<128x64xf32, #tpu.memory_space<vmem_shared>>
      %dma_wait3A_129 = arith.constant 0 : i32
      %dma_wait3A_130 = arith.constant 0 : i32
      %dma_wait3A_131 = tpu.memref_slice %arg9[%run_scoped3A_86, %dma_wait3A_129, %dma_wait3A_130] : memref<2x128x64xf32, #tpu.memory_space<vmem>> -> memref<1x128x64xf32, #tpu.memory_space<vmem>>
      %dma_wait3A_132 = tpu.memref_squeeze %dma_wait3A_131 : memref<1x128x64xf32, #tpu.memory_space<vmem>> -> memref<128x64xf32, #tpu.memory_space<vmem>>
      %dma_wait3A_133 = arith.constant 0 : i32
      %dma_wait3A_134 = tpu.memref_slice %arg10[%add3A_85, %dma_wait3A_133] : memref<10240x64xf32, #tpu.memory_space<vmem_shared>> -> memref<128x64xf32, #tpu.memory_space<vmem_shared>>
      tpu.wait_dma2 semaphore(%run_scoped3A_112 : memref<!tpu.dma_semaphore, #tpu.memory_space<semaphore_mem>>) src(%dma_wait3A_134 : memref<128x64xf32, #tpu.memory_space<vmem_shared>>) dst(%dma_wait3A_132 : memref<128x64xf32, #tpu.memory_space<vmem>>)
      tpu.yield
    }) : () -> ()
    %mul3A_87 = arith.constant 640 : i32
    %mul3A_88 = arith.muli %arg1, %mul3A_87 : i32
    %add3A_89 = arith.constant 256 : i32
    %add3A_90 = arith.addi %mul3A_88, %add3A_89 : i32
    %run_scoped3A_91 = arith.constant 0 : i32
    "tpu.region"() ({
      %run_scoped3A_112 = tpu.sem_alloc : memref<!tpu.dma_semaphore, #tpu.memory_space<semaphore_mem>>
      %dma_start3A = arith.constant 0 : i32
      %dma_start3A_113 = arith.constant 0 : i32
      %dma_start3A_114 = tpu.memref_slice %arg9[%run_scoped3A_91, %dma_start3A, %dma_start3A_113] : memref<2x128x64xf32, #tpu.memory_space<vmem>> -> memref<1x128x64xf32, #tpu.memory_space<vmem>>
      %dma_start3A_115 = tpu.memref_squeeze %dma_start3A_114 : memref<1x128x64xf32, #tpu.memory_space<vmem>> -> memref<128x64xf32, #tpu.memory_space<vmem>>
      %dma_start3A_116 = arith.constant 0 : i32
      %dma_start3A_117 = tpu.memref_slice %arg6[%arg0, %add3A_90, %dma_start3A_116] : memref<2x10240x64xf32, #tpu.memory_space<hbm>> -> memref<1x128x64xf32, #tpu.memory_space<hbm>>
      %dma_start3A_118 = tpu.memref_squeeze %dma_start3A_117 : memref<1x128x64xf32, #tpu.memory_space<hbm>> -> memref<128x64xf32, #tpu.memory_space<hbm>>
      %dma_start3A_119 = arith.constant 0 : i32
      %dma_start3A_120 = tpu.memref_slice %arg6[%arg0, %add3A_90, %dma_start3A_119] : memref<2x10240x64xf32, #tpu.memory_space<hbm>> -> memref<1x128x64xf32, #tpu.memory_space<hbm>>
      %dma_start3A_121 = tpu.memref_squeeze %dma_start3A_120 : memref<1x128x64xf32, #tpu.memory_space<hbm>> -> memref<128x64xf32, #tpu.memory_space<hbm>>
      %dma_start3A_122 = arith.constant 0 : i32
      %dma_start3A_123 = arith.constant 0 : i32
      %dma_start3A_124 = tpu.memref_slice %arg9[%run_scoped3A_91, %dma_start3A_122, %dma_start3A_123] : memref<2x128x64xf32, #tpu.memory_space<vmem>> -> memref<1x128x64xf32, #tpu.memory_space<vmem>>
      %dma_start3A_125 = tpu.memref_squeeze %dma_start3A_124 : memref<1x128x64xf32, #tpu.memory_space<vmem>> -> memref<128x64xf32, #tpu.memory_space<vmem>>
      tpu.enqueue_dma source(%dma_start3A_125 : memref<128x64xf32, #tpu.memory_space<vmem>>) target(%dma_start3A_121 : memref<128x64xf32, #tpu.memory_space<hbm>>) target_semaphore(%run_scoped3A_112 : memref<!tpu.dma_semaphore, #tpu.memory_space<semaphore_mem>>)
      %dma_wait3A = arith.constant 0 : i32
      %dma_wait3A_126 = arith.constant 0 : i32
      %dma_wait3A_127 = tpu.memref_slice %arg9[%run_scoped3A_91, %dma_wait3A, %dma_wait3A_126] : memref<2x128x64xf32, #tpu.memory_space<vmem>> -> memref<1x128x64xf32, #tpu.memory_space<vmem>>
      %dma_wait3A_128 = tpu.memref_squeeze %dma_wait3A_127 : memref<1x128x64xf32, #tpu.memory_space<vmem>> -> memref<128x64xf32, #tpu.memory_space<vmem>>
      %dma_wait3A_129 = arith.constant 0 : i32
      %dma_wait3A_130 = tpu.memref_slice %arg6[%arg0, %add3A_90, %dma_wait3A_129] : memref<2x10240x64xf32, #tpu.memory_space<hbm>> -> memref<1x128x64xf32, #tpu.memory_space<hbm>>
      %dma_wait3A_131 = tpu.memref_squeeze %dma_wait3A_130 : memref<1x128x64xf32, #tpu.memory_space<hbm>> -> memref<128x64xf32, #tpu.memory_space<hbm>>
      %dma_wait3A_132 = arith.constant 0 : i32
      %dma_wait3A_133 = tpu.memref_slice %arg6[%arg0, %add3A_90, %dma_wait3A_132] : memref<2x10240x64xf32, #tpu.memory_space<hbm>> -> memref<1x128x64xf32, #tpu.memory_space<hbm>>
      %dma_wait3A_134 = tpu.memref_squeeze %dma_wait3A_133 : memref<1x128x64xf32, #tpu.memory_space<hbm>> -> memref<128x64xf32, #tpu.memory_space<hbm>>
      %dma_wait3A_135 = arith.constant 0 : i32
      %dma_wait3A_136 = arith.constant 0 : i32
      %dma_wait3A_137 = tpu.memref_slice %arg9[%run_scoped3A_91, %dma_wait3A_135, %dma_wait3A_136] : memref<2x128x64xf32, #tpu.memory_space<vmem>> -> memref<1x128x64xf32, #tpu.memory_space<vmem>>
      %dma_wait3A_138 = tpu.memref_squeeze %dma_wait3A_137 : memref<1x128x64xf32, #tpu.memory_space<vmem>> -> memref<128x64xf32, #tpu.memory_space<vmem>>
      tpu.wait_dma2 semaphore(%run_scoped3A_112 : memref<!tpu.dma_semaphore, #tpu.memory_space<semaphore_mem>>) src(%dma_wait3A_138 : memref<128x64xf32, #tpu.memory_space<vmem>>) dst(%dma_wait3A_134 : memref<128x64xf32, #tpu.memory_space<hbm>>)
      tpu.yield
    }) : () -> ()
    %mul3A_92 = arith.constant 640 : i32
    %mul3A_93 = arith.muli %arg1, %mul3A_92 : i32
    %add3A_94 = arith.constant 384 : i32
    %add3A_95 = arith.addi %mul3A_93, %add3A_94 : i32
    %run_scoped3A_96 = arith.constant 0 : i32
    "tpu.region"() ({
      %run_scoped3A_112 = tpu.sem_alloc : memref<!tpu.dma_semaphore, #tpu.memory_space<semaphore_mem>>
      %dma_start3A = arith.constant 0 : i32
      %dma_start3A_113 = arith.constant 0 : i32
      %dma_start3A_114 = tpu.memref_slice %arg9[%run_scoped3A_96, %dma_start3A, %dma_start3A_113] : memref<2x128x64xf32, #tpu.memory_space<vmem>> -> memref<1x128x64xf32, #tpu.memory_space<vmem>>
      %dma_start3A_115 = tpu.memref_squeeze %dma_start3A_114 : memref<1x128x64xf32, #tpu.memory_space<vmem>> -> memref<128x64xf32, #tpu.memory_space<vmem>>
      %dma_start3A_116 = arith.constant 0 : i32
      %dma_start3A_117 = tpu.memref_slice %arg10[%add3A_95, %dma_start3A_116] : memref<10240x64xf32, #tpu.memory_space<vmem_shared>> -> memref<128x64xf32, #tpu.memory_space<vmem_shared>>
      %dma_start3A_118 = arith.constant 0 : i32
      %dma_start3A_119 = arith.constant 0 : i32
      %dma_start3A_120 = tpu.memref_slice %arg9[%run_scoped3A_96, %dma_start3A_118, %dma_start3A_119] : memref<2x128x64xf32, #tpu.memory_space<vmem>> -> memref<1x128x64xf32, #tpu.memory_space<vmem>>
      %dma_start3A_121 = tpu.memref_squeeze %dma_start3A_120 : memref<1x128x64xf32, #tpu.memory_space<vmem>> -> memref<128x64xf32, #tpu.memory_space<vmem>>
      %dma_start3A_122 = arith.constant 0 : i32
      %dma_start3A_123 = tpu.memref_slice %arg10[%add3A_95, %dma_start3A_122] : memref<10240x64xf32, #tpu.memory_space<vmem_shared>> -> memref<128x64xf32, #tpu.memory_space<vmem_shared>>
      tpu.enqueue_dma source(%dma_start3A_123 : memref<128x64xf32, #tpu.memory_space<vmem_shared>>) target(%dma_start3A_121 : memref<128x64xf32, #tpu.memory_space<vmem>>) target_semaphore(%run_scoped3A_112 : memref<!tpu.dma_semaphore, #tpu.memory_space<semaphore_mem>>)
      %dma_wait3A = arith.constant 0 : i32
      %dma_wait3A_124 = arith.constant 0 : i32
      %dma_wait3A_125 = tpu.memref_slice %arg9[%run_scoped3A_96, %dma_wait3A, %dma_wait3A_124] : memref<2x128x64xf32, #tpu.memory_space<vmem>> -> memref<1x128x64xf32, #tpu.memory_space<vmem>>
      %dma_wait3A_126 = tpu.memref_squeeze %dma_wait3A_125 : memref<1x128x64xf32, #tpu.memory_space<vmem>> -> memref<128x64xf32, #tpu.memory_space<vmem>>
      %dma_wait3A_127 = arith.constant 0 : i32
      %dma_wait3A_128 = tpu.memref_slice %arg10[%add3A_95, %dma_wait3A_127] : memref<10240x64xf32, #tpu.memory_space<vmem_shared>> -> memref<128x64xf32, #tpu.memory_space<vmem_shared>>
      %dma_wait3A_129 = arith.constant 0 : i32
      %dma_wait3A_130 = arith.constant 0 : i32
      %dma_wait3A_131 = tpu.memref_slice %arg9[%run_scoped3A_96, %dma_wait3A_129, %dma_wait3A_130] : memref<2x128x64xf32, #tpu.memory_space<vmem>> -> memref<1x128x64xf32, #tpu.memory_space<vmem>>
      %dma_wait3A_132 = tpu.memref_squeeze %dma_wait3A_131 : memref<1x128x64xf32, #tpu.memory_space<vmem>> -> memref<128x64xf32, #tpu.memory_space<vmem>>
      %dma_wait3A_133 = arith.constant 0 : i32
      %dma_wait3A_134 = tpu.memref_slice %arg10[%add3A_95, %dma_wait3A_133] : memref<10240x64xf32, #tpu.memory_space<vmem_shared>> -> memref<128x64xf32, #tpu.memory_space<vmem_shared>>
      tpu.wait_dma2 semaphore(%run_scoped3A_112 : memref<!tpu.dma_semaphore, #tpu.memory_space<semaphore_mem>>) src(%dma_wait3A_134 : memref<128x64xf32, #tpu.memory_space<vmem_shared>>) dst(%dma_wait3A_132 : memref<128x64xf32, #tpu.memory_space<vmem>>)
      tpu.yield
    }) : () -> ()
    %mul3A_97 = arith.constant 640 : i32
    %mul3A_98 = arith.muli %arg1, %mul3A_97 : i32
    %add3A_99 = arith.constant 384 : i32
    %add3A_100 = arith.addi %mul3A_98, %add3A_99 : i32
    %run_scoped3A_101 = arith.constant 0 : i32
    "tpu.region"() ({
      %run_scoped3A_112 = tpu.sem_alloc : memref<!tpu.dma_semaphore, #tpu.memory_space<semaphore_mem>>
      %dma_start3A = arith.constant 0 : i32
      %dma_start3A_113 = arith.constant 0 : i32
      %dma_start3A_114 = tpu.memref_slice %arg9[%run_scoped3A_101, %dma_start3A, %dma_start3A_113] : memref<2x128x64xf32, #tpu.memory_space<vmem>> -> memref<1x128x64xf32, #tpu.memory_space<vmem>>
      %dma_start3A_115 = tpu.memref_squeeze %dma_start3A_114 : memref<1x128x64xf32, #tpu.memory_space<vmem>> -> memref<128x64xf32, #tpu.memory_space<vmem>>
      %dma_start3A_116 = arith.constant 0 : i32
      %dma_start3A_117 = tpu.memref_slice %arg6[%arg0, %add3A_100, %dma_start3A_116] : memref<2x10240x64xf32, #tpu.memory_space<hbm>> -> memref<1x128x64xf32, #tpu.memory_space<hbm>>
      %dma_start3A_118 = tpu.memref_squeeze %dma_start3A_117 : memref<1x128x64xf32, #tpu.memory_space<hbm>> -> memref<128x64xf32, #tpu.memory_space<hbm>>
      %dma_start3A_119 = arith.constant 0 : i32
      %dma_start3A_120 = tpu.memref_slice %arg6[%arg0, %add3A_100, %dma_start3A_119] : memref<2x10240x64xf32, #tpu.memory_space<hbm>> -> memref<1x128x64xf32, #tpu.memory_space<hbm>>
      %dma_start3A_121 = tpu.memref_squeeze %dma_start3A_120 : memref<1x128x64xf32, #tpu.memory_space<hbm>> -> memref<128x64xf32, #tpu.memory_space<hbm>>
      %dma_start3A_122 = arith.constant 0 : i32
      %dma_start3A_123 = arith.constant 0 : i32
      %dma_start3A_124 = tpu.memref_slice %arg9[%run_scoped3A_101, %dma_start3A_122, %dma_start3A_123] : memref<2x128x64xf32, #tpu.memory_space<vmem>> -> memref<1x128x64xf32, #tpu.memory_space<vmem>>
      %dma_start3A_125 = tpu.memref_squeeze %dma_start3A_124 : memref<1x128x64xf32, #tpu.memory_space<vmem>> -> memref<128x64xf32, #tpu.memory_space<vmem>>
      tpu.enqueue_dma source(%dma_start3A_125 : memref<128x64xf32, #tpu.memory_space<vmem>>) target(%dma_start3A_121 : memref<128x64xf32, #tpu.memory_space<hbm>>) target_semaphore(%run_scoped3A_112 : memref<!tpu.dma_semaphore, #tpu.memory_space<semaphore_mem>>)
      %dma_wait3A = arith.constant 0 : i32
      %dma_wait3A_126 = arith.constant 0 : i32
      %dma_wait3A_127 = tpu.memref_slice %arg9[%run_scoped3A_101, %dma_wait3A, %dma_wait3A_126] : memref<2x128x64xf32, #tpu.memory_space<vmem>> -> memref<1x128x64xf32, #tpu.memory_space<vmem>>
      %dma_wait3A_128 = tpu.memref_squeeze %dma_wait3A_127 : memref<1x128x64xf32, #tpu.memory_space<vmem>> -> memref<128x64xf32, #tpu.memory_space<vmem>>
      %dma_wait3A_129 = arith.constant 0 : i32
      %dma_wait3A_130 = tpu.memref_slice %arg6[%arg0, %add3A_100, %dma_wait3A_129] : memref<2x10240x64xf32, #tpu.memory_space<hbm>> -> memref<1x128x64xf32, #tpu.memory_space<hbm>>
      %dma_wait3A_131 = tpu.memref_squeeze %dma_wait3A_130 : memref<1x128x64xf32, #tpu.memory_space<hbm>> -> memref<128x64xf32, #tpu.memory_space<hbm>>
      %dma_wait3A_132 = arith.constant 0 : i32
      %dma_wait3A_133 = tpu.memref_slice %arg6[%arg0, %add3A_100, %dma_wait3A_132] : memref<2x10240x64xf32, #tpu.memory_space<hbm>> -> memref<1x128x64xf32, #tpu.memory_space<hbm>>
      %dma_wait3A_134 = tpu.memref_squeeze %dma_wait3A_133 : memref<1x128x64xf32, #tpu.memory_space<hbm>> -> memref<128x64xf32, #tpu.memory_space<hbm>>
      %dma_wait3A_135 = arith.constant 0 : i32
      %dma_wait3A_136 = arith.constant 0 : i32
      %dma_wait3A_137 = tpu.memref_slice %arg9[%run_scoped3A_101, %dma_wait3A_135, %dma_wait3A_136] : memref<2x128x64xf32, #tpu.memory_space<vmem>> -> memref<1x128x64xf32, #tpu.memory_space<vmem>>
      %dma_wait3A_138 = tpu.memref_squeeze %dma_wait3A_137 : memref<1x128x64xf32, #tpu.memory_space<vmem>> -> memref<128x64xf32, #tpu.memory_space<vmem>>
      tpu.wait_dma2 semaphore(%run_scoped3A_112 : memref<!tpu.dma_semaphore, #tpu.memory_space<semaphore_mem>>) src(%dma_wait3A_138 : memref<128x64xf32, #tpu.memory_space<vmem>>) dst(%dma_wait3A_134 : memref<128x64xf32, #tpu.memory_space<hbm>>)
      tpu.yield
    }) : () -> ()
    %mul3A_102 = arith.constant 640 : i32
    %mul3A_103 = arith.muli %arg1, %mul3A_102 : i32
    %add3A_104 = arith.constant 512 : i32
    %add3A_105 = arith.addi %mul3A_103, %add3A_104 : i32
    %run_scoped3A_106 = arith.constant 0 : i32
    "tpu.region"() ({
      %run_scoped3A_112 = tpu.sem_alloc : memref<!tpu.dma_semaphore, #tpu.memory_space<semaphore_mem>>
      %dma_start3A = arith.constant 0 : i32
      %dma_start3A_113 = arith.constant 0 : i32
      %dma_start3A_114 = tpu.memref_slice %arg9[%run_scoped3A_106, %dma_start3A, %dma_start3A_113] : memref<2x128x64xf32, #tpu.memory_space<vmem>> -> memref<1x128x64xf32, #tpu.memory_space<vmem>>
      %dma_start3A_115 = tpu.memref_squeeze %dma_start3A_114 : memref<1x128x64xf32, #tpu.memory_space<vmem>> -> memref<128x64xf32, #tpu.memory_space<vmem>>
      %dma_start3A_116 = arith.constant 0 : i32
      %dma_start3A_117 = tpu.memref_slice %arg10[%add3A_105, %dma_start3A_116] : memref<10240x64xf32, #tpu.memory_space<vmem_shared>> -> memref<128x64xf32, #tpu.memory_space<vmem_shared>>
      %dma_start3A_118 = arith.constant 0 : i32
      %dma_start3A_119 = arith.constant 0 : i32
      %dma_start3A_120 = tpu.memref_slice %arg9[%run_scoped3A_106, %dma_start3A_118, %dma_start3A_119] : memref<2x128x64xf32, #tpu.memory_space<vmem>> -> memref<1x128x64xf32, #tpu.memory_space<vmem>>
      %dma_start3A_121 = tpu.memref_squeeze %dma_start3A_120 : memref<1x128x64xf32, #tpu.memory_space<vmem>> -> memref<128x64xf32, #tpu.memory_space<vmem>>
      %dma_start3A_122 = arith.constant 0 : i32
      %dma_start3A_123 = tpu.memref_slice %arg10[%add3A_105, %dma_start3A_122] : memref<10240x64xf32, #tpu.memory_space<vmem_shared>> -> memref<128x64xf32, #tpu.memory_space<vmem_shared>>
      tpu.enqueue_dma source(%dma_start3A_123 : memref<128x64xf32, #tpu.memory_space<vmem_shared>>) target(%dma_start3A_121 : memref<128x64xf32, #tpu.memory_space<vmem>>) target_semaphore(%run_scoped3A_112 : memref<!tpu.dma_semaphore, #tpu.memory_space<semaphore_mem>>)
      %dma_wait3A = arith.constant 0 : i32
      %dma_wait3A_124 = arith.constant 0 : i32
      %dma_wait3A_125 = tpu.memref_slice %arg9[%run_scoped3A_106, %dma_wait3A, %dma_wait3A_124] : memref<2x128x64xf32, #tpu.memory_space<vmem>> -> memref<1x128x64xf32, #tpu.memory_space<vmem>>
      %dma_wait3A_126 = tpu.memref_squeeze %dma_wait3A_125 : memref<1x128x64xf32, #tpu.memory_space<vmem>> -> memref<128x64xf32, #tpu.memory_space<vmem>>
      %dma_wait3A_127 = arith.constant 0 : i32
      %dma_wait3A_128 = tpu.memref_slice %arg10[%add3A_105, %dma_wait3A_127] : memref<10240x64xf32, #tpu.memory_space<vmem_shared>> -> memref<128x64xf32, #tpu.memory_space<vmem_shared>>
      %dma_wait3A_129 = arith.constant 0 : i32
      %dma_wait3A_130 = arith.constant 0 : i32
      %dma_wait3A_131 = tpu.memref_slice %arg9[%run_scoped3A_106, %dma_wait3A_129, %dma_wait3A_130] : memref<2x128x64xf32, #tpu.memory_space<vmem>> -> memref<1x128x64xf32, #tpu.memory_space<vmem>>
      %dma_wait3A_132 = tpu.memref_squeeze %dma_wait3A_131 : memref<1x128x64xf32, #tpu.memory_space<vmem>> -> memref<128x64xf32, #tpu.memory_space<vmem>>
      %dma_wait3A_133 = arith.constant 0 : i32
      %dma_wait3A_134 = tpu.memref_slice %arg10[%add3A_105, %dma_wait3A_133] : memref<10240x64xf32, #tpu.memory_space<vmem_shared>> -> memref<128x64xf32, #tpu.memory_space<vmem_shared>>
      tpu.wait_dma2 semaphore(%run_scoped3A_112 : memref<!tpu.dma_semaphore, #tpu.memory_space<semaphore_mem>>) src(%dma_wait3A_134 : memref<128x64xf32, #tpu.memory_space<vmem_shared>>) dst(%dma_wait3A_132 : memref<128x64xf32, #tpu.memory_space<vmem>>)
      tpu.yield
    }) : () -> ()
    %mul3A_107 = arith.constant 640 : i32
    %mul3A_108 = arith.muli %arg1, %mul3A_107 : i32
    %add3A_109 = arith.constant 512 : i32
    %add3A_110 = arith.addi %mul3A_108, %add3A_109 : i32
    %run_scoped3A_111 = arith.constant 0 : i32
    "tpu.region"() ({
      %run_scoped3A_112 = tpu.sem_alloc : memref<!tpu.dma_semaphore, #tpu.memory_space<semaphore_mem>>
      %dma_start3A = arith.constant 0 : i32
      %dma_start3A_113 = arith.constant 0 : i32
      %dma_start3A_114 = tpu.memref_slice %arg9[%run_scoped3A_111, %dma_start3A, %dma_start3A_113] : memref<2x128x64xf32, #tpu.memory_space<vmem>> -> memref<1x128x64xf32, #tpu.memory_space<vmem>>
      %dma_start3A_115 = tpu.memref_squeeze %dma_start3A_114 : memref<1x128x64xf32, #tpu.memory_space<vmem>> -> memref<128x64xf32, #tpu.memory_space<vmem>>
      %dma_start3A_116 = arith.constant 0 : i32
      %dma_start3A_117 = tpu.memref_slice %arg6[%arg0, %add3A_110, %dma_start3A_116] : memref<2x10240x64xf32, #tpu.memory_space<hbm>> -> memref<1x128x64xf32, #tpu.memory_space<hbm>>
      %dma_start3A_118 = tpu.memref_squeeze %dma_start3A_117 : memref<1x128x64xf32, #tpu.memory_space<hbm>> -> memref<128x64xf32, #tpu.memory_space<hbm>>
      %dma_start3A_119 = arith.constant 0 : i32
      %dma_start3A_120 = tpu.memref_slice %arg6[%arg0, %add3A_110, %dma_start3A_119] : memref<2x10240x64xf32, #tpu.memory_space<hbm>> -> memref<1x128x64xf32, #tpu.memory_space<hbm>>
      %dma_start3A_121 = tpu.memref_squeeze %dma_start3A_120 : memref<1x128x64xf32, #tpu.memory_space<hbm>> -> memref<128x64xf32, #tpu.memory_space<hbm>>
      %dma_start3A_122 = arith.constant 0 : i32
      %dma_start3A_123 = arith.constant 0 : i32
      %dma_start3A_124 = tpu.memref_slice %arg9[%run_scoped3A_111, %dma_start3A_122, %dma_start3A_123] : memref<2x128x64xf32, #tpu.memory_space<vmem>> -> memref<1x128x64xf32, #tpu.memory_space<vmem>>
      %dma_start3A_125 = tpu.memref_squeeze %dma_start3A_124 : memref<1x128x64xf32, #tpu.memory_space<vmem>> -> memref<128x64xf32, #tpu.memory_space<vmem>>
      tpu.enqueue_dma source(%dma_start3A_125 : memref<128x64xf32, #tpu.memory_space<vmem>>) target(%dma_start3A_121 : memref<128x64xf32, #tpu.memory_space<hbm>>) target_semaphore(%run_scoped3A_112 : memref<!tpu.dma_semaphore, #tpu.memory_space<semaphore_mem>>)
      %dma_wait3A = arith.constant 0 : i32
      %dma_wait3A_126 = arith.constant 0 : i32
      %dma_wait3A_127 = tpu.memref_slice %arg9[%run_scoped3A_111, %dma_wait3A, %dma_wait3A_126] : memref<2x128x64xf32, #tpu.memory_space<vmem>> -> memref<1x128x64xf32, #tpu.memory_space<vmem>>
      %dma_wait3A_128 = tpu.memref_squeeze %dma_wait3A_127 : memref<1x128x64xf32, #tpu.memory_space<vmem>> -> memref<128x64xf32, #tpu.memory_space<vmem>>
      %dma_wait3A_129 = arith.constant 0 : i32
      %dma_wait3A_130 = tpu.memref_slice %arg6[%arg0, %add3A_110, %dma_wait3A_129] : memref<2x10240x64xf32, #tpu.memory_space<hbm>> -> memref<1x128x64xf32, #tpu.memory_space<hbm>>
      %dma_wait3A_131 = tpu.memref_squeeze %dma_wait3A_130 : memref<1x128x64xf32, #tpu.memory_space<hbm>> -> memref<128x64xf32, #tpu.memory_space<hbm>>
      %dma_wait3A_132 = arith.constant 0 : i32
      %dma_wait3A_133 = tpu.memref_slice %arg6[%arg0, %add3A_110, %dma_wait3A_132] : memref<2x10240x64xf32, #tpu.memory_space<hbm>> -> memref<1x128x64xf32, #tpu.memory_space<hbm>>
      %dma_wait3A_134 = tpu.memref_squeeze %dma_wait3A_133 : memref<1x128x64xf32, #tpu.memory_space<hbm>> -> memref<128x64xf32, #tpu.memory_space<hbm>>
      %dma_wait3A_135 = arith.constant 0 : i32
      %dma_wait3A_136 = arith.constant 0 : i32
      %dma_wait3A_137 = tpu.memref_slice %arg9[%run_scoped3A_111, %dma_wait3A_135, %dma_wait3A_136] : memref<2x128x64xf32, #tpu.memory_space<vmem>> -> memref<1x128x64xf32, #tpu.memory_space<vmem>>
      %dma_wait3A_138 = tpu.memref_squeeze %dma_wait3A_137 : memref<1x128x64xf32, #tpu.memory_space<vmem>> -> memref<128x64xf32, #tpu.memory_space<vmem>>
      tpu.wait_dma2 semaphore(%run_scoped3A_112 : memref<!tpu.dma_semaphore, #tpu.memory_space<semaphore_mem>>) src(%dma_wait3A_138 : memref<128x64xf32, #tpu.memory_space<vmem>>) dst(%dma_wait3A_134 : memref<128x64xf32, #tpu.memory_space<hbm>>)
      tpu.yield
    }) : () -> ()
    return
  }
}

module attributes {stable_mosaic.version = 14 : i64} {
  func.func @_mm1_body(%arg0: memref<10000x128xf32, #tpu.memory_space<vmem>>, %arg1: memref<128x64xf32, #tpu.memory_space<vmem>>, %arg2: memref<10000x1xf32, #tpu.memory_space<vmem>>, %arg3: memref<10000x1xf32, #tpu.memory_space<vmem>>, %arg4: memref<10000x64xf32, #tpu.memory_space<vmem>>, %arg5: memref<10000x1xf32, #tpu.memory_space<vmem>>) attributes {dimension_semantics = [], scalar_prefetch = 0 : i64, scratch_operands = 0 : i64, tpu.core_type = #tpu.core_type<tc>} {
    %get3A = arith.constant 0 : index
    %get3A_0 = arith.constant 0 : index
    %get3A_1 = vector.load %arg2[%get3A, %get3A_0] : memref<10000x1xf32, #tpu.memory_space<vmem>>, vector<10000x1xf32>
    %get3A_2 = arith.constant 0 : index
    %get3A_3 = arith.constant 0 : index
    %get3A_4 = vector.load %arg3[%get3A_2, %get3A_3] : memref<10000x1xf32, #tpu.memory_space<vmem>>, vector<10000x1xf32>
    %add3A = arith.addf %get3A_1, %get3A_4 : vector<10000x1xf32>
    %add3A_5 = arith.constant 1.000000e+00 : f32
    %add3A_6 = vector.broadcast %add3A_5 : f32 to vector<10000x1xf32>
    %add3A_7 = arith.addf %add3A, %add3A_6 : vector<10000x1xf32>
    %rsqrt3A = math.rsqrt %add3A_7 : vector<10000x1xf32>
    %get3A_8 = arith.constant 0 : index
    %get3A_9 = arith.constant 0 : index
    %get3A_10 = vector.load %arg0[%get3A_8, %get3A_9] : memref<10000x128xf32, #tpu.memory_space<vmem>>, vector<10000x128xf32>
    %get3A_11 = arith.constant 0 : index
    %get3A_12 = arith.constant 0 : index
    %get3A_13 = vector.load %arg1[%get3A_11, %get3A_12] : memref<128x64xf32, #tpu.memory_space<vmem>>, vector<128x64xf32>
    %dot_general3A = arith.constant dense<0.000000e+00> : vector<10000x64xf32>
    %dot_general3A_14 = tpu.matmul %get3A_10, %get3A_13, %dot_general3A {dimension_numbers = #tpu.dot_dimension_numbers<[1], [0], [0], [1], [0, 0, 1, 1], [], []>, transpose_lhs_hint = false} : vector<10000x128xf32>, vector<128x64xf32>, vector<10000x64xf32> -> vector<10000x64xf32>
    %mul3A = vector.broadcast %rsqrt3A : vector<10000x1xf32> to vector<10000x64xf32>
    %mul3A_15 = arith.mulf %dot_general3A_14, %mul3A : vector<10000x64xf32>
    %swap3A = arith.constant 0 : index
    %swap3A_16 = arith.constant 0 : index
    %swap3A_17 = vector.load %arg4[%swap3A, %swap3A_16] : memref<10000x64xf32, #tpu.memory_space<vmem>>, vector<10000x64xf32>
    tpu.vector_store %arg4[%swap3A, %swap3A_16], %mul3A_15 {strides = array<i32>} : memref<10000x64xf32, #tpu.memory_space<vmem>>, vector<10000x64xf32>,
    %swap3A_18 = arith.constant 0 : index
    %swap3A_19 = arith.constant 0 : index
    %swap3A_20 = vector.load %arg5[%swap3A_18, %swap3A_19] : memref<10000x1xf32, #tpu.memory_space<vmem>>, vector<10000x1xf32>
    tpu.vector_store %arg5[%swap3A_18, %swap3A_19], %rsqrt3A {strides = array<i32>} : memref<10000x1xf32, #tpu.memory_space<vmem>>, vector<10000x1xf32>,
    return
  }
}

module attributes {stable_mosaic.version = 14 : i64} {
  func.func @_mm2_body(%arg0: memref<10000x64xf32, #tpu.memory_space<vmem>>, %arg1: memref<10000x64xf32, #tpu.memory_space<vmem>>, %arg2: memref<10000x64xf32, #tpu.memory_space<vmem>>, %arg3: memref<10000x1xf32, #tpu.memory_space<vmem>>, %arg4: memref<1x64xf32, #tpu.memory_space<vmem>>, %arg5: memref<1x1xf32, #tpu.memory_space<vmem>>, %arg6: memref<64x32xf32, #tpu.memory_space<vmem>>, %arg7: memref<10000x32xf32, #tpu.memory_space<vmem>>) attributes {dimension_semantics = [], scalar_prefetch = 0 : i64, scratch_operands = 0 : i64, tpu.core_type = #tpu.core_type<tc>} {
    %get3A = arith.constant 0 : index
    %get3A_0 = arith.constant 0 : index
    %get3A_1 = vector.load %arg3[%get3A, %get3A_0] : memref<10000x1xf32, #tpu.memory_space<vmem>>, vector<10000x1xf32>
    %get3A_2 = arith.constant 0 : index
    %get3A_3 = arith.constant 0 : index
    %get3A_4 = vector.load %arg0[%get3A_2, %get3A_3] : memref<10000x64xf32, #tpu.memory_space<vmem>>, vector<10000x64xf32>
    %get3A_5 = arith.constant 0 : index
    %get3A_6 = arith.constant 0 : index
    %get3A_7 = vector.load %arg1[%get3A_5, %get3A_6] : memref<10000x64xf32, #tpu.memory_space<vmem>>, vector<10000x64xf32>
    %add3A = arith.addf %get3A_4, %get3A_7 : vector<10000x64xf32>
    %get3A_8 = arith.constant 0 : index
    %get3A_9 = arith.constant 0 : index
    %get3A_10 = vector.load %arg2[%get3A_8, %get3A_9] : memref<10000x64xf32, #tpu.memory_space<vmem>>, vector<10000x64xf32>
    %add3A_11 = arith.addf %add3A, %get3A_10 : vector<10000x64xf32>
    %mul3A = vector.broadcast %get3A_1 : vector<10000x1xf32> to vector<10000x64xf32>
    %mul3A_12 = arith.mulf %mul3A, %add3A_11 : vector<10000x64xf32>
    %get3A_13 = arith.constant 0 : index
    %get3A_14 = arith.constant 0 : index
    %get3A_15 = vector.load %arg4[%get3A_13, %get3A_14] : memref<1x64xf32, #tpu.memory_space<vmem>>, vector<1x64xf32>
    %add3A_16 = vector.broadcast %get3A_15 : vector<1x64xf32> to vector<10000x64xf32>
    %add3A_17 = arith.addf %mul3A_12, %add3A_16 : vector<10000x64xf32>
    %ge3A = arith.constant 0.000000e+00 : f32
    %ge3A_18 = vector.broadcast %ge3A : f32 to vector<10000x64xf32>
    %ge3A_19 = arith.cmpf oge, %add3A_17, %ge3A_18 : vector<10000x64xf32>
    %get3A_20 = arith.constant 0 : index
    %get3A_21 = arith.constant 0 : index
    %get3A_22 = vector.load %arg5[%get3A_20, %get3A_21] : memref<1x1xf32, #tpu.memory_space<vmem>>, vector<1x1xf32>
    %get3A_23 = vector.extract %get3A_22[0, 0] : f32 from vector<1x1xf32>
    %mul3A_24 = vector.broadcast %get3A_23 : f32 to vector<10000x64xf32>
    %mul3A_25 = arith.mulf %mul3A_24, %add3A_17 : vector<10000x64xf32>
    %select_n3A = arith.select %ge3A_19, %add3A_17, %mul3A_25 : vector<10000x64xi1>, vector<10000x64xf32>
    %get3A_26 = arith.constant 0 : index
    %get3A_27 = arith.constant 0 : index
    %get3A_28 = vector.load %arg6[%get3A_26, %get3A_27] : memref<64x32xf32, #tpu.memory_space<vmem>>, vector<64x32xf32>
    %dot_general3A = arith.constant dense<0.000000e+00> : vector<10000x32xf32>
    %dot_general3A_29 = tpu.matmul %select_n3A, %get3A_28, %dot_general3A {dimension_numbers = #tpu.dot_dimension_numbers<[1], [0], [0], [1], [0, 0, 1, 1], [], []>, transpose_lhs_hint = false} : vector<10000x64xf32>, vector<64x32xf32>, vector<10000x32xf32> -> vector<10000x32xf32>
    %mul3A_30 = vector.broadcast %get3A_1 : vector<10000x1xf32> to vector<10000x32xf32>
    %mul3A_31 = arith.mulf %mul3A_30, %dot_general3A_29 : vector<10000x32xf32>
    %swap3A = arith.constant 0 : index
    %swap3A_32 = arith.constant 0 : index
    %swap3A_33 = vector.load %arg7[%swap3A, %swap3A_32] : memref<10000x32xf32, #tpu.memory_space<vmem>>, vector<10000x32xf32>
    tpu.vector_store %arg7[%swap3A, %swap3A_32], %mul3A_31 {strides = array<i32>} : memref<10000x32xf32, #tpu.memory_space<vmem>>, vector<10000x32xf32>,
    return
  }
}

module attributes {stable_mosaic.version = 14 : i64} {
  func.func @_fin_body(%arg0: memref<10000x32xf32, #tpu.memory_space<vmem>>, %arg1: memref<10000x32xf32, #tpu.memory_space<vmem>>, %arg2: memref<10000x32xf32, #tpu.memory_space<vmem>>, %arg3: memref<10000x1xf32, #tpu.memory_space<vmem>>, %arg4: memref<1x32xf32, #tpu.memory_space<vmem>>, %arg5: memref<1x1xf32, #tpu.memory_space<vmem>>, %arg6: memref<10000x32xf32, #tpu.memory_space<vmem>>) attributes {dimension_semantics = [], scalar_prefetch = 0 : i64, scratch_operands = 0 : i64, tpu.core_type = #tpu.core_type<tc>} {
    %get3A = arith.constant 0 : index
    %get3A_0 = arith.constant 0 : index
    %get3A_1 = vector.load %arg3[%get3A, %get3A_0] : memref<10000x1xf32, #tpu.memory_space<vmem>>, vector<10000x1xf32>
    %get3A_2 = arith.constant 0 : index
    %get3A_3 = arith.constant 0 : index
    %get3A_4 = vector.load %arg0[%get3A_2, %get3A_3] : memref<10000x32xf32, #tpu.memory_space<vmem>>, vector<10000x32xf32>
    %get3A_5 = arith.constant 0 : index
    %get3A_6 = arith.constant 0 : index
    %get3A_7 = vector.load %arg1[%get3A_5, %get3A_6] : memref<10000x32xf32, #tpu.memory_space<vmem>>, vector<10000x32xf32>
    %add3A = arith.addf %get3A_4, %get3A_7 : vector<10000x32xf32>
    %get3A_8 = arith.constant 0 : index
    %get3A_9 = arith.constant 0 : index
    %get3A_10 = vector.load %arg2[%get3A_8, %get3A_9] : memref<10000x32xf32, #tpu.memory_space<vmem>>, vector<10000x32xf32>
    %add3A_11 = arith.addf %add3A, %get3A_10 : vector<10000x32xf32>
    %mul3A = vector.broadcast %get3A_1 : vector<10000x1xf32> to vector<10000x32xf32>
    %mul3A_12 = arith.mulf %mul3A, %add3A_11 : vector<10000x32xf32>
    %get3A_13 = arith.constant 0 : index
    %get3A_14 = arith.constant 0 : index
    %get3A_15 = vector.load %arg4[%get3A_13, %get3A_14] : memref<1x32xf32, #tpu.memory_space<vmem>>, vector<1x32xf32>
    %add3A_16 = vector.broadcast %get3A_15 : vector<1x32xf32> to vector<10000x32xf32>
    %add3A_17 = arith.addf %mul3A_12, %add3A_16 : vector<10000x32xf32>
    %ge3A = arith.constant 0.000000e+00 : f32
    %ge3A_18 = vector.broadcast %ge3A : f32 to vector<10000x32xf32>
    %ge3A_19 = arith.cmpf oge, %add3A_17, %ge3A_18 : vector<10000x32xf32>
    %get3A_20 = arith.constant 0 : index
    %get3A_21 = arith.constant 0 : index
    %get3A_22 = vector.load %arg5[%get3A_20, %get3A_21] : memref<1x1xf32, #tpu.memory_space<vmem>>, vector<1x1xf32>
    %get3A_23 = vector.extract %get3A_22[0, 0] : f32 from vector<1x1xf32>
    %mul3A_24 = vector.broadcast %get3A_23 : f32 to vector<10000x32xf32>
    %mul3A_25 = arith.mulf %mul3A_24, %add3A_17 : vector<10000x32xf32>
    %select_n3A = arith.select %ge3A_19, %add3A_17, %mul3A_25 : vector<10000x32xi1>, vector<10000x32xf32>
    %swap3A = arith.constant 0 : index
    %swap3A_26 = arith.constant 0 : index
    %swap3A_27 = vector.load %arg6[%swap3A, %swap3A_26] : memref<10000x32xf32, #tpu.memory_space<vmem>>, vector<10000x32xf32>
    tpu.vector_store %arg6[%swap3A, %swap3A_26], %select_n3A {strides = array<i32>} : memref<10000x32xf32, #tpu.memory_space<vmem>>, vector<10000x32xf32>,
    return
  }
}

</mosaic_0001>

<sc_bundles>
// kernel: kernel.11.cloned.1.call-start
scs
__scs_entry_jumppad:
0x0: {  	(pc) =	sbr.rel $0x88, $3  }
0x1: {  	(tag) =	ssettag $0x0;
	lr =	simm.s32 $0x1  }
0x2: {  	[smem:$0x3F99] =	sst lr;
	_ =	strace $0xD0000000  }
0x3: {  	_ = 	snop  }
0x4: {  	_ = 	snop  }
0x5: {  	_ = 	snop  }
0x6: {  	_ = 	snop  }
0x7: {  	_ = 	snop  }
__scs_overlays_trampoline_lowered:
0x8: {  	[smem:$0x3FA8] =	sst s0  }
0x9: {  	[smem:$0x3FA9] =	sst s1  }
0xa: {  	[smem:$0x3FAA] =	sst s2  }
0xb: {  	[smem:$0x3FAB] =	sst s3  }
0xc: {  	[smem:$0x3FAC] =	sst s4  }
0xd: {  	[smem:$0x3FAD] =	sst s5  }
0xe: {  	[smem:$0x3FAE] =	sst s6  }
0xf: {  	[smem:$0x3FAF] =	sst s7  }
0x10: {  	[smem:$0x3FB0] =	sst s8  }
0x11: {  	[smem:$0x3FB1] =	sst s9;
	s0 =	simm.s32 @!p0 $0x0  }
0x12: {  	s1 =	sld [smem:$0x3F97];
	s0 =	simm.s32 @p0 $0x1  }
0x13: {  	[smem:$0x3FB2] =	sst s0;
	s0 =	simm.s32 @!p1 $0x0  }
0x14: {  	s2 =	sld [smem:$0x3F96];
	s0 =	simm.s32 @p1 $0x1  }
0x15: {  	[smem:$0x3FB3] =	sst s0;
	s0 =	simm.s32 @!p2 $0x0  }
0x16: {  	s3 =	sld [smem:$0x3FDB];
	s0 =	simm.s32 @p2 $0x1  }
0x17: {  	s4 =	simm.s32 $0x1BF5;
	[smem:$0x3FB5] =	sst s0  }
0x18: {  	s0 =	sld [smem:$0x3F98];
	_ =	swait.ge [sflag:s4], $0x0  }
0x19: {  	s7 =	sld [smem:$0x3F99]  }
0x1a: {  	s8 =	sadd.s32 $0xFFFFE003, lr  }
0x1b: {  	s9 =	sadd.s32 $0xFFFFFEF7, lr;
	s5 =	simm.s32 $0xFFFFFFFF;
	p2 =	slt.u32 s8, $0xFFFFF086  }
0x1c: {  	p1 =	slt.u32 s9, $0xF7A;
	s5 =	simm.s32 @!p2 $0x0  }
0x1d: {  	s5 =	simm.s32 @p1 $0x1;
	p0 =	seq.s32 s7, s2  }
0x1e: {  	s7 =	smul.u32 @!p0 $0xF7A, s2;
	p2 =	seq.s32 @!p0 s5, $0x0  }
0x1f: {  	s9 =	smul.u32 $0xF7A, s1;
	s8 =	simm.s32 @!p0 $0x1BF5;
	p2 =	por !p2, p0  }
0x20: {  	[sflag:s8] =	ssyncset.s32 @!p0 $0xFFFFF086;
	s6 =	sadd.s32 @!p0 s3, s7;
	s7 =	simm.s32 @!p0 $0x108  }
0x21: {  	s3 =	sadd.s32 s3, s9;
	s6 =	sadd.s32 @!p0 $0x88, s6;
	s7 =	simm.s32 @p2 $0x1082  }
0x22: {  	[simem:s7], [sflag:s8] =	dma.local @!p0 [hbm:s6], $0xF7A  }
0x23: {  	s9 =	sor.u32 $0xD0000000, s2;
	s6 =	simm.s32 $0x108;
	_ =	swait.ge @!p0 [sflag:s8], $0x0  }
0x24: {  	s3 =	sadd.s32 $0x88, s3;
	s6 =	simm.s32 @!p1 $0x1082;
	[sflag:s4] =	ssyncset.s32 $0xFFFFF086  }
0x25: {  	[simem:s6], [sflag:s4] =	dma.local [hbm:s3], $0xF7A  }
0x26: {  	[smem:$0x3F99] =	sst s1;
	(tag) =	ssettag s2;
	_ =	strace s9  }
0x27: {  	s1 =	sld [smem:$0x3FA9]  }
0x28: {  	s2 =	sld [smem:$0x3FAA]  }
0x29: {  	s4 =	sld [smem:$0x3FAC]  }
0x2a: {  	p0 =	seq.s32 s5, $0x0;
	s5 =	sld [smem:$0x3FAD]  }
0x2b: {  	s6 =	sld [smem:$0x3FAE]  }
0x2c: {  	s7 =	sld [smem:$0x3FAF]  }
0x2d: {  	s3 =	simm.s32 $0x108;
	s8 =	sld [smem:$0x3FB0]  }
0x2e: {  	s3 =	simm.s32 @!p0 $0x1082;
	s9 =	sld [smem:$0x3FB1]  }
0x2f: {  	lr =	sadd.s32 s0, s3;
	s0 =	sld [smem:$0x3FA8]  }
0x30: {  	s3 =	sld [smem:$0x3FAB]  }
0x31: {  	[smem:$0x3FB4] =	sst s10  }
0x32: {  	s10 =	sld [smem:$0x3FB2];
	_ =	sdelay $0x3  }
0x33: {  	p0 =	seq.s32 s10, $0x1;
	s10 =	sld [smem:$0x3FB4];
	_ =	sdelay $0x3  }
0x34: {  	[smem:$0x3FB4] =	sst s10  }
0x35: {  	s10 =	sld [smem:$0x3FB3];
	_ =	sdelay $0x3  }
0x36: {  	p1 =	seq.s32 s10, $0x1;
	s10 =	sld [smem:$0x3FB4];
	_ =	sdelay $0x3  }
0x37: {  	[smem:$0x3FB4] =	sst s10  }
0x38: {  	s10 =	sld [smem:$0x3FB5]  }
0x39: {  	_ = 	snop;
	(pc) =	sbr.ind lr, $3  }
0x3a: {  	_ = 	snop  }
0x3b: {  	_ = 	snop  }
0x3c: {  	p2 =	seq.s32 s10, $0x1;
	s10 =	sld [smem:$0x3FB4]  }
0x3d: {  	_ =	shalt  }
0x3e: {  	_ =	shalt  }
0x3f: {  	_ =	shalt  }
0x40: {  	_ =	shalt  }
0x41: {  	_ =	shalt  }
0x42: {  	_ =	shalt  }
0x43: {  	_ =	shalt  }
0x44: {  	_ =	shalt  }
0x45: {  	_ =	shalt  }
0x46: {  	_ =	shalt  }
0x47: {  	_ =	shalt  }
0x48: {  	_ =	shalt  }
0x49: {  	_ =	shalt  }
0x4a: {  	_ =	shalt  }
0x4b: {  	_ =	shalt  }
0x4c: {  	_ =	shalt  }
0x4d: {  	_ =	shalt  }
0x4e: {  	_ =	shalt  }
0x4f: {  	_ =	shalt  }
0x50: {  	_ =	shalt  }
0x51: {  	_ =	shalt  }
0x52: {  	_ =	shalt  }
0x53: {  	_ =	shalt  }
0x54: {  	_ =	shalt  }
0x55: {  	_ =	shalt  }
0x56: {  	_ =	shalt  }
0x57: {  	_ =	shalt  }
0x58: {  	_ =	shalt  }
0x59: {  	_ =	shalt  }
0x5a: {  	_ =	shalt  }
0x5b: {  	_ =	shalt  }
0x5c: {  	_ =	shalt  }
0x5d: {  	_ =	shalt  }
0x5e: {  	_ =	shalt  }
0x5f: {  	_ =	shalt  }
0x60: {  	_ =	shalt  }
0x61: {  	_ =	shalt  }
0x62: {  	_ =	shalt  }
0x63: {  	_ =	shalt  }
0x64: {  	_ =	shalt  }
0x65: {  	_ =	shalt  }
0x66: {  	_ =	shalt  }
0x67: {  	_ =	shalt  }
0x68: {  	_ =	shalt  }
0x69: {  	_ =	shalt  }
0x6a: {  	_ =	shalt  }
0x6b: {  	_ =	shalt  }
0x6c: {  	_ =	shalt  }
0x6d: {  	_ =	shalt  }
0x6e: {  	_ =	shalt  }
0x6f: {  	_ =	shalt  }
0x70: {  	_ =	shalt  }
0x71: {  	_ =	shalt  }
0x72: {  	_ =	shalt  }
0x73: {  	_ =	shalt  }
0x74: {  	_ =	shalt  }
0x75: {  	_ =	shalt  }
0x76: {  	_ =	shalt  }
0x77: {  	_ =	shalt  }
0x78: {  	_ =	shalt  }
0x79: {  	_ =	shalt  }
0x7a: {  	_ =	shalt  }
0x7b: {  	_ =	shalt  }
0x7c: {  	_ =	shalt  }
0x7d: {  	_ =	shalt  }
0x7e: {  	_ =	shalt  }
0x7f: {  	_ =	shalt  }
0x80: {  	_ =	shalt  }
0x81: {  	_ =	shalt  }
0x82: {  	_ =	shalt  }
0x83: {  	_ =	shalt  }
0x84: {  	_ =	shalt  }
0x85: {  	_ =	shalt  }
0x86: {  	_ =	shalt  }
0x87: {  	_ =	shalt  }
.Lfunc_end0:
.L_simem_size_0:
called_computation.1_lowered:
.L_overlay_start_0:
0x88: {  	s2 =	sld [smem:$0x3FD9]  }
0x89: {  	s3 =	sld [smem:$0x3FFE];
	_ =	sdelay $0x1  }
0x8a: {  	s1 =	srdreg.scid  }
0x8b: {  	s0 =	sand.u32 $0x1, s1  }
0x8c: {  	s17 =	sshll.u32 s0, $0xA;
	s2 =	sadd.s32 s3, s2  }
0x8d: {  	s2 =	sadd.s32 s2, s17  }
0x8e: {  	[smem:$0x3FC0] =	sst s2  }
0x8f: {  	_ = 	snop  }
0x90: {  	s2 =	sld [smem:$0x3FD0];
	(tm) =	ssettm $0x1  }
0x91: {  	s18 =	sld [smem:$0x3FFB];
	_ =	sdelay $0x3  }
0x92: {  	_ =	strace s18  }
0x93: {  	s3 =	sld [smem:$0x3FFC];
	_ =	sdelay $0x3  }
0x94: {  	_ =	strace s3  }
0x95: {  	s3 =	sld [smem:$0x3FFD];
	_ =	sdelay $0x3  }
0x96: {  	_ =	strace s3  }
0x97: {  	_ =	strace $0x8FFFFFFF  }
0x98: {  	s19 =	sld [smem:$0x3FDB];
	_ =	sdelay $0x1  }
0x99: {  	s4 =	simm.s32 $_scs_section_size  }
0x9a: {  	s5 =	simm.s32 $_size__tile_overlayer_lowered;
	s6 =	simm.s32 $_tile_overlayer_lowered  }
0x9b: {  	s22 =	simm.s32 $0x1BFF;
	s21 =	sshll.u32 s6, $0x1;
	s3 =	sadd.s32 s4, s19  }
0x9c: {  	s7 =	simm.s32 $0x0;
	s20 =	sshll.u32 s5, $0x1;
	s5 =	sadd.s32 s21, s3  }
0x9d: {  	[timem:s7], [sflag:s22] =	dma.local [hbm:s5], s20  }
0x9e: {  	_ =	swait.ge [sflag:s22], s20  }
0x9f: {  	s4 =	ssub.s32 $0x0, s20;
	[sflag:s22] =	ssyncset.done $0x0  }
0xa0: {  	[sflag:s22] =	ssyncadd.s32 s4;
	_ =	sdelay $0x1  }
0xa1: {  	s23 =	simm.s32 $0x1B8B  }
0xa2: {  	_ =	swait.ge [sflag:s23], $0x1  }
0xa3: {  	[sflag:s23] =	ssyncset.done $0x0  }
0xa4: {  	s25 =	simm.s32 $0x1B8E;
	s24 =	sld [smem:$0x3FFE];
	[sflag:s23] =	ssyncadd.s32 $0xFFFFFFFF  }
0xa5: {  	s26 =	simm.s32 $execute0_lowered;
	[smem:$0x3FD2] =	sst s25  }
0xa6: {  	s5 =	sshll.u32 s26, $0x1;
	_ =	strace $0x80000049;
	[dreg:$0x1] =	wrdreg $0xFFFFFFFF  }
0xa7: {  	s28 =	simm.s32 $_size_execute0_lowered;
	s3 =	sadd.s32 s3, s5;
	[dreg:$0x0] =	wrdreg $0x0  }
0xa8: {  	s5 =	sshll.u32 s28, $0x1;
	[dreg:$0x2] =	wrdreg s3  }
0xa9: {  	[dreg:$0x3] =	wrdreg s5  }
0xaa: {  	[dreg:$0x4] =	wrdreg $0xC0  }
0xab: {  	_ =	task [dreg:s7], $0x5FFFF  }
0xac: {  	[dreg:$0x1] =	wrdreg $0xFFFFFFFF  }
0xad: {  	[dreg:$0x0] =	wrdreg $0x60  }
0xae: {  	[dreg:$0x2] =	wrdreg s24  }
0xaf: {  	[dreg:$0x3] =	wrdreg s2  }
0xb0: {  	[dreg:$0x4] =	wrdreg $0xAE000  }
0xb1: {  	[dreg:$0x5] =	wrdreg $0x9  }
0xb2: {  	_ =	task.clear_ibuf [dreg:s7], $0x6FFFF;
	_ =	strace $0x90000049  }
0xb3: {  	s29 =	simm.s32 $0x9;
	_ =	strace $0x8000004B  }
0xb4: {  	_ =	swait.ge [sflag:s29], $0x1  }
0xb5: {  	[sflag:s29] =	ssyncadd.s32 $0xFFFFFFFF  }
0xb6: {  	_ =	strace $0x9000004B  }
0xb7: {  	_ =	sfence  }
0xb8: {  	s30 =	sld [smem:$0x0];
	_ =	sdelay $0x2  }
0xb9: {  	s31 =	sshll.u32 s1, $0xD;
	s1 =	sshrl.u32 s1, $0x2  }
0xba: {  	s3 =	sand.u32 $0x4000, s31;
	s1 =	sadd.s32 s1, s30  }
0xbb: {  	s0 =	sor.u32 s3, s0;
	s1 =	sshll.u32 s1, $0x11  }
0xbc: {  	s0 =	sor.u32 s1, s0  }
0xbd: {  	s0 =	sadd.s32 $0x8F2B, s0  }
0xbe: {  	[sflag:s0] =	ssyncadd.remote.s32 $0x1  }
0xbf: {  	_ =	sfence.sel $0xFFFF  }
0xc0: {  	[dreg:$0x0] =	wrdreg $0xFFFFFFFF;
	(pc) =	sbr.abs _section_cstart, $3  }
0xc1: {  	[dreg:$0x1] =	wrdreg $0xFFFFFFFF  }
0xc2: {  	_ =	task.clear_ibuf [dreg:s7], $0x2FFFF;
	_ =	strace $0x9FFFFFFF  }
0xc3: {  	(tm) =	ssettm $0x7FFFFFFF  }
tec
execute0_lowered:
.L_overlay_start_1:
0x0: {  	(tag) =	ssettag $0x1  }
0x1: {  	s6 =	rddreg [dreg:$0x0]  }
0x2: {  	s0 =	stileid.u32;
	s2 =	rddreg [dreg:$0x1]  }
0x3: {  	s1 =	srdreg.scid;
	s3 =	rddreg [dreg:$0x2];
	s23 =	simm.s32 $0x8E00  }
0x4: {  	s24 =	simm.s32 $0x1;
	s25 =	simm.s32 $0x2;
	s4 =	smul.u32 $0x30, s0  }
0x5: {  	s26 =	simm.s32 $0x0;
	s10 =	sand.u32 $0x1, s1;
	s5 =	smul.u32 $0x6E, s0  }
0x6: {  	s1 =	rddreg [dreg:$0x3];
	s13 =	smul.u32 $0xA000, s0;
	s18 =	sadd.s32 $0x51200, s6  }
0x7: {  	p0 =	seq.s32 s10, $0x0;
	s8 =	ssub.s32 $0x2, s10;
	s17 =	smul.u32 $0xA0000, s10  }
0x8: {  	s7 =	sadd.s32 $0x6E0, s4;
	s4 =	simm.s32 $0x0;
	s9 =	sshrl.u32 s8, $0x1  }
0x9: {  	s14 =	sadd.s32 $0x2000, s13;
	s16 =	sadd.s32 $0x4000, s13;
	s20 =	sadd.s32 $0x6000, s13  }
0xa: {  	s21 =	sadd.s32 $0x8000, s13;
	s7 =	smov.u32 @p0 s5;
	[smem:$0x7FF] =	sst s4  }
0xb: {  	s19 =	ssub.s32 s8, s9;
	s8 =	sadd.s32 s13, s3;
	s9 =	sadd.s32 s14, s3  }
0xc: {  	s10 =	sadd.s32 s16, s3;
	s11 =	sadd.s32 s20, s3;
	s12 =	sadd.s32 s21, s3  }
0xd: {  	s15 =	sadd.s32 s13, s17;
	s13 =	simm.s32 $0x37;
	s22 =	sadd.s32 s17, s14  }
0xe: {  	s16 =	sadd.s32 s17, s16;
	s20 =	sadd.s32 s17, s20;
	s21 =	sadd.s32 s17, s21  }
0xf: {  	s5 =	sshll.u32 s7, $0x4;
	_ =	strace $0x8000004A;
	s15 =	sshrl.u32 s15, $0x3  }
0x10: {  	s13 =	simm.s32 @!p0 $0x18;
	s30 =	sshrl.u32 s22, $0x3;
	s16 =	sshrl.u32 s16, $0x3  }
0x11: {  	s20 =	sshrl.u32 s20, $0x3;
	s31 =	sshrl.u32 s21, $0x3;
	s19 =	smax.u32 s19, $0x1  }
0x12: {  	s21 =	simm.s32 $0x6E00;
	s22 =	simm.s32 $0x80;
	s7 =	sadd.s32 s5, s6  }
0x13: {  	s5 =	sadd.s32 $0x3D800, s6;
	s14 =	sadd.s32 s18, s15;
	s15 =	sadd.s32 s18, s30  }
0x14: {  	s16 =	sadd.s32 s18, s16;
	s17 =	sadd.s32 s18, s20;
	s18 =	sadd.s32 s18, s31  }
0x15: {  	s20 =	simm.s32 $0x3;
	s6 =	sadd.s32 $0xC400, s7;
	s7 =	sadd.s32 $0x1E00, s7  }
.LBB2_1:
0x16: {  	[tilespmem:s4], [sflag:$0x3] =	stream.linear.gather [hbm4b:s6+s4], $0x3700, $0x38;
	[tilespmem:$0x14E00] =	vst v63  }
0x17: {  	_ =	swait.ge [sflag:s20], $0x3700  }
0x18: {  	[sflag:s20] =	ssyncset.done $0x0  }
0x19: {  	s28 =	simm.s32 $0x3700;
	[sflag:s20] =	ssyncadd.s32 $0xFFFFC900  }
0x1a: {  	[tilespmem:s28], [sflag:$0x3] =	stream.linear.gather [hbm4b:s7+s4], $0x3700, $0x38;
	[tilespmem:$0x14E00] =	vst v63  }
0x1b: {  	_ =	swait.ge [sflag:s20], $0x3700  }
0x1c: {  	[sflag:s20] =	ssyncset.done $0x0  }
0x1d: {  	[sflag:s20] =	ssyncadd.s32 $0xFFFFC900  }
0x1e: {  	[tilespmem:s21], [sflag:$0x3] =	stream.linear.gather [hbm4b:s2+s4], $0x2000, $0x38;
	[tilespmem:$0x14E00] =	vst v63  }
0x1f: {  	_ =	swait.ge [sflag:s20], $0x2000  }
0x20: {  	[sflag:s20] =	ssyncset.done $0x0  }
0x21: {  	[sflag:s20] =	ssyncadd.s32 $0xFFFFE000  }
0x22: {  	[spmem:s8] =	stream.linear.scatter [tilespmem:s21], [sflag:$0x3], $0x2000, $0x38;
	[tilespmem:$0x14E00] =	vst v63  }
0x23: {  	_ =	swait.ge [sflag:s20], $0x2000  }
0x24: {  	[sflag:s20] =	ssyncset.done $0x0  }
0x25: {  	[sflag:s20] =	ssyncadd.s32 $0xFFFFE000  }
0x26: {  	[spmem:s9] =	stream.linear.scatter [tilespmem:s21], [sflag:$0x3], $0x2000, $0x38;
	[tilespmem:$0x14E00] =	vst v63  }
0x27: {  	_ =	swait.ge [sflag:s20], $0x2000  }
0x28: {  	[sflag:s20] =	ssyncset.done $0x0  }
0x29: {  	[sflag:s20] =	ssyncadd.s32 $0xFFFFE000  }
0x2a: {  	[spmem:s10] =	stream.linear.scatter [tilespmem:s21], [sflag:$0x3], $0x2000, $0x38;
	[tilespmem:$0x14E00] =	vst v63  }
0x2b: {  	_ =	swait.ge [sflag:s20], $0x2000  }
0x2c: {  	[sflag:s20] =	ssyncset.done $0x0  }
0x2d: {  	[sflag:s20] =	ssyncadd.s32 $0xFFFFE000  }
0x2e: {  	[spmem:s11] =	stream.linear.scatter [tilespmem:s21], [sflag:$0x3], $0x2000, $0x38;
	[tilespmem:$0x14E00] =	vst v63  }
0x2f: {  	_ =	swait.ge [sflag:s20], $0x2000  }
0x30: {  	[sflag:s20] =	ssyncset.done $0x0  }
0x31: {  	[sflag:s20] =	ssyncadd.s32 $0xFFFFE000  }
0x32: {  	[spmem:s12] =	stream.linear.scatter [tilespmem:s21], [sflag:$0x3], $0x2000, $0x38;
	[tilespmem:$0x14E00] =	vst v63  }
0x33: {  	_ =	swait.ge [sflag:s20], $0x2000  }
0x34: {  	[sflag:s20] =	ssyncset.done $0x0  }
0x35: {  	[sflag:s20] =	ssyncadd.s32 $0xFFFFE000  }
0x36: {  	[bflag:$0x0] =	sbarrier.arrive $0xFFFF  }
0x37: {  	[tilespmem:s21], [sflag:$0x1] =	stream.indirect.gather [hbm4b:s5+s22], $0x40, s4, s22, $0xb8;
	[tilespmem:$0x14E00] =	vst v63  }
0x38: {  	s29 =	simm.s32 $0x80  }
0x39: {  	[tilespmem:s23], [sflag:$0x2] =	stream.indirect.gather [hbm4b:s5+s22], $0x40, s29, s22, $0xb8;
	[tilespmem:$0x14E00] =	vst v63  }
0x3a: {  	_ =	swait.ge [sflag:s24], $0x2000  }
0x3b: {  	[sflag:s24] =	ssyncset.done $0x0  }
0x3c: {  	[sflag:s24] =	ssyncadd.s32 $0xFFFFE000  }
0x3d: {  	[spmem:s3] =	stream.indirect.scatter.add.f32 [tilespmem:s21], [sflag:$0x3], $0x40, s28, s22, $0xb8;
	[tilespmem:$0x14E00] =	vst v63  }
0x3e: {  	_ =	swait.ge [sflag:s20], $0x2000  }
0x3f: {  	[sflag:s20] =	ssyncset.done $0x0  }
0x40: {  	[sflag:s20] =	ssyncadd.s32 $0xFFFFE000  }
0x41: {  	p0 =	sne.s32 s13, $0x1;
	_ =	swait.ge [sflag:s25], $0x2000  }
.Ltmp0:
0x42: {  	[sflag:s25] =	ssyncset.done $0x0;
	(pc) =	sbr.rel @!p0 .LBB2_3-.Ltmp0, $4  }
0x43: {  	s29 =	simm.s32 $0x3780;
	[sflag:s25] =	ssyncadd.s32 $0xFFFFE000  }
0x44: {  	[spmem:s3] =	stream.indirect.scatter.add.f32 [tilespmem:s23], [sflag:$0x3], $0x40, s29, s22, $0xb8;
	[tilespmem:$0x14E00] =	vst v63  }
0x45: {  	_ =	swait.ge [sflag:s20], $0x2000  }
0x46: {  	s30 =	simm.s32 $0x0;
	s29 =	sadd.s32 $0xFFFFFFFF, s13;
	[sflag:s20] =	ssyncset.done $0x0  }
.LBB2_2:
0x47: {  	[sflag:s20] =	ssyncadd.s32 $0xFFFFE000;
	s30 =	sadd.s32 $0x100, s30;
	s28 =	sadd.s32 $0x100, s28  }
0x48: {  	[tilespmem:s21], [sflag:$0x1] =	stream.indirect.gather [hbm4b:s5+s22], $0x40, s30, s22, $0xb8;
	[tilespmem:$0x14E00] =	vst v63  }
0x49: {  	p0 =	sne.s32 s29, $0x1;
	s29 =	sadd.s32 $0xFFFFFFFF, s29;
	s31 =	sadd.s32 $0x80, s30  }
0x4a: {  	[tilespmem:s23], [sflag:$0x2] =	stream.indirect.gather [hbm4b:s5+s22], $0x40, s31, s22, $0xb8;
	[tilespmem:$0x14E00] =	vst v63  }
0x4b: {  	_ =	swait.ge [sflag:s24], $0x2000  }
0x4c: {  	[sflag:s24] =	ssyncset.done $0x0  }
0x4d: {  	[sflag:s24] =	ssyncadd.s32 $0xFFFFE000  }
0x4e: {  	[spmem:s3] =	stream.indirect.scatter.add.f32 [tilespmem:s21], [sflag:$0x3], $0x40, s28, s22, $0xb8;
	[tilespmem:$0x14E00] =	vst v63  }
0x4f: {  	_ =	swait.ge [sflag:s20], $0x2000  }
0x50: {  	[sflag:s20] =	ssyncset.done $0x0  }
0x51: {  	[sflag:s20] =	ssyncadd.s32 $0xFFFFE000  }
0x52: {  	_ =	swait.ge [sflag:s25], $0x2000  }
.Ltmp1:
0x53: {  	[sflag:s25] =	ssyncset.done $0x0;
	(pc) =	sbr.rel @p0 .LBB2_2-.Ltmp1, $4  }
0x54: {  	s31 =	sadd.s32 $0x80, s28;
	[sflag:s25] =	ssyncadd.s32 $0xFFFFE000  }
0x55: {  	[spmem:s3] =	stream.indirect.scatter.add.f32 [tilespmem:s23], [sflag:$0x3], $0x40, s31, s22, $0xb8;
	[tilespmem:$0x14E00] =	vst v63  }
0x56: {  	_ =	swait.ge [sflag:s20], $0x2000  }
0x57: {  	[sflag:s20] =	ssyncset.done $0x0  }
.LBB2_3:
0x58: {  	[sflag:s20] =	ssyncadd.s32 $0xFFFFE000  }
0x59: {  	[bflag:$0x0] =	sbarrier.arrive $0xFFFF  }
0x5a: {  	[tilespmem:s21], [sflag:$0x3] =	stream.linear.gather [spmem:s8], $0x2000, $0x38;
	[tilespmem:$0x14E00] =	vst v63  }
0x5b: {  	_ =	swait.ge [sflag:s20], $0x2000  }
0x5c: {  	[sflag:s20] =	ssyncset.done $0x0  }
0x5d: {  	[sflag:s20] =	ssyncadd.s32 $0xFFFFE000  }
0x5e: {  	[hbm4b:s14+s4] =	stream.linear.scatter [tilespmem:s21], [sflag:$0x3], $0x2000, $0x38;
	[tilespmem:$0x14E00] =	vst v63  }
0x5f: {  	_ =	swait.ge [sflag:s20], $0x2000  }
0x60: {  	[sflag:s20] =	ssyncset.done $0x0  }
0x61: {  	[sflag:s20] =	ssyncadd.s32 $0xFFFFE000  }
0x62: {  	[tilespmem:s21], [sflag:$0x3] =	stream.linear.gather [spmem:s9], $0x2000, $0x38;
	[tilespmem:$0x14E00] =	vst v63  }
0x63: {  	_ =	swait.ge [sflag:s20], $0x2000  }
0x64: {  	[sflag:s20] =	ssyncset.done $0x0  }
0x65: {  	[sflag:s20] =	ssyncadd.s32 $0xFFFFE000  }
0x66: {  	[hbm4b:s15+s4] =	stream.linear.scatter [tilespmem:s21], [sflag:$0x3], $0x2000, $0x38;
	[tilespmem:$0x14E00] =	vst v63  }
0x67: {  	_ =	swait.ge [sflag:s20], $0x2000  }
0x68: {  	[sflag:s20] =	ssyncset.done $0x0  }
0x69: {  	[sflag:s20] =	ssyncadd.s32 $0xFFFFE000  }
0x6a: {  	[tilespmem:s21], [sflag:$0x3] =	stream.linear.gather [spmem:s10], $0x2000, $0x38;
	[tilespmem:$0x14E00] =	vst v63  }
0x6b: {  	_ =	swait.ge [sflag:s20], $0x2000  }
0x6c: {  	[sflag:s20] =	ssyncset.done $0x0  }
0x6d: {  	[sflag:s20] =	ssyncadd.s32 $0xFFFFE000  }
0x6e: {  	[hbm4b:s16+s4] =	stream.linear.scatter [tilespmem:s21], [sflag:$0x3], $0x2000, $0x38;
	[tilespmem:$0x14E00] =	vst v63  }
0x6f: {  	_ =	swait.ge [sflag:s20], $0x2000  }
0x70: {  	[sflag:s20] =	ssyncset.done $0x0  }
0x71: {  	[sflag:s20] =	ssyncadd.s32 $0xFFFFE000  }
0x72: {  	[tilespmem:s21], [sflag:$0x3] =	stream.linear.gather [spmem:s11], $0x2000, $0x38;
	[tilespmem:$0x14E00] =	vst v63  }
0x73: {  	_ =	swait.ge [sflag:s20], $0x2000  }
0x74: {  	[sflag:s20] =	ssyncset.done $0x0  }
0x75: {  	[sflag:s20] =	ssyncadd.s32 $0xFFFFE000  }
0x76: {  	[hbm4b:s17+s4] =	stream.linear.scatter [tilespmem:s21], [sflag:$0x3], $0x2000, $0x38;
	[tilespmem:$0x14E00] =	vst v63  }
0x77: {  	_ =	swait.ge [sflag:s20], $0x2000  }
0x78: {  	[sflag:s20] =	ssyncset.done $0x0  }
0x79: {  	[sflag:s20] =	ssyncadd.s32 $0xFFFFE000  }
0x7a: {  	[tilespmem:s21], [sflag:$0x3] =	stream.linear.gather [spmem:s12], $0x2000, $0x38;
	[tilespmem:$0x14E00] =	vst v63  }
0x7b: {  	s26 =	sadd.s32 $0x1, s26;
	_ =	swait.ge [sflag:s20], $0x2000  }
0x7c: {  	p0 =	sne.s32 s26, s19;
	[sflag:s20] =	ssyncset.done $0x0  }
.Ltmp2:
0x7d: {  	[sflag:s20] =	ssyncadd.s32 $0xFFFFE000;
	(pc) =	sbr.rel @p0 .LBB2_1-.Ltmp2, $4  }
0x7e: {  	[hbm4b:s18+s4] =	stream.linear.scatter [tilespmem:s21], [sflag:$0x3], $0x2000, $0x38;
	[tilespmem:$0x14E00] =	vst v63  }
0x7f: {  	_ =	swait.ge [sflag:s20], $0x2000  }
0x80: {  	[sflag:s20] =	ssyncset.done $0x0  }
0x81: {  	[sflag:s20] =	ssyncadd.s32 $0xFFFFE000  }
0x82: {  	_ =	sfence.sel $0x180000  }
0x83: {  	[bflag:$0x0] =	sbarrier.arrive $0xFFFF  }
0x84: {  	p0 =	sne.s32 s0, $0x0;
	_ =	strace $0x9000004A  }
0x85: {  	s0 =	sadd.s32 @!p0 $0x100000, s1;
	[bflag:$0x2] =	sbarrier.arrive $0xFFFF  }
0x86: {  	[sflag:s0] =	ssyncadd.tile.s32 @!p0 $0x1;
	_ =	shalt  }
.Lfunc_end2:
_tile_overlayer_lowered:
.L_overlay_start_2:
0x87: {  	(tag) =	ssettag $0x2  }
0x88: {  	s0 =	rddreg [dreg:$0x0];
	s2 =	stileid.u32  }
0x89: {  	s1 =	rddreg [dreg:$0x1];
	p0 =	sne.s32 s2, $0x0  }
0x8a: {  	s3 =	rddreg [dreg:$0x2];
	[bflag:$0x3] =	sbarrier.arrive $0xFFFF;
	s2 =	simm.s32 @!p0 $0x1C03  }
0x8b: {  	[timem:s3], [sflag:s2] =	dma.local @!p0 [hbm:s0], s1  }
0x8c: {  	s0 =	simm.s32 @!p0 $0x3  }
0x8d: {  	_ =	swait.ge @!p0 [sflag:s0], s1  }
0x8e: {  	s1 =	ssub.s32 @!p0 $0x0, s1;
	[sflag:s0] =	ssyncset.done @!p0 $0x0  }
0x8f: {  	[sflag:s0] =	ssyncadd.s32 @!p0 s1  }
0x90: {  	[bflag:$0x3] =	sbarrier.arrive $0xFFFF  }
0x91: {  	_ =	shalt  }

// kernel: kernel.14.cloned.1.call-start
scs
__scs_entry_jumppad:
0x0: {  	(pc) =	sbr.rel $0x88, $3  }
0x1: {  	(tag) =	ssettag $0x0;
	lr =	simm.s32 $0x1  }
0x2: {  	[smem:$0x3F99] =	sst lr;
	_ =	strace $0xD0000000  }
0x3: {  	_ = 	snop  }
0x4: {  	_ = 	snop  }
0x5: {  	_ = 	snop  }
0x6: {  	_ = 	snop  }
0x7: {  	_ = 	snop  }
__scs_overlays_trampoline_lowered:
0x8: {  	[smem:$0x3FA8] =	sst s0  }
0x9: {  	[smem:$0x3FA9] =	sst s1  }
0xa: {  	[smem:$0x3FAA] =	sst s2  }
0xb: {  	[smem:$0x3FAB] =	sst s3  }
0xc: {  	[smem:$0x3FAC] =	sst s4  }
0xd: {  	[smem:$0x3FAD] =	sst s5  }
0xe: {  	[smem:$0x3FAE] =	sst s6  }
0xf: {  	[smem:$0x3FAF] =	sst s7  }
0x10: {  	[smem:$0x3FB0] =	sst s8  }
0x11: {  	[smem:$0x3FB1] =	sst s9;
	s0 =	simm.s32 @!p0 $0x0  }
0x12: {  	s1 =	sld [smem:$0x3F97];
	s0 =	simm.s32 @p0 $0x1  }
0x13: {  	[smem:$0x3FB2] =	sst s0;
	s0 =	simm.s32 @!p1 $0x0  }
0x14: {  	s2 =	sld [smem:$0x3F96];
	s0 =	simm.s32 @p1 $0x1  }
0x15: {  	[smem:$0x3FB3] =	sst s0;
	s0 =	simm.s32 @!p2 $0x0  }
0x16: {  	s3 =	sld [smem:$0x3FDB];
	s0 =	simm.s32 @p2 $0x1  }
0x17: {  	s4 =	simm.s32 $0x1BF5;
	[smem:$0x3FB5] =	sst s0  }
0x18: {  	s0 =	sld [smem:$0x3F98];
	_ =	swait.ge [sflag:s4], $0x0  }
0x19: {  	s7 =	sld [smem:$0x3F99]  }
0x1a: {  	s8 =	sadd.s32 $0xFFFFE003, lr  }
0x1b: {  	s9 =	sadd.s32 $0xFFFFFEF7, lr;
	s5 =	simm.s32 $0xFFFFFFFF;
	p2 =	slt.u32 s8, $0xFFFFF086  }
0x1c: {  	p1 =	slt.u32 s9, $0xF7A;
	s5 =	simm.s32 @!p2 $0x0  }
0x1d: {  	s5 =	simm.s32 @p1 $0x1;
	p0 =	seq.s32 s7, s2  }
0x1e: {  	s7 =	smul.u32 @!p0 $0xF7A, s2;
	p2 =	seq.s32 @!p0 s5, $0x0  }
0x1f: {  	s9 =	smul.u32 $0xF7A, s1;
	s8 =	simm.s32 @!p0 $0x1BF5;
	p2 =	por !p2, p0  }
0x20: {  	[sflag:s8] =	ssyncset.s32 @!p0 $0xFFFFF086;
	s6 =	sadd.s32 @!p0 s3, s7;
	s7 =	simm.s32 @!p0 $0x108  }
0x21: {  	s3 =	sadd.s32 s3, s9;
	s6 =	sadd.s32 @!p0 $0x88, s6;
	s7 =	simm.s32 @p2 $0x1082  }
0x22: {  	[simem:s7], [sflag:s8] =	dma.local @!p0 [hbm:s6], $0xF7A  }
0x23: {  	s9 =	sor.u32 $0xD0000000, s2;
	s6 =	simm.s32 $0x108;
	_ =	swait.ge @!p0 [sflag:s8], $0x0  }
0x24: {  	s3 =	sadd.s32 $0x88, s3;
	s6 =	simm.s32 @!p1 $0x1082;
	[sflag:s4] =	ssyncset.s32 $0xFFFFF086  }
0x25: {  	[simem:s6], [sflag:s4] =	dma.local [hbm:s3], $0xF7A  }
0x26: {  	[smem:$0x3F99] =	sst s1;
	(tag) =	ssettag s2;
	_ =	strace s9  }
0x27: {  	s1 =	sld [smem:$0x3FA9]  }
0x28: {  	s2 =	sld [smem:$0x3FAA]  }
0x29: {  	s4 =	sld [smem:$0x3FAC]  }
0x2a: {  	p0 =	seq.s32 s5, $0x0;
	s5 =	sld [smem:$0x3FAD]  }
0x2b: {  	s6 =	sld [smem:$0x3FAE]  }
0x2c: {  	s7 =	sld [smem:$0x3FAF]  }
0x2d: {  	s3 =	simm.s32 $0x108;
	s8 =	sld [smem:$0x3FB0]  }
0x2e: {  	s3 =	simm.s32 @!p0 $0x1082;
	s9 =	sld [smem:$0x3FB1]  }
0x2f: {  	lr =	sadd.s32 s0, s3;
	s0 =	sld [smem:$0x3FA8]  }
0x30: {  	s3 =	sld [smem:$0x3FAB]  }
0x31: {  	[smem:$0x3FB4] =	sst s10  }
0x32: {  	s10 =	sld [smem:$0x3FB2];
	_ =	sdelay $0x3  }
0x33: {  	p0 =	seq.s32 s10, $0x1;
	s10 =	sld [smem:$0x3FB4];
	_ =	sdelay $0x3  }
0x34: {  	[smem:$0x3FB4] =	sst s10  }
0x35: {  	s10 =	sld [smem:$0x3FB3];
	_ =	sdelay $0x3  }
0x36: {  	p1 =	seq.s32 s10, $0x1;
	s10 =	sld [smem:$0x3FB4];
	_ =	sdelay $0x3  }
0x37: {  	[smem:$0x3FB4] =	sst s10  }
0x38: {  	s10 =	sld [smem:$0x3FB5]  }
0x39: {  	_ = 	snop;
	(pc) =	sbr.ind lr, $3  }
0x3a: {  	_ = 	snop  }
0x3b: {  	_ = 	snop  }
0x3c: {  	p2 =	seq.s32 s10, $0x1;
	s10 =	sld [smem:$0x3FB4]  }
0x3d: {  	_ =	shalt  }
0x3e: {  	_ =	shalt  }
0x3f: {  	_ =	shalt  }
0x40: {  	_ =	shalt  }
0x41: {  	_ =	shalt  }
0x42: {  	_ =	shalt  }
0x43: {  	_ =	shalt  }
0x44: {  	_ =	shalt  }
0x45: {  	_ =	shalt  }
0x46: {  	_ =	shalt  }
0x47: {  	_ =	shalt  }
0x48: {  	_ =	shalt  }
0x49: {  	_ =	shalt  }
0x4a: {  	_ =	shalt  }
0x4b: {  	_ =	shalt  }
0x4c: {  	_ =	shalt  }
0x4d: {  	_ =	shalt  }
0x4e: {  	_ =	shalt  }
0x4f: {  	_ =	shalt  }
0x50: {  	_ =	shalt  }
0x51: {  	_ =	shalt  }
0x52: {  	_ =	shalt  }
0x53: {  	_ =	shalt  }
0x54: {  	_ =	shalt  }
0x55: {  	_ =	shalt  }
0x56: {  	_ =	shalt  }
0x57: {  	_ =	shalt  }
0x58: {  	_ =	shalt  }
0x59: {  	_ =	shalt  }
0x5a: {  	_ =	shalt  }
0x5b: {  	_ =	shalt  }
0x5c: {  	_ =	shalt  }
0x5d: {  	_ =	shalt  }
0x5e: {  	_ =	shalt  }
0x5f: {  	_ =	shalt  }
0x60: {  	_ =	shalt  }
0x61: {  	_ =	shalt  }
0x62: {  	_ =	shalt  }
0x63: {  	_ =	shalt  }
0x64: {  	_ =	shalt  }
0x65: {  	_ =	shalt  }
0x66: {  	_ =	shalt  }
0x67: {  	_ =	shalt  }
0x68: {  	_ =	shalt  }
0x69: {  	_ =	shalt  }
0x6a: {  	_ =	shalt  }
0x6b: {  	_ =	shalt  }
0x6c: {  	_ =	shalt  }
0x6d: {  	_ =	shalt  }
0x6e: {  	_ =	shalt  }
0x6f: {  	_ =	shalt  }
0x70: {  	_ =	shalt  }
0x71: {  	_ =	shalt  }
0x72: {  	_ =	shalt  }
0x73: {  	_ =	shalt  }
0x74: {  	_ =	shalt  }
0x75: {  	_ =	shalt  }
0x76: {  	_ =	shalt  }
0x77: {  	_ =	shalt  }
0x78: {  	_ =	shalt  }
0x79: {  	_ =	shalt  }
0x7a: {  	_ =	shalt  }
0x7b: {  	_ =	shalt  }
0x7c: {  	_ =	shalt  }
0x7d: {  	_ =	shalt  }
0x7e: {  	_ =	shalt  }
0x7f: {  	_ =	shalt  }
0x80: {  	_ =	shalt  }
0x81: {  	_ =	shalt  }
0x82: {  	_ =	shalt  }
0x83: {  	_ =	shalt  }
0x84: {  	_ =	shalt  }
0x85: {  	_ =	shalt  }
0x86: {  	_ =	shalt  }
0x87: {  	_ =	shalt  }
.Lfunc_end0:
.L_simem_size_0:
called_computation.2_lowered:
.L_overlay_start_0:
0x88: {  	s2 =	sld [smem:$0x3FD9]  }
0x89: {  	s3 =	sld [smem:$0x3FFE];
	_ =	sdelay $0x1  }
0x8a: {  	s1 =	srdreg.scid  }
0x8b: {  	s0 =	sand.u32 $0x1, s1  }
0x8c: {  	s17 =	sshll.u32 s0, $0xA;
	s2 =	sadd.s32 s3, s2  }
0x8d: {  	s2 =	sadd.s32 s2, s17  }
0x8e: {  	[smem:$0x3FC0] =	sst s2  }
0x8f: {  	_ = 	snop  }
0x90: {  	s2 =	sld [smem:$0x3FD0];
	(tm) =	ssettm $0x1  }
0x91: {  	s18 =	sld [smem:$0x3FFB];
	_ =	sdelay $0x3  }
0x92: {  	_ =	strace s18  }
0x93: {  	s3 =	sld [smem:$0x3FFC];
	_ =	sdelay $0x3  }
0x94: {  	_ =	strace s3  }
0x95: {  	s3 =	sld [smem:$0x3FFD];
	_ =	sdelay $0x3  }
0x96: {  	_ =	strace s3  }
0x97: {  	_ =	strace $0x8FFFFFFF  }
0x98: {  	s19 =	sld [smem:$0x3FDB];
	_ =	sdelay $0x1  }
0x99: {  	s4 =	simm.s32 $_scs_section_size  }
0x9a: {  	s5 =	simm.s32 $_size__tile_overlayer_lowered;
	s6 =	simm.s32 $_tile_overlayer_lowered  }
0x9b: {  	s22 =	simm.s32 $0x1BFF;
	s21 =	sshll.u32 s6, $0x1;
	s3 =	sadd.s32 s4, s19  }
0x9c: {  	s7 =	simm.s32 $0x0;
	s20 =	sshll.u32 s5, $0x1;
	s5 =	sadd.s32 s21, s3  }
0x9d: {  	[timem:s7], [sflag:s22] =	dma.local [hbm:s5], s20  }
0x9e: {  	_ =	swait.ge [sflag:s22], s20  }
0x9f: {  	s4 =	ssub.s32 $0x0, s20;
	[sflag:s22] =	ssyncset.done $0x0  }
0xa0: {  	[sflag:s22] =	ssyncadd.s32 s4;
	_ =	sdelay $0x1  }
0xa1: {  	s23 =	simm.s32 $0x1B8B  }
0xa2: {  	_ =	swait.ge [sflag:s23], $0x1  }
0xa3: {  	[sflag:s23] =	ssyncset.done $0x0  }
0xa4: {  	s25 =	simm.s32 $0x1B8E;
	s24 =	sld [smem:$0x3FFE];
	[sflag:s23] =	ssyncadd.s32 $0xFFFFFFFF  }
0xa5: {  	s26 =	simm.s32 $execute0_lowered;
	[smem:$0x3FD2] =	sst s25  }
0xa6: {  	s5 =	sshll.u32 s26, $0x1;
	_ =	strace $0x8000004C;
	[dreg:$0x1] =	wrdreg $0xFFFFFFFF  }
0xa7: {  	s28 =	simm.s32 $_size_execute0_lowered;
	s3 =	sadd.s32 s3, s5;
	[dreg:$0x0] =	wrdreg $0x0  }
0xa8: {  	s5 =	sshll.u32 s28, $0x1;
	[dreg:$0x2] =	wrdreg s3  }
0xa9: {  	[dreg:$0x3] =	wrdreg s5  }
0xaa: {  	[dreg:$0x4] =	wrdreg $0xC0  }
0xab: {  	_ =	task [dreg:s7], $0x5FFFF  }
0xac: {  	[dreg:$0x1] =	wrdreg $0xFFFFFFFF  }
0xad: {  	[dreg:$0x0] =	wrdreg $0x60  }
0xae: {  	[dreg:$0x2] =	wrdreg s24  }
0xaf: {  	[dreg:$0x3] =	wrdreg s2  }
0xb0: {  	[dreg:$0x4] =	wrdreg $0x82000  }
0xb1: {  	[dreg:$0x5] =	wrdreg $0x9  }
0xb2: {  	_ =	task.clear_ibuf [dreg:s7], $0x6FFFF;
	_ =	strace $0x9000004C  }
0xb3: {  	s29 =	simm.s32 $0x9;
	_ =	strace $0x8000004E  }
0xb4: {  	_ =	swait.ge [sflag:s29], $0x1  }
0xb5: {  	[sflag:s29] =	ssyncadd.s32 $0xFFFFFFFF  }
0xb6: {  	_ =	strace $0x9000004E  }
0xb7: {  	_ =	sfence  }
0xb8: {  	s30 =	sld [smem:$0x0];
	_ =	sdelay $0x2  }
0xb9: {  	s31 =	sshll.u32 s1, $0xD;
	s1 =	sshrl.u32 s1, $0x2  }
0xba: {  	s3 =	sand.u32 $0x4000, s31;
	s1 =	sadd.s32 s1, s30  }
0xbb: {  	s0 =	sor.u32 s3, s0;
	s1 =	sshll.u32 s1, $0x11  }
0xbc: {  	s0 =	sor.u32 s1, s0  }
0xbd: {  	s0 =	sadd.s32 $0x8F2B, s0  }
0xbe: {  	[sflag:s0] =	ssyncadd.remote.s32 $0x1  }
0xbf: {  	_ =	sfence.sel $0xFFFF  }
0xc0: {  	[dreg:$0x0] =	wrdreg $0xFFFFFFFF;
	(pc) =	sbr.abs _section_cstart, $3  }
0xc1: {  	[dreg:$0x1] =	wrdreg $0xFFFFFFFF  }
0xc2: {  	_ =	task.clear_ibuf [dreg:s7], $0x2FFFF;
	_ =	strace $0x9FFFFFFF  }
0xc3: {  	(tm) =	ssettm $0x7FFFFFFF  }
tec
execute0_lowered:
.L_overlay_start_1:
0x0: {  	(tag) =	ssettag $0x1  }
0x1: {  	s6 =	rddreg [dreg:$0x0]  }
0x2: {  	s0 =	stileid.u32;
	s2 =	rddreg [dreg:$0x1]  }
0x3: {  	s1 =	srdreg.scid;
	s3 =	rddreg [dreg:$0x2];
	s23 =	simm.s32 $0x7200  }
0x4: {  	s24 =	simm.s32 $0x1;
	s25 =	simm.s32 $0x2;
	s4 =	smul.u32 $0x3C, s0  }
0x5: {  	s26 =	simm.s32 $0x0;
	s10 =	sand.u32 $0x1, s1;
	s5 =	smul.u32 $0x62, s0  }
0x6: {  	s1 =	rddreg [dreg:$0x3];
	s13 =	smul.u32 $0x5000, s0;
	s18 =	sadd.s32 $0x3D800, s6  }
0x7: {  	p0 =	seq.s32 s10, $0x0;
	s8 =	ssub.s32 $0x2, s10;
	s17 =	smul.u32 $0x50000, s10  }
0x8: {  	s7 =	sadd.s32 $0x620, s4;
	s4 =	simm.s32 $0x0;
	s9 =	sshrl.u32 s8, $0x1  }
0x9: {  	s14 =	sadd.s32 $0x1000, s13;
	s16 =	sadd.s32 $0x2000, s13;
	s20 =	sadd.s32 $0x3000, s13  }
0xa: {  	s21 =	sadd.s32 $0x4000, s13;
	s7 =	smov.u32 @p0 s5;
	[smem:$0x7FF] =	sst s4  }
0xb: {  	s19 =	ssub.s32 s8, s9;
	s8 =	sadd.s32 s13, s3;
	s9 =	sadd.s32 s14, s3  }
0xc: {  	s10 =	sadd.s32 s16, s3;
	s11 =	sadd.s32 s20, s3;
	s12 =	sadd.s32 s21, s3  }
0xd: {  	s15 =	sadd.s32 s13, s17;
	s13 =	simm.s32 $0x31;
	s22 =	sadd.s32 s17, s14  }
0xe: {  	s16 =	sadd.s32 s17, s16;
	s20 =	sadd.s32 s17, s20;
	s21 =	sadd.s32 s17, s21  }
0xf: {  	s5 =	sshll.u32 s7, $0x4;
	_ =	strace $0x8000004D;
	s15 =	sshrl.u32 s15, $0x3  }
0x10: {  	s13 =	simm.s32 @!p0 $0x1E;
	s30 =	sshrl.u32 s22, $0x3;
	s16 =	sshrl.u32 s16, $0x3  }
0x11: {  	s20 =	sshrl.u32 s20, $0x3;
	s31 =	sshrl.u32 s21, $0x3;
	s19 =	smax.u32 s19, $0x1  }
0x12: {  	s21 =	simm.s32 $0x6200;
	s22 =	simm.s32 $0x80;
	s7 =	sadd.s32 s5, s6  }
0x13: {  	s5 =	sadd.s32 $0xC000, s6;
	s14 =	sadd.s32 s18, s15;
	s15 =	sadd.s32 s18, s30  }
0x14: {  	s16 =	sadd.s32 s18, s16;
	s17 =	sadd.s32 s18, s20;
	s18 =	sadd.s32 s18, s31  }
0x15: {  	s20 =	simm.s32 $0x3;
	s6 =	sadd.s32 $0xC400, s7;
	s7 =	sadd.s32 $0x1E00, s7  }
.LBB2_1:
0x16: {  	[tilespmem:s4], [sflag:$0x3] =	stream.linear.gather [hbm4b:s6+s4], $0x3100, $0x38;
	[tilespmem:$0xD200] =	vst v63  }
0x17: {  	_ =	swait.ge [sflag:s20], $0x3100  }
0x18: {  	[sflag:s20] =	ssyncset.done $0x0  }
0x19: {  	s28 =	simm.s32 $0x3100;
	[sflag:s20] =	ssyncadd.s32 $0xFFFFCF00  }
0x1a: {  	[tilespmem:s28], [sflag:$0x3] =	stream.linear.gather [hbm4b:s7+s4], $0x3100, $0x38;
	[tilespmem:$0xD200] =	vst v63  }
0x1b: {  	_ =	swait.ge [sflag:s20], $0x3100  }
0x1c: {  	[sflag:s20] =	ssyncset.done $0x0  }
0x1d: {  	[sflag:s20] =	ssyncadd.s32 $0xFFFFCF00  }
0x1e: {  	[tilespmem:s21], [sflag:$0x3] =	stream.linear.gather [hbm4b:s5+s4], $0x1000, $0x38;
	[tilespmem:$0xD200] =	vst v63  }
0x1f: {  	_ =	swait.ge [sflag:s20], $0x1000  }
0x20: {  	[sflag:s20] =	ssyncset.done $0x0  }
0x21: {  	[sflag:s20] =	ssyncadd.s32 $0xFFFFF000  }
0x22: {  	[spmem:s8] =	stream.linear.scatter [tilespmem:s21], [sflag:$0x3], $0x1000, $0x38;
	[tilespmem:$0xD200] =	vst v63  }
0x23: {  	_ =	swait.ge [sflag:s20], $0x1000  }
0x24: {  	[sflag:s20] =	ssyncset.done $0x0  }
0x25: {  	[sflag:s20] =	ssyncadd.s32 $0xFFFFF000  }
0x26: {  	[spmem:s9] =	stream.linear.scatter [tilespmem:s21], [sflag:$0x3], $0x1000, $0x38;
	[tilespmem:$0xD200] =	vst v63  }
0x27: {  	_ =	swait.ge [sflag:s20], $0x1000  }
0x28: {  	[sflag:s20] =	ssyncset.done $0x0  }
0x29: {  	[sflag:s20] =	ssyncadd.s32 $0xFFFFF000  }
0x2a: {  	[spmem:s10] =	stream.linear.scatter [tilespmem:s21], [sflag:$0x3], $0x1000, $0x38;
	[tilespmem:$0xD200] =	vst v63  }
0x2b: {  	_ =	swait.ge [sflag:s20], $0x1000  }
0x2c: {  	[sflag:s20] =	ssyncset.done $0x0  }
0x2d: {  	[sflag:s20] =	ssyncadd.s32 $0xFFFFF000  }
0x2e: {  	[spmem:s11] =	stream.linear.scatter [tilespmem:s21], [sflag:$0x3], $0x1000, $0x38;
	[tilespmem:$0xD200] =	vst v63  }
0x2f: {  	_ =	swait.ge [sflag:s20], $0x1000  }
0x30: {  	[sflag:s20] =	ssyncset.done $0x0  }
0x31: {  	[sflag:s20] =	ssyncadd.s32 $0xFFFFF000  }
0x32: {  	[spmem:s12] =	stream.linear.scatter [tilespmem:s21], [sflag:$0x3], $0x1000, $0x38;
	[tilespmem:$0xD200] =	vst v63  }
0x33: {  	_ =	swait.ge [sflag:s20], $0x1000  }
0x34: {  	[sflag:s20] =	ssyncset.done $0x0  }
0x35: {  	[sflag:s20] =	ssyncadd.s32 $0xFFFFF000  }
0x36: {  	[bflag:$0x0] =	sbarrier.arrive $0xFFFF  }
0x37: {  	[tilespmem:s21], [sflag:$0x1] =	stream.indirect.gather [hbm4b:s2+s22], $0x20, s4, s22, $0xb8;
	[tilespmem:$0xD200] =	vst v63  }
0x38: {  	s29 =	simm.s32 $0x80  }
0x39: {  	[tilespmem:s23], [sflag:$0x2] =	stream.indirect.gather [hbm4b:s2+s22], $0x20, s29, s22, $0xb8;
	[tilespmem:$0xD200] =	vst v63  }
0x3a: {  	_ =	swait.ge [sflag:s24], $0x1000  }
0x3b: {  	[sflag:s24] =	ssyncset.done $0x0  }
0x3c: {  	[sflag:s24] =	ssyncadd.s32 $0xFFFFF000  }
0x3d: {  	[spmem:s3] =	stream.indirect.scatter.add.f32 [tilespmem:s21], [sflag:$0x3], $0x20, s28, s22, $0xb8;
	[tilespmem:$0xD200] =	vst v63  }
0x3e: {  	_ =	swait.ge [sflag:s20], $0x1000  }
0x3f: {  	[sflag:s20] =	ssyncset.done $0x0  }
0x40: {  	[sflag:s20] =	ssyncadd.s32 $0xFFFFF000  }
0x41: {  	p0 =	sne.s32 s13, $0x1;
	_ =	swait.ge [sflag:s25], $0x1000  }
.Ltmp0:
0x42: {  	[sflag:s25] =	ssyncset.done $0x0;
	(pc) =	sbr.rel @!p0 .LBB2_3-.Ltmp0, $4  }
0x43: {  	s29 =	simm.s32 $0x3180;
	[sflag:s25] =	ssyncadd.s32 $0xFFFFF000  }
0x44: {  	[spmem:s3] =	stream.indirect.scatter.add.f32 [tilespmem:s23], [sflag:$0x3], $0x20, s29, s22, $0xb8;
	[tilespmem:$0xD200] =	vst v63  }
0x45: {  	_ =	swait.ge [sflag:s20], $0x1000  }
0x46: {  	s30 =	simm.s32 $0x0;
	s29 =	sadd.s32 $0xFFFFFFFF, s13;
	[sflag:s20] =	ssyncset.done $0x0  }
.LBB2_2:
0x47: {  	[sflag:s20] =	ssyncadd.s32 $0xFFFFF000;
	s30 =	sadd.s32 $0x100, s30;
	s28 =	sadd.s32 $0x100, s28  }
0x48: {  	[tilespmem:s21], [sflag:$0x1] =	stream.indirect.gather [hbm4b:s2+s22], $0x20, s30, s22, $0xb8;
	[tilespmem:$0xD200] =	vst v63  }
0x49: {  	p0 =	sne.s32 s29, $0x1;
	s29 =	sadd.s32 $0xFFFFFFFF, s29;
	s31 =	sadd.s32 $0x80, s30  }
0x4a: {  	[tilespmem:s23], [sflag:$0x2] =	stream.indirect.gather [hbm4b:s2+s22], $0x20, s31, s22, $0xb8;
	[tilespmem:$0xD200] =	vst v63  }
0x4b: {  	_ =	swait.ge [sflag:s24], $0x1000  }
0x4c: {  	[sflag:s24] =	ssyncset.done $0x0  }
0x4d: {  	[sflag:s24] =	ssyncadd.s32 $0xFFFFF000  }
0x4e: {  	[spmem:s3] =	stream.indirect.scatter.add.f32 [tilespmem:s21], [sflag:$0x3], $0x20, s28, s22, $0xb8;
	[tilespmem:$0xD200] =	vst v63  }
0x4f: {  	_ =	swait.ge [sflag:s20], $0x1000  }
0x50: {  	[sflag:s20] =	ssyncset.done $0x0  }
0x51: {  	[sflag:s20] =	ssyncadd.s32 $0xFFFFF000  }
0x52: {  	_ =	swait.ge [sflag:s25], $0x1000  }
.Ltmp1:
0x53: {  	[sflag:s25] =	ssyncset.done $0x0;
	(pc) =	sbr.rel @p0 .LBB2_2-.Ltmp1, $4  }
0x54: {  	s31 =	sadd.s32 $0x80, s28;
	[sflag:s25] =	ssyncadd.s32 $0xFFFFF000  }
0x55: {  	[spmem:s3] =	stream.indirect.scatter.add.f32 [tilespmem:s23], [sflag:$0x3], $0x20, s31, s22, $0xb8;
	[tilespmem:$0xD200] =	vst v63  }
0x56: {  	_ =	swait.ge [sflag:s20], $0x1000  }
0x57: {  	[sflag:s20] =	ssyncset.done $0x0  }
.LBB2_3:
0x58: {  	[sflag:s20] =	ssyncadd.s32 $0xFFFFF000  }
0x59: {  	[bflag:$0x0] =	sbarrier.arrive $0xFFFF  }
0x5a: {  	[tilespmem:s21], [sflag:$0x3] =	stream.linear.gather [spmem:s8], $0x1000, $0x38;
	[tilespmem:$0xD200] =	vst v63  }
0x5b: {  	_ =	swait.ge [sflag:s20], $0x1000  }
0x5c: {  	[sflag:s20] =	ssyncset.done $0x0  }
0x5d: {  	[sflag:s20] =	ssyncadd.s32 $0xFFFFF000  }
0x5e: {  	[hbm4b:s14+s4] =	stream.linear.scatter [tilespmem:s21], [sflag:$0x3], $0x1000, $0x38;
	[tilespmem:$0xD200] =	vst v63  }
0x5f: {  	_ =	swait.ge [sflag:s20], $0x1000  }
0x60: {  	[sflag:s20] =	ssyncset.done $0x0  }
0x61: {  	[sflag:s20] =	ssyncadd.s32 $0xFFFFF000  }
0x62: {  	[tilespmem:s21], [sflag:$0x3] =	stream.linear.gather [spmem:s9], $0x1000, $0x38;
	[tilespmem:$0xD200] =	vst v63  }
0x63: {  	_ =	swait.ge [sflag:s20], $0x1000  }
0x64: {  	[sflag:s20] =	ssyncset.done $0x0  }
0x65: {  	[sflag:s20] =	ssyncadd.s32 $0xFFFFF000  }
0x66: {  	[hbm4b:s15+s4] =	stream.linear.scatter [tilespmem:s21], [sflag:$0x3], $0x1000, $0x38;
	[tilespmem:$0xD200] =	vst v63  }
0x67: {  	_ =	swait.ge [sflag:s20], $0x1000  }
0x68: {  	[sflag:s20] =	ssyncset.done $0x0  }
0x69: {  	[sflag:s20] =	ssyncadd.s32 $0xFFFFF000  }
0x6a: {  	[tilespmem:s21], [sflag:$0x3] =	stream.linear.gather [spmem:s10], $0x1000, $0x38;
	[tilespmem:$0xD200] =	vst v63  }
0x6b: {  	_ =	swait.ge [sflag:s20], $0x1000  }
0x6c: {  	[sflag:s20] =	ssyncset.done $0x0  }
0x6d: {  	[sflag:s20] =	ssyncadd.s32 $0xFFFFF000  }
0x6e: {  	[hbm4b:s16+s4] =	stream.linear.scatter [tilespmem:s21], [sflag:$0x3], $0x1000, $0x38;
	[tilespmem:$0xD200] =	vst v63  }
0x6f: {  	_ =	swait.ge [sflag:s20], $0x1000  }
0x70: {  	[sflag:s20] =	ssyncset.done $0x0  }
0x71: {  	[sflag:s20] =	ssyncadd.s32 $0xFFFFF000  }
0x72: {  	[tilespmem:s21], [sflag:$0x3] =	stream.linear.gather [spmem:s11], $0x1000, $0x38;
	[tilespmem:$0xD200] =	vst v63  }
0x73: {  	_ =	swait.ge [sflag:s20], $0x1000  }
0x74: {  	[sflag:s20] =	ssyncset.done $0x0  }
0x75: {  	[sflag:s20] =	ssyncadd.s32 $0xFFFFF000  }
0x76: {  	[hbm4b:s17+s4] =	stream.linear.scatter [tilespmem:s21], [sflag:$0x3], $0x1000, $0x38;
	[tilespmem:$0xD200] =	vst v63  }
0x77: {  	_ =	swait.ge [sflag:s20], $0x1000  }
0x78: {  	[sflag:s20] =	ssyncset.done $0x0  }
0x79: {  	[sflag:s20] =	ssyncadd.s32 $0xFFFFF000  }
0x7a: {  	[tilespmem:s21], [sflag:$0x3] =	stream.linear.gather [spmem:s12], $0x1000, $0x38;
	[tilespmem:$0xD200] =	vst v63  }
0x7b: {  	s26 =	sadd.s32 $0x1, s26;
	_ =	swait.ge [sflag:s20], $0x1000  }
0x7c: {  	p0 =	sne.s32 s26, s19;
	[sflag:s20] =	ssyncset.done $0x0  }
.Ltmp2:
0x7d: {  	[sflag:s20] =	ssyncadd.s32 $0xFFFFF000;
	(pc) =	sbr.rel @p0 .LBB2_1-.Ltmp2, $4  }
0x7e: {  	[hbm4b:s18+s4] =	stream.linear.scatter [tilespmem:s21], [sflag:$0x3], $0x1000, $0x38;
	[tilespmem:$0xD200] =	vst v63  }
0x7f: {  	_ =	swait.ge [sflag:s20], $0x1000  }
0x80: {  	[sflag:s20] =	ssyncset.done $0x0  }
0x81: {  	[sflag:s20] =	ssyncadd.s32 $0xFFFFF000  }
0x82: {  	_ =	sfence.sel $0x180000  }
0x83: {  	[bflag:$0x0] =	sbarrier.arrive $0xFFFF  }
0x84: {  	p0 =	sne.s32 s0, $0x0;
	_ =	strace $0x9000004D  }
0x85: {  	s0 =	sadd.s32 @!p0 $0x100000, s1;
	[bflag:$0x2] =	sbarrier.arrive $0xFFFF  }
0x86: {  	[sflag:s0] =	ssyncadd.tile.s32 @!p0 $0x1;
	_ =	shalt  }
.Lfunc_end2:
_tile_overlayer_lowered:
.L_overlay_start_2:
0x87: {  	(tag) =	ssettag $0x2  }
0x88: {  	s0 =	rddreg [dreg:$0x0];
	s2 =	stileid.u32  }
0x89: {  	s1 =	rddreg [dreg:$0x1];
	p0 =	sne.s32 s2, $0x0  }
0x8a: {  	s3 =	rddreg [dreg:$0x2];
	[bflag:$0x3] =	sbarrier.arrive $0xFFFF;
	s2 =	simm.s32 @!p0 $0x1C03  }
0x8b: {  	[timem:s3], [sflag:s2] =	dma.local @!p0 [hbm:s0], s1  }
0x8c: {  	s0 =	simm.s32 @!p0 $0x3  }
0x8d: {  	_ =	swait.ge @!p0 [sflag:s0], s1  }
0x8e: {  	s1 =	ssub.s32 @!p0 $0x0, s1;
	[sflag:s0] =	ssyncset.done @!p0 $0x0  }
0x8f: {  	[sflag:s0] =	ssyncadd.s32 @!p0 s1  }
0x90: {  	[bflag:$0x3] =	sbarrier.arrive $0xFFFF  }
0x91: {  	_ =	shalt  }

// kernel: kernel.8.cloned.1.call-start
scs
__scs_entry_jumppad:
0x0: {  	(pc) =	sbr.rel $0x88, $3  }
0x1: {  	(tag) =	ssettag $0x0;
	lr =	simm.s32 $0x1  }
0x2: {  	[smem:$0x3F99] =	sst lr;
	_ =	strace $0xD0000000  }
0x3: {  	_ = 	snop  }
0x4: {  	_ = 	snop  }
0x5: {  	_ = 	snop  }
0x6: {  	_ = 	snop  }
0x7: {  	_ = 	snop  }
__scs_overlays_trampoline_lowered:
0x8: {  	[smem:$0x3FA8] =	sst s0  }
0x9: {  	[smem:$0x3FA9] =	sst s1  }
0xa: {  	[smem:$0x3FAA] =	sst s2  }
0xb: {  	[smem:$0x3FAB] =	sst s3  }
0xc: {  	[smem:$0x3FAC] =	sst s4  }
0xd: {  	[smem:$0x3FAD] =	sst s5  }
0xe: {  	[smem:$0x3FAE] =	sst s6  }
0xf: {  	[smem:$0x3FAF] =	sst s7  }
0x10: {  	[smem:$0x3FB0] =	sst s8  }
0x11: {  	[smem:$0x3FB1] =	sst s9;
	s0 =	simm.s32 @!p0 $0x0  }
0x12: {  	s1 =	sld [smem:$0x3F97];
	s0 =	simm.s32 @p0 $0x1  }
0x13: {  	[smem:$0x3FB2] =	sst s0;
	s0 =	simm.s32 @!p1 $0x0  }
0x14: {  	s2 =	sld [smem:$0x3F96];
	s0 =	simm.s32 @p1 $0x1  }
0x15: {  	[smem:$0x3FB3] =	sst s0;
	s0 =	simm.s32 @!p2 $0x0  }
0x16: {  	s3 =	sld [smem:$0x3FDB];
	s0 =	simm.s32 @p2 $0x1  }
0x17: {  	s4 =	simm.s32 $0x1BF5;
	[smem:$0x3FB5] =	sst s0  }
0x18: {  	s0 =	sld [smem:$0x3F98];
	_ =	swait.ge [sflag:s4], $0x0  }
0x19: {  	s7 =	sld [smem:$0x3F99]  }
0x1a: {  	s8 =	sadd.s32 $0xFFFFE003, lr  }
0x1b: {  	s9 =	sadd.s32 $0xFFFFFEF7, lr;
	s5 =	simm.s32 $0xFFFFFFFF;
	p2 =	slt.u32 s8, $0xFFFFF086  }
0x1c: {  	p1 =	slt.u32 s9, $0xF7A;
	s5 =	simm.s32 @!p2 $0x0  }
0x1d: {  	s5 =	simm.s32 @p1 $0x1;
	p0 =	seq.s32 s7, s2  }
0x1e: {  	s7 =	smul.u32 @!p0 $0xF7A, s2;
	p2 =	seq.s32 @!p0 s5, $0x0  }
0x1f: {  	s9 =	smul.u32 $0xF7A, s1;
	s8 =	simm.s32 @!p0 $0x1BF5;
	p2 =	por !p2, p0  }
0x20: {  	[sflag:s8] =	ssyncset.s32 @!p0 $0xFFFFF086;
	s6 =	sadd.s32 @!p0 s3, s7;
	s7 =	simm.s32 @!p0 $0x108  }
0x21: {  	s3 =	sadd.s32 s3, s9;
	s6 =	sadd.s32 @!p0 $0x88, s6;
	s7 =	simm.s32 @p2 $0x1082  }
0x22: {  	[simem:s7], [sflag:s8] =	dma.local @!p0 [hbm:s6], $0xF7A  }
0x23: {  	s9 =	sor.u32 $0xD0000000, s2;
	s6 =	simm.s32 $0x108;
	_ =	swait.ge @!p0 [sflag:s8], $0x0  }
0x24: {  	s3 =	sadd.s32 $0x88, s3;
	s6 =	simm.s32 @!p1 $0x1082;
	[sflag:s4] =	ssyncset.s32 $0xFFFFF086  }
0x25: {  	[simem:s6], [sflag:s4] =	dma.local [hbm:s3], $0xF7A  }
0x26: {  	[smem:$0x3F99] =	sst s1;
	(tag) =	ssettag s2;
	_ =	strace s9  }
0x27: {  	s1 =	sld [smem:$0x3FA9]  }
0x28: {  	s2 =	sld [smem:$0x3FAA]  }
0x29: {  	s4 =	sld [smem:$0x3FAC]  }
0x2a: {  	p0 =	seq.s32 s5, $0x0;
	s5 =	sld [smem:$0x3FAD]  }
0x2b: {  	s6 =	sld [smem:$0x3FAE]  }
0x2c: {  	s7 =	sld [smem:$0x3FAF]  }
0x2d: {  	s3 =	simm.s32 $0x108;
	s8 =	sld [smem:$0x3FB0]  }
0x2e: {  	s3 =	simm.s32 @!p0 $0x1082;
	s9 =	sld [smem:$0x3FB1]  }
0x2f: {  	lr =	sadd.s32 s0, s3;
	s0 =	sld [smem:$0x3FA8]  }
0x30: {  	s3 =	sld [smem:$0x3FAB]  }
0x31: {  	[smem:$0x3FB4] =	sst s10  }
0x32: {  	s10 =	sld [smem:$0x3FB2];
	_ =	sdelay $0x3  }
0x33: {  	p0 =	seq.s32 s10, $0x1;
	s10 =	sld [smem:$0x3FB4];
	_ =	sdelay $0x3  }
0x34: {  	[smem:$0x3FB4] =	sst s10  }
0x35: {  	s10 =	sld [smem:$0x3FB3];
	_ =	sdelay $0x3  }
0x36: {  	p1 =	seq.s32 s10, $0x1;
	s10 =	sld [smem:$0x3FB4];
	_ =	sdelay $0x3  }
0x37: {  	[smem:$0x3FB4] =	sst s10  }
0x38: {  	s10 =	sld [smem:$0x3FB5]  }
0x39: {  	_ = 	snop;
	(pc) =	sbr.ind lr, $3  }
0x3a: {  	_ = 	snop  }
0x3b: {  	_ = 	snop  }
0x3c: {  	p2 =	seq.s32 s10, $0x1;
	s10 =	sld [smem:$0x3FB4]  }
0x3d: {  	_ =	shalt  }
0x3e: {  	_ =	shalt  }
0x3f: {  	_ =	shalt  }
0x40: {  	_ =	shalt  }
0x41: {  	_ =	shalt  }
0x42: {  	_ =	shalt  }
0x43: {  	_ =	shalt  }
0x44: {  	_ =	shalt  }
0x45: {  	_ =	shalt  }
0x46: {  	_ =	shalt  }
0x47: {  	_ =	shalt  }
0x48: {  	_ =	shalt  }
0x49: {  	_ =	shalt  }
0x4a: {  	_ =	shalt  }
0x4b: {  	_ =	shalt  }
0x4c: {  	_ =	shalt  }
0x4d: {  	_ =	shalt  }
0x4e: {  	_ =	shalt  }
0x4f: {  	_ =	shalt  }
0x50: {  	_ =	shalt  }
0x51: {  	_ =	shalt  }
0x52: {  	_ =	shalt  }
0x53: {  	_ =	shalt  }
0x54: {  	_ =	shalt  }
0x55: {  	_ =	shalt  }
0x56: {  	_ =	shalt  }
0x57: {  	_ =	shalt  }
0x58: {  	_ =	shalt  }
0x59: {  	_ =	shalt  }
0x5a: {  	_ =	shalt  }
0x5b: {  	_ =	shalt  }
0x5c: {  	_ =	shalt  }
0x5d: {  	_ =	shalt  }
0x5e: {  	_ =	shalt  }
0x5f: {  	_ =	shalt  }
0x60: {  	_ =	shalt  }
0x61: {  	_ =	shalt  }
0x62: {  	_ =	shalt  }
0x63: {  	_ =	shalt  }
0x64: {  	_ =	shalt  }
0x65: {  	_ =	shalt  }
0x66: {  	_ =	shalt  }
0x67: {  	_ =	shalt  }
0x68: {  	_ =	shalt  }
0x69: {  	_ =	shalt  }
0x6a: {  	_ =	shalt  }
0x6b: {  	_ =	shalt  }
0x6c: {  	_ =	shalt  }
0x6d: {  	_ =	shalt  }
0x6e: {  	_ =	shalt  }
0x6f: {  	_ =	shalt  }
0x70: {  	_ =	shalt  }
0x71: {  	_ =	shalt  }
0x72: {  	_ =	shalt  }
0x73: {  	_ =	shalt  }
0x74: {  	_ =	shalt  }
0x75: {  	_ =	shalt  }
0x76: {  	_ =	shalt  }
0x77: {  	_ =	shalt  }
0x78: {  	_ =	shalt  }
0x79: {  	_ =	shalt  }
0x7a: {  	_ =	shalt  }
0x7b: {  	_ =	shalt  }
0x7c: {  	_ =	shalt  }
0x7d: {  	_ =	shalt  }
0x7e: {  	_ =	shalt  }
0x7f: {  	_ =	shalt  }
0x80: {  	_ =	shalt  }
0x81: {  	_ =	shalt  }
0x82: {  	_ =	shalt  }
0x83: {  	_ =	shalt  }
0x84: {  	_ =	shalt  }
0x85: {  	_ =	shalt  }
0x86: {  	_ =	shalt  }
0x87: {  	_ =	shalt  }
.Lfunc_end0:
.L_simem_size_0:
called_computation_lowered:
.L_overlay_start_0:
0x88: {  	s2 =	sld [smem:$0x3FD9]  }
0x89: {  	s3 =	sld [smem:$0x3FFE];
	_ =	sdelay $0x1  }
0x8a: {  	s1 =	srdreg.scid  }
0x8b: {  	s0 =	sand.u32 $0x1, s1  }
0x8c: {  	s17 =	sshll.u32 s0, $0xA;
	s2 =	sadd.s32 s3, s2  }
0x8d: {  	s2 =	sadd.s32 s2, s17  }
0x8e: {  	[smem:$0x3FC0] =	sst s2  }
0x8f: {  	_ = 	snop  }
0x90: {  	s2 =	sld [smem:$0x3FD0];
	(tm) =	ssettm $0x1  }
0x91: {  	s18 =	sld [smem:$0x3FFB];
	_ =	sdelay $0x3  }
0x92: {  	_ =	strace s18  }
0x93: {  	s3 =	sld [smem:$0x3FFC];
	_ =	sdelay $0x3  }
0x94: {  	_ =	strace s3  }
0x95: {  	s3 =	sld [smem:$0x3FFD];
	_ =	sdelay $0x3  }
0x96: {  	_ =	strace s3  }
0x97: {  	_ =	strace $0x8FFFFFFF  }
0x98: {  	s19 =	sld [smem:$0x3FDB];
	_ =	sdelay $0x1  }
0x99: {  	s4 =	simm.s32 $_scs_section_size  }
0x9a: {  	s5 =	simm.s32 $_size__tile_overlayer_lowered;
	s6 =	simm.s32 $_tile_overlayer_lowered  }
0x9b: {  	s22 =	simm.s32 $0x1BFF;
	s21 =	sshll.u32 s6, $0x1;
	s3 =	sadd.s32 s4, s19  }
0x9c: {  	s7 =	simm.s32 $0x0;
	s20 =	sshll.u32 s5, $0x1;
	s5 =	sadd.s32 s21, s3  }
0x9d: {  	[timem:s7], [sflag:s22] =	dma.local [hbm:s5], s20  }
0x9e: {  	_ =	swait.ge [sflag:s22], s20  }
0x9f: {  	s4 =	ssub.s32 $0x0, s20;
	[sflag:s22] =	ssyncset.done $0x0  }
0xa0: {  	[sflag:s22] =	ssyncadd.s32 s4;
	_ =	sdelay $0x1  }
0xa1: {  	s23 =	simm.s32 $0x1B8B  }
0xa2: {  	_ =	swait.ge [sflag:s23], $0x1  }
0xa3: {  	[sflag:s23] =	ssyncset.done $0x0  }
0xa4: {  	s25 =	simm.s32 $0x1B8E;
	s24 =	sld [smem:$0x3FFE];
	[sflag:s23] =	ssyncadd.s32 $0xFFFFFFFF  }
0xa5: {  	s26 =	simm.s32 $execute0_lowered;
	[smem:$0x3FD2] =	sst s25  }
0xa6: {  	s5 =	sshll.u32 s26, $0x1;
	_ =	strace $0x80000046;
	[dreg:$0x1] =	wrdreg $0xFFFFFFFF  }
0xa7: {  	s28 =	simm.s32 $_size_execute0_lowered;
	s3 =	sadd.s32 s3, s5;
	[dreg:$0x0] =	wrdreg $0x0  }
0xa8: {  	s5 =	sshll.u32 s28, $0x1;
	[dreg:$0x2] =	wrdreg s3  }
0xa9: {  	[dreg:$0x3] =	wrdreg s5  }
0xaa: {  	[dreg:$0x4] =	wrdreg $0xC0  }
0xab: {  	_ =	task [dreg:s7], $0x5FFFF  }
0xac: {  	[dreg:$0x1] =	wrdreg $0xFFFFFFFF  }
0xad: {  	[dreg:$0x0] =	wrdreg $0x60  }
0xae: {  	[dreg:$0x2] =	wrdreg s24  }
0xaf: {  	[dreg:$0x3] =	wrdreg s2  }
0xb0: {  	[dreg:$0x4] =	wrdreg $0x38000  }
0xb1: {  	[dreg:$0x5] =	wrdreg $0x9  }
0xb2: {  	_ =	task.clear_ibuf [dreg:s7], $0x6FFFF;
	_ =	strace $0x90000046  }
0xb3: {  	s29 =	simm.s32 $0x9;
	_ =	strace $0x80000048  }
0xb4: {  	_ =	swait.ge [sflag:s29], $0x1  }
0xb5: {  	[sflag:s29] =	ssyncadd.s32 $0xFFFFFFFF  }
0xb6: {  	_ =	strace $0x90000048  }
0xb7: {  	_ =	sfence  }
0xb8: {  	s30 =	sld [smem:$0x0];
	_ =	sdelay $0x2  }
0xb9: {  	s31 =	sshll.u32 s1, $0xD;
	s1 =	sshrl.u32 s1, $0x2  }
0xba: {  	s3 =	sand.u32 $0x4000, s31;
	s1 =	sadd.s32 s1, s30  }
0xbb: {  	s0 =	sor.u32 s3, s0;
	s1 =	sshll.u32 s1, $0x11  }
0xbc: {  	s0 =	sor.u32 s1, s0  }
0xbd: {  	s0 =	sadd.s32 $0x8F2B, s0  }
0xbe: {  	[sflag:s0] =	ssyncadd.remote.s32 $0x1  }
0xbf: {  	_ =	sfence.sel $0xFFFF  }
0xc0: {  	[dreg:$0x0] =	wrdreg $0xFFFFFFFF;
	(pc) =	sbr.abs _section_cstart, $3  }
0xc1: {  	[dreg:$0x1] =	wrdreg $0xFFFFFFFF  }
0xc2: {  	_ =	task.clear_ibuf [dreg:s7], $0x2FFFF;
	_ =	strace $0x9FFFFFFF  }
0xc3: {  	(tm) =	ssettm $0x7FFFFFFF  }
tec
execute0_lowered:
.L_overlay_start_1:
0x0: {  	(tag) =	ssettag $0x1  }
0x1: {  	s6 =	rddreg [dreg:$0x0]  }
0x2: {  	s17 =	rddreg [dreg:$0x1]  }
0x3: {  	s2 =	rddreg [dreg:$0x2];
	s0 =	stileid.u32  }
0x4: {  	s3 =	srdreg.scid;
	s1 =	rddreg [dreg:$0x3];
	s22 =	simm.s32 $0x80  }
0x5: {  	s23 =	simm.s32 $0x1;
	s24 =	simm.s32 $0x0;
	s4 =	smul.u32 $0x3E, s0  }
0x6: {  	s9 =	sand.u32 $0x1, s3;
	s5 =	smul.u32 $0x60, s0;
	s3 =	simm.s32 $0x0  }
0x7: {  	s12 =	smul.u32 $0x1400, s0;
	p0 =	seq.s32 s9, $0x0;
	[smem:$0x7FF] =	sst s3  }
0x8: {  	s8 =	ssub.s32 $0x2, s9;
	s19 =	smul.u32 $0x14000, s9;
	s4 =	sadd.s32 $0x600, s4  }
0x9: {  	_ =	strace $0x80000047;
	s10 =	sshrl.u32 s8, $0x1;
	s13 =	sadd.s32 $0x400, s12  }
0xa: {  	s15 =	sadd.s32 $0x800, s12;
	s16 =	sadd.s32 $0xC00, s12;
	s20 =	sadd.s32 $0x1000, s12  }
0xb: {  	s4 =	smov.u32 @p0 s5;
	s5 =	simm.s32 $0x60;
	s18 =	ssub.s32 s8, s10  }
0xc: {  	s8 =	sadd.s32 s12, s2;
	s9 =	sadd.s32 s13, s2;
	s10 =	sadd.s32 s15, s2  }
0xd: {  	s11 =	sadd.s32 s16, s2;
	s14 =	sadd.s32 s12, s19;
	s13 =	sadd.s32 s19, s13  }
0xe: {  	s12 =	sadd.s32 s20, s2;
	s15 =	sadd.s32 s19, s15;
	s16 =	sadd.s32 s19, s16  }
0xf: {  	s19 =	sadd.s32 s19, s20;
	s20 =	simm.s32 $0x3000;
	s4 =	sshll.u32 s4, $0x4  }
0x10: {  	s5 =	simm.s32 @!p0 $0x3E;
	s14 =	sshrl.u32 s14, $0x3;
	s21 =	sshrl.u32 s13, $0x3  }
0x11: {  	s15 =	sshrl.u32 s15, $0x3;
	s16 =	sshrl.u32 s16, $0x3;
	s19 =	sshrl.u32 s19, $0x3  }
0x12: {  	s18 =	smax.u32 s18, $0x1;
	s7 =	sadd.s32 s4, s6;
	s4 =	sadd.s32 $0xC200, s6  }
0x13: {  	s6 =	sadd.s32 $0xC000, s6;
	s13 =	sadd.s32 s17, s14;
	s14 =	sadd.s32 s17, s21  }
0x14: {  	s15 =	sadd.s32 s17, s15;
	s16 =	sadd.s32 s17, s16;
	s17 =	sadd.s32 s17, s19  }
0x15: {  	s19 =	simm.s32 $0x2;
	s21 =	simm.s32 $0x3400;
	s7 =	sadd.s32 $0x1E00, s7  }
.LBB2_1:
0x16: {  	[tilespmem:s3], [sflag:$0x2] =	stream.linear.gather [hbm4b:s7+s3], $0x3000, $0x38;
	[tilespmem:$0x4C00] =	vst v63  }
0x17: {  	_ =	swait.ge [sflag:s19], $0x3000  }
0x18: {  	[sflag:s19] =	ssyncset.done $0x0  }
0x19: {  	[sflag:s19] =	ssyncadd.s32 $0xFFFFD000  }
0x1a: {  	[tilespmem:s20], [sflag:$0x2] =	stream.linear.gather [hbm4b:s4+s3], $0x400, $0x38;
	[tilespmem:$0x4C00] =	vst v63  }
0x1b: {  	_ =	swait.ge [sflag:s19], $0x400  }
0x1c: {  	[sflag:s19] =	ssyncset.done $0x0  }
0x1d: {  	[sflag:s19] =	ssyncadd.s32 $0xFFFFFC00  }
0x1e: {  	[tilespmem:s21], [sflag:$0x2] =	stream.linear.gather [hbm4b:s6+s3], $0x400, $0x38;
	[tilespmem:$0x4C00] =	vst v63  }
0x1f: {  	_ =	swait.ge [sflag:s19], $0x400  }
0x20: {  	[sflag:s19] =	ssyncset.done $0x0  }
0x21: {  	[sflag:s19] =	ssyncadd.s32 $0xFFFFFC00  }
0x22: {  	[spmem:s8] =	stream.linear.scatter [tilespmem:s21], [sflag:$0x2], $0x400, $0x38;
	[tilespmem:$0x4C00] =	vst v63  }
0x23: {  	_ =	swait.ge [sflag:s19], $0x400  }
0x24: {  	[sflag:s19] =	ssyncset.done $0x0  }
0x25: {  	[sflag:s19] =	ssyncadd.s32 $0xFFFFFC00  }
0x26: {  	[spmem:s9] =	stream.linear.scatter [tilespmem:s21], [sflag:$0x2], $0x400, $0x38;
	[tilespmem:$0x4C00] =	vst v63  }
0x27: {  	_ =	swait.ge [sflag:s19], $0x400  }
0x28: {  	[sflag:s19] =	ssyncset.done $0x0  }
0x29: {  	[sflag:s19] =	ssyncadd.s32 $0xFFFFFC00  }
0x2a: {  	[spmem:s10] =	stream.linear.scatter [tilespmem:s21], [sflag:$0x2], $0x400, $0x38;
	[tilespmem:$0x4C00] =	vst v63  }
0x2b: {  	_ =	swait.ge [sflag:s19], $0x400  }
0x2c: {  	[sflag:s19] =	ssyncset.done $0x0  }
0x2d: {  	[sflag:s19] =	ssyncadd.s32 $0xFFFFFC00  }
0x2e: {  	[spmem:s11] =	stream.linear.scatter [tilespmem:s21], [sflag:$0x2], $0x400, $0x38;
	[tilespmem:$0x4C00] =	vst v63  }
0x2f: {  	_ =	swait.ge [sflag:s19], $0x400  }
0x30: {  	[sflag:s19] =	ssyncset.done $0x0  }
0x31: {  	p0 =	sne.s32 s5, $0x1;
	[sflag:s19] =	ssyncadd.s32 $0xFFFFFC00  }
0x32: {  	[spmem:s12] =	stream.linear.scatter [tilespmem:s21], [sflag:$0x2], $0x400, $0x38;
	[tilespmem:$0x4C00] =	vst v63  }
.Ltmp0:
0x33: {  	_ =	swait.ge [sflag:s19], $0x400;
	(pc) =	sbr.rel @!p0 .LBB2_3-.Ltmp0, $4  }
0x34: {  	[sflag:s19] =	ssyncset.done $0x0  }
0x35: {  	[sflag:s19] =	ssyncadd.s32 $0xFFFFFC00  }
0x36: {  	s25 =	sadd.s32 $0xFFFFFFFF, s5;
	s26 =	simm.s32 $0x0;
	[bflag:$0x0] =	sbarrier.arrive $0xFFFF  }
0x37: {  	[spmem:s2] =	stream.indirect.scatter.add.f32 [tilespmem:s20], [sflag:$0x1], $0x8, s3, s22, $0xb8;
	[tilespmem:$0x4C00] =	vst v63  }
.LBB2_2:
0x38: {  	p1 =	sne.s32 s25, $0x1  }
.Ltmp1:
0x39: {  	_ = 	snop;
	(pc) =	sbr.rel @p1 .LBB2_2-.Ltmp1, $3  }
0x3a: {  	_ = 	snop  }
0x3b: {  	s25 =	sadd.s32 $0xFFFFFFFF, s25;
	s26 =	sadd.s32 $0x80, s26;
	_ =	sdelay $0x1  }
0x3c: {  	[spmem:s2] =	stream.indirect.scatter.add.f32 [tilespmem:s20], [sflag:$0x1], $0x8, s26, s22, $0xb8;
	[tilespmem:$0x4C00] =	vst v63  }
.LBB2_3:
.Ltmp2:
0x3d: {  	(pc) =	sbr.rel @!p0 .LBB2_5-.Ltmp2, $3  }
0x3e: {  	_ =	sdelay $0x1  }
0x3f: {  	_ =	swait.ge [sflag:s23], $0x400  }
0x40: {  	s25 =	sadd.s32 $0xFFFFFFFF, s5;
	[sflag:s23] =	ssyncset.done $0x0  }
.LBB2_4:
0x41: {  	p0 =	sne.s32 s25, $0x1;
	s25 =	sadd.s32 $0xFFFFFFFF, s25;
	[sflag:s23] =	ssyncadd.s32 $0xFFFFFC00  }
.Ltmp3:
0x42: {  	(pc) =	sbr.rel @p0 .LBB2_4-.Ltmp3, $3  }
0x43: {  	_ =	sdelay $0x1  }
0x44: {  	_ =	swait.ge [sflag:s23], $0x400  }
0x45: {  	[sflag:s23] =	ssyncset.done $0x0  }
.LBB2_5:
0x46: {  	[sflag:s23] =	ssyncadd.s32 $0xFFFFFC00  }
0x47: {  	[bflag:$0x0] =	sbarrier.arrive $0xFFFF  }
0x48: {  	[tilespmem:s21], [sflag:$0x2] =	stream.linear.gather [spmem:s8], $0x400, $0x38;
	[tilespmem:$0x4C00] =	vst v63  }
0x49: {  	_ =	swait.ge [sflag:s19], $0x400  }
0x4a: {  	[sflag:s19] =	ssyncset.done $0x0  }
0x4b: {  	[sflag:s19] =	ssyncadd.s32 $0xFFFFFC00  }
0x4c: {  	[hbm4b:s13+s3] =	stream.linear.scatter [tilespmem:s21], [sflag:$0x2], $0x400, $0x38;
	[tilespmem:$0x4C00] =	vst v63  }
0x4d: {  	_ =	swait.ge [sflag:s19], $0x400  }
0x4e: {  	[sflag:s19] =	ssyncset.done $0x0  }
0x4f: {  	[sflag:s19] =	ssyncadd.s32 $0xFFFFFC00  }
0x50: {  	[tilespmem:s21], [sflag:$0x2] =	stream.linear.gather [spmem:s9], $0x400, $0x38;
	[tilespmem:$0x4C00] =	vst v63  }
0x51: {  	_ =	swait.ge [sflag:s19], $0x400  }
0x52: {  	[sflag:s19] =	ssyncset.done $0x0  }
0x53: {  	[sflag:s19] =	ssyncadd.s32 $0xFFFFFC00  }
0x54: {  	[hbm4b:s14+s3] =	stream.linear.scatter [tilespmem:s21], [sflag:$0x2], $0x400, $0x38;
	[tilespmem:$0x4C00] =	vst v63  }
0x55: {  	_ =	swait.ge [sflag:s19], $0x400  }
0x56: {  	[sflag:s19] =	ssyncset.done $0x0  }
0x57: {  	[sflag:s19] =	ssyncadd.s32 $0xFFFFFC00  }
0x58: {  	[tilespmem:s21], [sflag:$0x2] =	stream.linear.gather [spmem:s10], $0x400, $0x38;
	[tilespmem:$0x4C00] =	vst v63  }
0x59: {  	_ =	swait.ge [sflag:s19], $0x400  }
0x5a: {  	[sflag:s19] =	ssyncset.done $0x0  }
0x5b: {  	[sflag:s19] =	ssyncadd.s32 $0xFFFFFC00  }
0x5c: {  	[hbm4b:s15+s3] =	stream.linear.scatter [tilespmem:s21], [sflag:$0x2], $0x400, $0x38;
	[tilespmem:$0x4C00] =	vst v63  }
0x5d: {  	_ =	swait.ge [sflag:s19], $0x400  }
0x5e: {  	[sflag:s19] =	ssyncset.done $0x0  }
0x5f: {  	[sflag:s19] =	ssyncadd.s32 $0xFFFFFC00  }
0x60: {  	[tilespmem:s21], [sflag:$0x2] =	stream.linear.gather [spmem:s11], $0x400, $0x38;
	[tilespmem:$0x4C00] =	vst v63  }
0x61: {  	_ =	swait.ge [sflag:s19], $0x400  }
0x62: {  	[sflag:s19] =	ssyncset.done $0x0  }
0x63: {  	[sflag:s19] =	ssyncadd.s32 $0xFFFFFC00  }
0x64: {  	[hbm4b:s16+s3] =	stream.linear.scatter [tilespmem:s21], [sflag:$0x2], $0x400, $0x38;
	[tilespmem:$0x4C00] =	vst v63  }
0x65: {  	_ =	swait.ge [sflag:s19], $0x400  }
0x66: {  	[sflag:s19] =	ssyncset.done $0x0  }
0x67: {  	[sflag:s19] =	ssyncadd.s32 $0xFFFFFC00  }
0x68: {  	[tilespmem:s21], [sflag:$0x2] =	stream.linear.gather [spmem:s12], $0x400, $0x38;
	[tilespmem:$0x4C00] =	vst v63  }
0x69: {  	s24 =	sadd.s32 $0x1, s24;
	_ =	swait.ge [sflag:s19], $0x400  }
0x6a: {  	p0 =	sne.s32 s24, s18;
	[sflag:s19] =	ssyncset.done $0x0  }
.Ltmp4:
0x6b: {  	[sflag:s19] =	ssyncadd.s32 $0xFFFFFC00;
	(pc) =	sbr.rel @p0 .LBB2_1-.Ltmp4, $4  }
0x6c: {  	[hbm4b:s17+s3] =	stream.linear.scatter [tilespmem:s21], [sflag:$0x2], $0x400, $0x38;
	[tilespmem:$0x4C00] =	vst v63  }
0x6d: {  	_ =	swait.ge [sflag:s19], $0x400  }
0x6e: {  	[sflag:s19] =	ssyncset.done $0x0  }
0x6f: {  	[sflag:s19] =	ssyncadd.s32 $0xFFFFFC00  }
0x70: {  	_ =	sfence.sel $0x180000  }
0x71: {  	[bflag:$0x0] =	sbarrier.arrive $0xFFFF  }
0x72: {  	p0 =	sne.s32 s0, $0x0;
	_ =	strace $0x90000047  }
0x73: {  	s0 =	sadd.s32 @!p0 $0x100000, s1;
	[bflag:$0x2] =	sbarrier.arrive $0xFFFF  }
0x74: {  	[sflag:s0] =	ssyncadd.tile.s32 @!p0 $0x1;
	_ =	shalt  }
.Lfunc_end2:
_tile_overlayer_lowered:
.L_overlay_start_2:
0x75: {  	(tag) =	ssettag $0x2  }
0x76: {  	s0 =	rddreg [dreg:$0x0];
	s2 =	stileid.u32  }
0x77: {  	s1 =	rddreg [dreg:$0x1];
	p0 =	sne.s32 s2, $0x0  }
0x78: {  	s3 =	rddreg [dreg:$0x2];
	[bflag:$0x3] =	sbarrier.arrive $0xFFFF;
	s2 =	simm.s32 @!p0 $0x1C02  }
0x79: {  	[timem:s3], [sflag:s2] =	dma.local @!p0 [hbm:s0], s1  }
0x7a: {  	s0 =	simm.s32 @!p0 $0x2  }
0x7b: {  	_ =	swait.ge @!p0 [sflag:s0], s1  }
0x7c: {  	s1 =	ssub.s32 @!p0 $0x0, s1;
	[sflag:s0] =	ssyncset.done @!p0 $0x0  }
0x7d: {  	[sflag:s0] =	ssyncadd.s32 @!p0 s1  }
0x7e: {  	[bflag:$0x3] =	sbarrier.arrive $0xFFFF  }
0x7f: {  	_ =	shalt  }

</sc_bundles>
